<compile_context>
chip_gen: v7x
topology: tpu7x:2x2x1
jax: 0.10.2.dev20260603
libtpu: 0.0.44.dev20260713+nightly
codegen_flags: <defaults>
</compile_context>

<pallas_src>
import functools
import jax
import jax.numpy as jnp
from jax import lax
from jax.experimental import pallas as pl
from jax.experimental.pallas import tpu as pltpu
from jax.experimental.pallas import tpu_sc as plsc

EMBED_DIM = 128
SUB = 32
N_Y, N_M, N_D, N_H = 50, 12, 31, 24
N_YM = N_Y * N_M
N_DH = N_D * N_H

NW = 32
CHUNK = 128


def _band_dot(table, pw, f):
    return lax.dot_general(
        table,
        pw[:, f * SUB : (f + 1) * SUB],
        (((1,), (1,)), ((), ())),
        preferred_element_type=jnp.float32,
    )


def _pair_body(y_ref, m_ref, d_ref, h_ref, pw_ref, pb_ref, ym_ref, dh_ref):
    pw = pw_ref[...]
    yb = _band_dot(y_ref[...], pw, 0)
    mb = _band_dot(m_ref[...], pw, 1)
    db = _band_dot(d_ref[...], pw, 2)
    hb = _band_dot(h_ref[...], pw, 3)

    def expand(big, n_hi, n_lo, hi_band, lo_band):
        rows = lax.broadcasted_iota(jnp.int32, (big, n_hi), 0)
        cols = lax.broadcasted_iota(jnp.int32, (big, n_hi), 1)
        sel_hi = (rows // n_lo == cols).astype(jnp.float32)
        rows2 = lax.broadcasted_iota(jnp.int32, (big, n_lo), 0)
        cols2 = lax.broadcasted_iota(jnp.int32, (big, n_lo), 1)
        sel_lo = (rows2 % n_lo == cols2).astype(jnp.float32)
        return jnp.dot(sel_hi, hi_band, preferred_element_type=jnp.float32) + jnp.dot(
            sel_lo, lo_band, preferred_element_type=jnp.float32
        )

    rows = lax.broadcasted_iota(jnp.int32, (EMBED_DIM, EMBED_DIM // 2), 0)
    cols = lax.broadcasted_iota(jnp.int32, (EMBED_DIM, EMBED_DIM // 2), 1)
    grp = 32 * (cols // 16) + (cols % 16)
    pe = (rows == grp).astype(jnp.float32)
    po = (rows == grp + 16).astype(jnp.float32)

    def rbits(x):
        b = lax.bitcast_convert_type(x, jnp.int32)
        return (b + 0x7FFF + ((b >> 16) & 1)) & jnp.int32(-65536)

    def pack_tbl(true_tbl):
        lo = jnp.dot(true_tbl, pe, preferred_element_type=jnp.float32)
        hi = jnp.dot(true_tbl, po, preferred_element_type=jnp.float32)
        return lax.shift_right_logical(rbits(lo), 16) | rbits(hi)

    ym_ref[...] = pack_tbl(expand(N_YM, N_Y, N_M, yb, mb))
    dh_ref[...] = pack_tbl(expand(N_DH, N_D, N_H, db, hb) + pb_ref[...])


def _pair_tables(year_table, month_table, day_table, hour_table, proj_w, proj_b):
    full = lambda r, c: pl.BlockSpec((r, c), lambda: (0, 0))
    return pl.pallas_call(
        _pair_body,
        in_specs=[
            full(N_Y, SUB),
            full(N_M, SUB),
            full(N_D, SUB),
            full(N_H, SUB),
            full(EMBED_DIM, EMBED_DIM),
            full(1, EMBED_DIM),
        ],
        out_specs=[
            full(N_YM, EMBED_DIM // 2),
            full(N_DH, EMBED_DIM // 2),
        ],
        out_shape=[
            jax.ShapeDtypeStruct((N_YM, EMBED_DIM // 2), jnp.int32),
            jax.ShapeDtypeStruct((N_DH, EMBED_DIM // 2), jnp.int32),
        ],
    )(year_table, month_table, day_table, hour_table, proj_w,
      proj_b.reshape(1, EMBED_DIM))


def _sc_gather_sum(ym, dh, codes, B, b_per_w, n_chunks):
    mesh = plsc.VectorSubcoreMesh(core_axis_name="c", subcore_axis_name="s")
    chunk_w = CHUNK * EMBED_DIM

    @functools.partial(
        pl.kernel,
        mesh=mesh,
        compiler_params=pltpu.CompilerParams(use_tc_tiling_on_sc=False),
        out_type=jax.ShapeDtypeStruct((B, EMBED_DIM), jnp.float32),
        scratch_types=[
            pltpu.VMEM((2 * n_chunks, CHUNK), jnp.int32),
            pltpu.VMEM((b_per_w, EMBED_DIM // 2), jnp.int32),
            pltpu.VMEM((3, CHUNK, EMBED_DIM // 2), jnp.int32),
            pltpu.VMEM((2, CHUNK, EMBED_DIM), jnp.float32),
            pltpu.SemaphoreType.DMA,
            pltpu.SemaphoreType.DMA,
            pltpu.SemaphoreType.DMA,
        ],
    )
    def k(ym_hbm, dh_hbm, codes_hbm, out_hbm, idx_v, bufa, bufb, bufo, sema, semb, semo):
        wid = lax.axis_index("s") * 2 + lax.axis_index("c")
        base = wid * b_per_w
        pltpu.sync_copy(codes_hbm.at[0, wid], idx_v.at[pl.ds(0, n_chunks)])
        pltpu.sync_copy(
            codes_hbm.at[1, wid], idx_v.at[pl.ds(n_chunks, n_chunks)]
        )

        ym_copies = []
        for c in range(n_chunks):
            ym_copies.append(
                pltpu.async_copy(
                    ym_hbm.at[idx_v.at[c]],
                    bufa.at[pl.ds(c * CHUNK, CHUNK)],
                    sema,
                )
            )
        dh_copies = []
        for c in range(min(3, n_chunks)):
            dh_copies.append(
                pltpu.async_copy(dh_hbm.at[idx_v.at[n_chunks + c]], bufb.at[c], semb)
            )
        out_copies = []
        for c in range(n_chunks):
            bsel = c % 3
            osel = c % 2
            ym_copies[c].wait()
            dh_copies[c].wait()
            if c >= 2:
                out_copies[c - 2].wait()
            crow = c * CHUNK

            def add_body(r, _):
                mask = jnp.int32(-65536)
                for cc in range(4):
                    wa = bufa[crow + r, pl.ds(cc * 16, 16)]
                    wb = bufb[bsel, r, pl.ds(cc * 16, 16)]
                    lo = lax.bitcast_convert_type(
                        lax.shift_left(wa, 16), jnp.float32
                    ) + lax.bitcast_convert_type(lax.shift_left(wb, 16), jnp.float32)
                    hi = lax.bitcast_convert_type(
                        wa & mask, jnp.float32
                    ) + lax.bitcast_convert_type(wb & mask, jnp.float32)
                    bufo[osel, r, pl.ds(cc * 32, 16)] = lo
                    bufo[osel, r, pl.ds(cc * 32 + 16, 16)] = hi
                return 0

            lax.fori_loop(0, CHUNK, add_body, 0, unroll=2)
            if c + 3 < n_chunks:
                dh_copies.append(
                    pltpu.async_copy(
                        dh_hbm.at[idx_v.at[n_chunks + c + 3]],
                        bufb.at[bsel],
                        semb,
                    )
                )
            out_copies.append(
                pltpu.async_copy(
                    bufo.at[osel],
                    out_hbm.at[pl.ds(base + crow, CHUNK)],
                    semo,
                )
            )
        for oc in out_copies[max(0, n_chunks - 2):]:
            oc.wait()

    return k(ym, dh, codes)


def kernel(timestamps, year_table, month_table, day_table, hour_table, proj_w, proj_b):
    B = timestamps.shape[0]
    if timestamps.dtype != jnp.int32:
        timestamps = timestamps.astype(jnp.int32)
    b_per_w = B // NW
    n_chunks = b_per_w // CHUNK

    ym, dh = _pair_tables(
        year_table, month_table, day_table, hour_table, proj_w, proj_b
    )

    code_ym = timestamps[:, 0] * N_M + timestamps[:, 1]
    code_dh = timestamps[:, 2] * N_H + timestamps[:, 3]
    codes = jnp.stack([code_ym, code_dh]).reshape(2, NW, n_chunks, CHUNK)
    return _sc_gather_sum(ym, dh, codes, B, b_per_w, n_chunks)

# --- scband reference (transcript-rebuilt; emitter-appended) ---
"""Pipeline reference for scband-temporal-encoding-32126355374112 (READ-ONLY COPY).

The authoritative reference and input builder live on the scoring server;
editing this copy changes nothing except your own understanding.
"""

import jax, jax.numpy as jnp
import numpy as np

EMBED_DIM = 128
SUB = EMBED_DIM // 4
B = 16384

def setup_inputs(seed: int = 0) -> dict:
    key = jax.random.key(seed)
    k0, k1, k2, k3, k4, k5, k6 = jax.random.split(key, 7)
    timestamps = jax.random.randint(k0, (B, 4), 0, 12, dtype=jnp.int64)
    year_table = jax.random.normal(k1, (50, SUB), dtype=jnp.float32)
    month_table = jax.random.normal(k2, (12, SUB), dtype=jnp.float32)
    day_table = jax.random.normal(k3, (31, SUB), dtype=jnp.float32)
    hour_table = jax.random.normal(k4, (24, SUB), dtype=jnp.float32)
    proj_w = jax.random.normal(k5, (EMBED_DIM, EMBED_DIM), dtype=jnp.float32) * (1.0 / np.sqrt(EMBED_DIM))
    proj_b = jax.random.normal(k6, (EMBED_DIM,), dtype=jnp.float32) * 0.01
    return {
        "timestamps": timestamps,
        "year_table": year_table,
        "month_table": month_table,
        "day_table": day_table,
        "hour_table": hour_table,
        "proj_w": proj_w,
        "proj_b": proj_b,
    }

def reference(timestamps, year_table, month_table, day_table, hour_table, proj_w, proj_b):
    years = timestamps[:, 0]
    months = timestamps[:, 1]
    days = timestamps[:, 2]
    hours = timestamps[:, 3]
    year_emb = jnp.take(year_table, years, axis=0)
    month_emb = jnp.take(month_table, months, axis=0)
    day_emb = jnp.take(day_table, days, axis=0)
    hour_emb = jnp.take(hour_table, hours, axis=0)
    temporal_emb = jnp.concatenate([year_emb, month_emb, day_emb, hour_emb], axis=-1)
    return temporal_emb @ proj_w.T + proj_b

if __name__ == "__main__":
    import jax
    _d = setup_inputs()
    print(jax.jit(kernel)(*tuple(_d.values())))

</pallas_src>

<mosaic_0001>
#map = affine_map<(d0, d1) -> (0, 0)>
#map1 = affine_map<(d0, d1) -> (0, 0, 0, 0)>
module attributes {stable_mosaic.version = 14 : i64} {
  func.func @k(%arg0: i32, %arg1: i32, %arg2: memref<600x64xi32, #tpu.memory_space<hbm>>, %arg3: memref<744x64xi32, #tpu.memory_space<hbm>>, %arg4: memref<2x32x4x128xi32, #tpu.memory_space<hbm>>, %arg5: memref<16384x128xf32, #tpu.memory_space<hbm>>, %arg6: memref<8x128xi32, #tpu.memory_space<vmem>>, %arg7: memref<512x64xi32, #tpu.memory_space<vmem>>, %arg8: memref<3x128x64xi32, #tpu.memory_space<vmem>>, %arg9: memref<2x128x128xf32, #tpu.memory_space<vmem>>, %arg10: memref<!tpu.dma_semaphore, #tpu.memory_space<semaphore_mem>>, %arg11: memref<!tpu.dma_semaphore, #tpu.memory_space<semaphore_mem>>, %arg12: memref<!tpu.dma_semaphore, #tpu.memory_space<semaphore_mem>>) attributes {dimension_semantics = [#tpu.dimension_semantics<core_parallel>, #tpu.dimension_semantics<subcore_parallel>], iteration_bounds = array<i64: 2, 16>, scalar_prefetch = 0 : i64, scratch_operands = 7 : i64, tpu.core_type = #tpu.core_type<sc_vector_subcore>, window_params = [{transform_indices = #map}, {transform_indices = #map}, {transform_indices = #map1}, {transform_indices = #map}]} {
    %mul3A = arith.constant 2 : i32
    %mul3A_0 = arith.muli %arg1, %mul3A : i32
    %add3A = arith.addi %mul3A_0, %arg0 : i32
    %mul3A_1 = arith.constant 512 : i32
    %mul3A_2 = arith.muli %add3A, %mul3A_1 : i32
    %run_scoped3A = arith.constant 0 : i32
    "tpu.region"() ({
      %run_scoped3A_317 = tpu.sem_alloc : memref<!tpu.dma_semaphore, #tpu.memory_space<semaphore_mem>>
      %dma_start3A_318 = arith.constant 0 : i32
      %dma_start3A_319 = arith.constant 0 : i32
      %dma_start3A_320 = tpu.memref_slice %arg6[%dma_start3A_318, %dma_start3A_319] : memref<8x128xi32, #tpu.memory_space<vmem>> -> memref<4x128xi32, #tpu.memory_space<vmem>>
      %dma_start3A_321 = arith.constant 0 : i32
      %dma_start3A_322 = arith.constant 0 : i32
      %dma_start3A_323 = tpu.memref_slice %arg4[%run_scoped3A, %add3A, %dma_start3A_321, %dma_start3A_322] : memref<2x32x4x128xi32, #tpu.memory_space<hbm>> -> memref<1x1x4x128xi32, #tpu.memory_space<hbm>>
      %dma_start3A_324 = tpu.memref_squeeze %dma_start3A_323 : memref<1x1x4x128xi32, #tpu.memory_space<hbm>> -> memref<4x128xi32, #tpu.memory_space<hbm>>
      %dma_start3A_325 = arith.constant 0 : i32
      %dma_start3A_326 = arith.constant 0 : i32
      %dma_start3A_327 = tpu.memref_slice %arg6[%dma_start3A_325, %dma_start3A_326] : memref<8x128xi32, #tpu.memory_space<vmem>> -> memref<4x128xi32, #tpu.memory_space<vmem>>
      %dma_start3A_328 = arith.constant 0 : i32
      %dma_start3A_329 = arith.constant 0 : i32
      %dma_start3A_330 = tpu.memref_slice %arg4[%run_scoped3A, %add3A, %dma_start3A_328, %dma_start3A_329] : memref<2x32x4x128xi32, #tpu.memory_space<hbm>> -> memref<1x1x4x128xi32, #tpu.memory_space<hbm>>
      %dma_start3A_331 = tpu.memref_squeeze %dma_start3A_330 : memref<1x1x4x128xi32, #tpu.memory_space<hbm>> -> memref<4x128xi32, #tpu.memory_space<hbm>>
      tpu.enqueue_dma source(%dma_start3A_331 : memref<4x128xi32, #tpu.memory_space<hbm>>) target(%dma_start3A_327 : memref<4x128xi32, #tpu.memory_space<vmem>>) target_semaphore(%run_scoped3A_317 : memref<!tpu.dma_semaphore, #tpu.memory_space<semaphore_mem>>)
      %dma_wait3A_332 = arith.constant 0 : i32
      %dma_wait3A_333 = arith.constant 0 : i32
      %dma_wait3A_334 = tpu.memref_slice %arg6[%dma_wait3A_332, %dma_wait3A_333] : memref<8x128xi32, #tpu.memory_space<vmem>> -> memref<4x128xi32, #tpu.memory_space<vmem>>
      %dma_wait3A_335 = arith.constant 0 : i32
      %dma_wait3A_336 = arith.constant 0 : i32
      %dma_wait3A_337 = tpu.memref_slice %arg4[%run_scoped3A, %add3A, %dma_wait3A_335, %dma_wait3A_336] : memref<2x32x4x128xi32, #tpu.memory_space<hbm>> -> memref<1x1x4x128xi32, #tpu.memory_space<hbm>>
      %dma_wait3A_338 = tpu.memref_squeeze %dma_wait3A_337 : memref<1x1x4x128xi32, #tpu.memory_space<hbm>> -> memref<4x128xi32, #tpu.memory_space<hbm>>
      %dma_wait3A_339 = arith.constant 0 : i32
      %dma_wait3A_340 = arith.constant 0 : i32
      %dma_wait3A_341 = tpu.memref_slice %arg6[%dma_wait3A_339, %dma_wait3A_340] : memref<8x128xi32, #tpu.memory_space<vmem>> -> memref<4x128xi32, #tpu.memory_space<vmem>>
      %dma_wait3A_342 = arith.constant 0 : i32
      %dma_wait3A_343 = arith.constant 0 : i32
      %dma_wait3A_344 = tpu.memref_slice %arg4[%run_scoped3A, %add3A, %dma_wait3A_342, %dma_wait3A_343] : memref<2x32x4x128xi32, #tpu.memory_space<hbm>> -> memref<1x1x4x128xi32, #tpu.memory_space<hbm>>
      %dma_wait3A_345 = tpu.memref_squeeze %dma_wait3A_344 : memref<1x1x4x128xi32, #tpu.memory_space<hbm>> -> memref<4x128xi32, #tpu.memory_space<hbm>>
      tpu.wait_dma2 semaphore(%run_scoped3A_317 : memref<!tpu.dma_semaphore, #tpu.memory_space<semaphore_mem>>) src(%dma_wait3A_345 : memref<4x128xi32, #tpu.memory_space<hbm>>) dst(%dma_wait3A_341 : memref<4x128xi32, #tpu.memory_space<vmem>>)
      tpu.yield
    }) : () -> ()
    %run_scoped3A_3 = arith.constant 1 : i32
    "tpu.region"() ({
      %run_scoped3A_317 = tpu.sem_alloc : memref<!tpu.dma_semaphore, #tpu.memory_space<semaphore_mem>>
      %dma_start3A_318 = arith.constant 4 : i32
      %dma_start3A_319 = arith.constant 0 : i32
      %dma_start3A_320 = tpu.memref_slice %arg6[%dma_start3A_318, %dma_start3A_319] : memref<8x128xi32, #tpu.memory_space<vmem>> -> memref<4x128xi32, #tpu.memory_space<vmem>>
      %dma_start3A_321 = arith.constant 0 : i32
      %dma_start3A_322 = arith.constant 0 : i32
      %dma_start3A_323 = tpu.memref_slice %arg4[%run_scoped3A_3, %add3A, %dma_start3A_321, %dma_start3A_322] : memref<2x32x4x128xi32, #tpu.memory_space<hbm>> -> memref<1x1x4x128xi32, #tpu.memory_space<hbm>>
      %dma_start3A_324 = tpu.memref_squeeze %dma_start3A_323 : memref<1x1x4x128xi32, #tpu.memory_space<hbm>> -> memref<4x128xi32, #tpu.memory_space<hbm>>
      %dma_start3A_325 = arith.constant 4 : i32
      %dma_start3A_326 = arith.constant 0 : i32
      %dma_start3A_327 = tpu.memref_slice %arg6[%dma_start3A_325, %dma_start3A_326] : memref<8x128xi32, #tpu.memory_space<vmem>> -> memref<4x128xi32, #tpu.memory_space<vmem>>
      %dma_start3A_328 = arith.constant 0 : i32
      %dma_start3A_329 = arith.constant 0 : i32
      %dma_start3A_330 = tpu.memref_slice %arg4[%run_scoped3A_3, %add3A, %dma_start3A_328, %dma_start3A_329] : memref<2x32x4x128xi32, #tpu.memory_space<hbm>> -> memref<1x1x4x128xi32, #tpu.memory_space<hbm>>
      %dma_start3A_331 = tpu.memref_squeeze %dma_start3A_330 : memref<1x1x4x128xi32, #tpu.memory_space<hbm>> -> memref<4x128xi32, #tpu.memory_space<hbm>>
      tpu.enqueue_dma source(%dma_start3A_331 : memref<4x128xi32, #tpu.memory_space<hbm>>) target(%dma_start3A_327 : memref<4x128xi32, #tpu.memory_space<vmem>>) target_semaphore(%run_scoped3A_317 : memref<!tpu.dma_semaphore, #tpu.memory_space<semaphore_mem>>)
      %dma_wait3A_332 = arith.constant 4 : i32
      %dma_wait3A_333 = arith.constant 0 : i32
      %dma_wait3A_334 = tpu.memref_slice %arg6[%dma_wait3A_332, %dma_wait3A_333] : memref<8x128xi32, #tpu.memory_space<vmem>> -> memref<4x128xi32, #tpu.memory_space<vmem>>
      %dma_wait3A_335 = arith.constant 0 : i32
      %dma_wait3A_336 = arith.constant 0 : i32
      %dma_wait3A_337 = tpu.memref_slice %arg4[%run_scoped3A_3, %add3A, %dma_wait3A_335, %dma_wait3A_336] : memref<2x32x4x128xi32, #tpu.memory_space<hbm>> -> memref<1x1x4x128xi32, #tpu.memory_space<hbm>>
      %dma_wait3A_338 = tpu.memref_squeeze %dma_wait3A_337 : memref<1x1x4x128xi32, #tpu.memory_space<hbm>> -> memref<4x128xi32, #tpu.memory_space<hbm>>
      %dma_wait3A_339 = arith.constant 4 : i32
      %dma_wait3A_340 = arith.constant 0 : i32
      %dma_wait3A_341 = tpu.memref_slice %arg6[%dma_wait3A_339, %dma_wait3A_340] : memref<8x128xi32, #tpu.memory_space<vmem>> -> memref<4x128xi32, #tpu.memory_space<vmem>>
      %dma_wait3A_342 = arith.constant 0 : i32
      %dma_wait3A_343 = arith.constant 0 : i32
      %dma_wait3A_344 = tpu.memref_slice %arg4[%run_scoped3A_3, %add3A, %dma_wait3A_342, %dma_wait3A_343] : memref<2x32x4x128xi32, #tpu.memory_space<hbm>> -> memref<1x1x4x128xi32, #tpu.memory_space<hbm>>
      %dma_wait3A_345 = tpu.memref_squeeze %dma_wait3A_344 : memref<1x1x4x128xi32, #tpu.memory_space<hbm>> -> memref<4x128xi32, #tpu.memory_space<hbm>>
      tpu.wait_dma2 semaphore(%run_scoped3A_317 : memref<!tpu.dma_semaphore, #tpu.memory_space<semaphore_mem>>) src(%dma_wait3A_345 : memref<4x128xi32, #tpu.memory_space<hbm>>) dst(%dma_wait3A_341 : memref<4x128xi32, #tpu.memory_space<vmem>>)
      tpu.yield
    }) : () -> ()
    %dma_start3A = arith.constant 0 : i32
    %dma_start3A_4 = arith.constant 0 : i32
    %dma_start3A_5 = arith.constant 0 : i32
    %dma_start3A_6 = tpu.memref_slice %arg7[%dma_start3A_4, %dma_start3A_5] : memref<512x64xi32, #tpu.memory_space<vmem>> -> memref<128x64xi32, #tpu.memory_space<vmem>>
    %dma_start3A_7 = arith.constant 0 : i32
    %dma_start3A_8 = tpu.memref_slice %arg6[%dma_start3A, %dma_start3A_7] : memref<8x128xi32, #tpu.memory_space<vmem>> -> memref<1x128xi32, #tpu.memory_space<vmem>>
    %dma_start3A_9 = tpu.memref_squeeze %dma_start3A_8 : memref<1x128xi32, #tpu.memory_space<vmem>> -> memref<128xi32, #tpu.memory_space<vmem>>
    %dma_start3A_10 = arith.constant 0 : i32
    %dma_start3A_11 = arith.constant 0 : i32
    %dma_start3A_12 = tpu.memref_slice %arg2[%dma_start3A_10, %dma_start3A_11] : memref<600x64xi32, #tpu.memory_space<hbm>> -> memref<600x64xi32, #tpu.memory_space<hbm>>
    tpu.enqueue_indirect_dma source(%dma_start3A_12 : memref<600x64xi32, #tpu.memory_space<hbm>>) target(%dma_start3A_6 : memref<128x64xi32, #tpu.memory_space<vmem>>) offsets(%dma_start3A_9 : memref<128xi32, #tpu.memory_space<vmem>>) semaphore(%arg10 : memref<!tpu.dma_semaphore, #tpu.memory_space<semaphore_mem>>)
    %dma_start3A_13 = arith.constant 1 : i32
    %dma_start3A_14 = arith.constant 128 : i32
    %dma_start3A_15 = arith.constant 0 : i32
    %dma_start3A_16 = tpu.memref_slice %arg7[%dma_start3A_14, %dma_start3A_15] : memref<512x64xi32, #tpu.memory_space<vmem>> -> memref<128x64xi32, #tpu.memory_space<vmem>>
    %dma_start3A_17 = arith.constant 0 : i32
    %dma_start3A_18 = tpu.memref_slice %arg6[%dma_start3A_13, %dma_start3A_17] : memref<8x128xi32, #tpu.memory_space<vmem>> -> memref<1x128xi32, #tpu.memory_space<vmem>>
    %dma_start3A_19 = tpu.memref_squeeze %dma_start3A_18 : memref<1x128xi32, #tpu.memory_space<vmem>> -> memref<128xi32, #tpu.memory_space<vmem>>
    %dma_start3A_20 = arith.constant 0 : i32
    %dma_start3A_21 = arith.constant 0 : i32
    %dma_start3A_22 = tpu.memref_slice %arg2[%dma_start3A_20, %dma_start3A_21] : memref<600x64xi32, #tpu.memory_space<hbm>> -> memref<600x64xi32, #tpu.memory_space<hbm>>
    tpu.enqueue_indirect_dma source(%dma_start3A_22 : memref<600x64xi32, #tpu.memory_space<hbm>>) target(%dma_start3A_16 : memref<128x64xi32, #tpu.memory_space<vmem>>) offsets(%dma_start3A_19 : memref<128xi32, #tpu.memory_space<vmem>>) semaphore(%arg10 : memref<!tpu.dma_semaphore, #tpu.memory_space<semaphore_mem>>)
    %dma_start3A_23 = arith.constant 2 : i32
    %dma_start3A_24 = arith.constant 256 : i32
    %dma_start3A_25 = arith.constant 0 : i32
    %dma_start3A_26 = tpu.memref_slice %arg7[%dma_start3A_24, %dma_start3A_25] : memref<512x64xi32, #tpu.memory_space<vmem>> -> memref<128x64xi32, #tpu.memory_space<vmem>>
    %dma_start3A_27 = arith.constant 0 : i32
    %dma_start3A_28 = tpu.memref_slice %arg6[%dma_start3A_23, %dma_start3A_27] : memref<8x128xi32, #tpu.memory_space<vmem>> -> memref<1x128xi32, #tpu.memory_space<vmem>>
    %dma_start3A_29 = tpu.memref_squeeze %dma_start3A_28 : memref<1x128xi32, #tpu.memory_space<vmem>> -> memref<128xi32, #tpu.memory_space<vmem>>
    %dma_start3A_30 = arith.constant 0 : i32
    %dma_start3A_31 = arith.constant 0 : i32
    %dma_start3A_32 = tpu.memref_slice %arg2[%dma_start3A_30, %dma_start3A_31] : memref<600x64xi32, #tpu.memory_space<hbm>> -> memref<600x64xi32, #tpu.memory_space<hbm>>
    tpu.enqueue_indirect_dma source(%dma_start3A_32 : memref<600x64xi32, #tpu.memory_space<hbm>>) target(%dma_start3A_26 : memref<128x64xi32, #tpu.memory_space<vmem>>) offsets(%dma_start3A_29 : memref<128xi32, #tpu.memory_space<vmem>>) semaphore(%arg10 : memref<!tpu.dma_semaphore, #tpu.memory_space<semaphore_mem>>)
    %dma_start3A_33 = arith.constant 3 : i32
    %dma_start3A_34 = arith.constant 384 : i32
    %dma_start3A_35 = arith.constant 0 : i32
    %dma_start3A_36 = tpu.memref_slice %arg7[%dma_start3A_34, %dma_start3A_35] : memref<512x64xi32, #tpu.memory_space<vmem>> -> memref<128x64xi32, #tpu.memory_space<vmem>>
    %dma_start3A_37 = arith.constant 0 : i32
    %dma_start3A_38 = tpu.memref_slice %arg6[%dma_start3A_33, %dma_start3A_37] : memref<8x128xi32, #tpu.memory_space<vmem>> -> memref<1x128xi32, #tpu.memory_space<vmem>>
    %dma_start3A_39 = tpu.memref_squeeze %dma_start3A_38 : memref<1x128xi32, #tpu.memory_space<vmem>> -> memref<128xi32, #tpu.memory_space<vmem>>
    %dma_start3A_40 = arith.constant 0 : i32
    %dma_start3A_41 = arith.constant 0 : i32
    %dma_start3A_42 = tpu.memref_slice %arg2[%dma_start3A_40, %dma_start3A_41] : memref<600x64xi32, #tpu.memory_space<hbm>> -> memref<600x64xi32, #tpu.memory_space<hbm>>
    tpu.enqueue_indirect_dma source(%dma_start3A_42 : memref<600x64xi32, #tpu.memory_space<hbm>>) target(%dma_start3A_36 : memref<128x64xi32, #tpu.memory_space<vmem>>) offsets(%dma_start3A_39 : memref<128xi32, #tpu.memory_space<vmem>>) semaphore(%arg10 : memref<!tpu.dma_semaphore, #tpu.memory_space<semaphore_mem>>)
    %dma_start3A_43 = arith.constant 4 : i32
    %dma_start3A_44 = arith.constant 0 : i32
    %dma_start3A_45 = arith.constant 0 : i32
    %dma_start3A_46 = arith.constant 0 : i32
    %dma_start3A_47 = tpu.memref_slice %arg8[%dma_start3A_44, %dma_start3A_45, %dma_start3A_46] : memref<3x128x64xi32, #tpu.memory_space<vmem>> -> memref<1x128x64xi32, #tpu.memory_space<vmem>>
    %dma_start3A_48 = tpu.memref_squeeze %dma_start3A_47 : memref<1x128x64xi32, #tpu.memory_space<vmem>> -> memref<128x64xi32, #tpu.memory_space<vmem>>
    %dma_start3A_49 = arith.constant 0 : i32
    %dma_start3A_50 = tpu.memref_slice %arg6[%dma_start3A_43, %dma_start3A_49] : memref<8x128xi32, #tpu.memory_space<vmem>> -> memref<1x128xi32, #tpu.memory_space<vmem>>
    %dma_start3A_51 = tpu.memref_squeeze %dma_start3A_50 : memref<1x128xi32, #tpu.memory_space<vmem>> -> memref<128xi32, #tpu.memory_space<vmem>>
    %dma_start3A_52 = arith.constant 0 : i32
    %dma_start3A_53 = arith.constant 0 : i32
    %dma_start3A_54 = tpu.memref_slice %arg3[%dma_start3A_52, %dma_start3A_53] : memref<744x64xi32, #tpu.memory_space<hbm>> -> memref<744x64xi32, #tpu.memory_space<hbm>>
    tpu.enqueue_indirect_dma source(%dma_start3A_54 : memref<744x64xi32, #tpu.memory_space<hbm>>) target(%dma_start3A_48 : memref<128x64xi32, #tpu.memory_space<vmem>>) offsets(%dma_start3A_51 : memref<128xi32, #tpu.memory_space<vmem>>) semaphore(%arg11 : memref<!tpu.dma_semaphore, #tpu.memory_space<semaphore_mem>>)
    %dma_start3A_55 = arith.constant 5 : i32
    %dma_start3A_56 = arith.constant 1 : i32
    %dma_start3A_57 = arith.constant 0 : i32
    %dma_start3A_58 = arith.constant 0 : i32
    %dma_start3A_59 = tpu.memref_slice %arg8[%dma_start3A_56, %dma_start3A_57, %dma_start3A_58] : memref<3x128x64xi32, #tpu.memory_space<vmem>> -> memref<1x128x64xi32, #tpu.memory_space<vmem>>
    %dma_start3A_60 = tpu.memref_squeeze %dma_start3A_59 : memref<1x128x64xi32, #tpu.memory_space<vmem>> -> memref<128x64xi32, #tpu.memory_space<vmem>>
    %dma_start3A_61 = arith.constant 0 : i32
    %dma_start3A_62 = tpu.memref_slice %arg6[%dma_start3A_55, %dma_start3A_61] : memref<8x128xi32, #tpu.memory_space<vmem>> -> memref<1x128xi32, #tpu.memory_space<vmem>>
    %dma_start3A_63 = tpu.memref_squeeze %dma_start3A_62 : memref<1x128xi32, #tpu.memory_space<vmem>> -> memref<128xi32, #tpu.memory_space<vmem>>
    %dma_start3A_64 = arith.constant 0 : i32
    %dma_start3A_65 = arith.constant 0 : i32
    %dma_start3A_66 = tpu.memref_slice %arg3[%dma_start3A_64, %dma_start3A_65] : memref<744x64xi32, #tpu.memory_space<hbm>> -> memref<744x64xi32, #tpu.memory_space<hbm>>
    tpu.enqueue_indirect_dma source(%dma_start3A_66 : memref<744x64xi32, #tpu.memory_space<hbm>>) target(%dma_start3A_60 : memref<128x64xi32, #tpu.memory_space<vmem>>) offsets(%dma_start3A_63 : memref<128xi32, #tpu.memory_space<vmem>>) semaphore(%arg11 : memref<!tpu.dma_semaphore, #tpu.memory_space<semaphore_mem>>)
    %dma_start3A_67 = arith.constant 6 : i32
    %dma_start3A_68 = arith.constant 2 : i32
    %dma_start3A_69 = arith.constant 0 : i32
    %dma_start3A_70 = arith.constant 0 : i32
    %dma_start3A_71 = tpu.memref_slice %arg8[%dma_start3A_68, %dma_start3A_69, %dma_start3A_70] : memref<3x128x64xi32, #tpu.memory_space<vmem>> -> memref<1x128x64xi32, #tpu.memory_space<vmem>>
    %dma_start3A_72 = tpu.memref_squeeze %dma_start3A_71 : memref<1x128x64xi32, #tpu.memory_space<vmem>> -> memref<128x64xi32, #tpu.memory_space<vmem>>
    %dma_start3A_73 = arith.constant 0 : i32
    %dma_start3A_74 = tpu.memref_slice %arg6[%dma_start3A_67, %dma_start3A_73] : memref<8x128xi32, #tpu.memory_space<vmem>> -> memref<1x128xi32, #tpu.memory_space<vmem>>
    %dma_start3A_75 = tpu.memref_squeeze %dma_start3A_74 : memref<1x128xi32, #tpu.memory_space<vmem>> -> memref<128xi32, #tpu.memory_space<vmem>>
    %dma_start3A_76 = arith.constant 0 : i32
    %dma_start3A_77 = arith.constant 0 : i32
    %dma_start3A_78 = tpu.memref_slice %arg3[%dma_start3A_76, %dma_start3A_77] : memref<744x64xi32, #tpu.memory_space<hbm>> -> memref<744x64xi32, #tpu.memory_space<hbm>>
    tpu.enqueue_indirect_dma source(%dma_start3A_78 : memref<744x64xi32, #tpu.memory_space<hbm>>) target(%dma_start3A_72 : memref<128x64xi32, #tpu.memory_space<vmem>>) offsets(%dma_start3A_75 : memref<128xi32, #tpu.memory_space<vmem>>) semaphore(%arg11 : memref<!tpu.dma_semaphore, #tpu.memory_space<semaphore_mem>>)
    %dma_wait3A = arith.constant 0 : i32
    %dma_wait3A_79 = arith.constant 0 : i32
    %dma_wait3A_80 = arith.constant 0 : i32
    %dma_wait3A_81 = tpu.memref_slice %arg7[%dma_wait3A_79, %dma_wait3A_80] : memref<512x64xi32, #tpu.memory_space<vmem>> -> memref<128x64xi32, #tpu.memory_space<vmem>>
    %dma_wait3A_82 = arith.constant 0 : i32
    %dma_wait3A_83 = tpu.memref_slice %arg6[%dma_wait3A, %dma_wait3A_82] : memref<8x128xi32, #tpu.memory_space<vmem>> -> memref<1x128xi32, #tpu.memory_space<vmem>>
    %dma_wait3A_84 = tpu.memref_squeeze %dma_wait3A_83 : memref<1x128xi32, #tpu.memory_space<vmem>> -> memref<128xi32, #tpu.memory_space<vmem>>
    %dma_wait3A_85 = arith.constant 0 : i32
    %dma_wait3A_86 = arith.constant 0 : i32
    %dma_wait3A_87 = tpu.memref_slice %arg2[%dma_wait3A_85, %dma_wait3A_86] : memref<600x64xi32, #tpu.memory_space<hbm>> -> memref<600x64xi32, #tpu.memory_space<hbm>>
    tpu.wait_indirect_dma semaphore(%arg10 : memref<!tpu.dma_semaphore, #tpu.memory_space<semaphore_mem>>) src(%dma_wait3A_87 : memref<600x64xi32, #tpu.memory_space<hbm>>) dst(%dma_wait3A_81 : memref<128x64xi32, #tpu.memory_space<vmem>>)
    %dma_wait3A_88 = arith.constant 4 : i32
    %dma_wait3A_89 = arith.constant 0 : i32
    %dma_wait3A_90 = arith.constant 0 : i32
    %dma_wait3A_91 = arith.constant 0 : i32
    %dma_wait3A_92 = tpu.memref_slice %arg8[%dma_wait3A_89, %dma_wait3A_90, %dma_wait3A_91] : memref<3x128x64xi32, #tpu.memory_space<vmem>> -> memref<1x128x64xi32, #tpu.memory_space<vmem>>
    %dma_wait3A_93 = tpu.memref_squeeze %dma_wait3A_92 : memref<1x128x64xi32, #tpu.memory_space<vmem>> -> memref<128x64xi32, #tpu.memory_space<vmem>>
    %dma_wait3A_94 = arith.constant 0 : i32
    %dma_wait3A_95 = tpu.memref_slice %arg6[%dma_wait3A_88, %dma_wait3A_94] : memref<8x128xi32, #tpu.memory_space<vmem>> -> memref<1x128xi32, #tpu.memory_space<vmem>>
    %dma_wait3A_96 = tpu.memref_squeeze %dma_wait3A_95 : memref<1x128xi32, #tpu.memory_space<vmem>> -> memref<128xi32, #tpu.memory_space<vmem>>
    %dma_wait3A_97 = arith.constant 0 : i32
    %dma_wait3A_98 = arith.constant 0 : i32
    %dma_wait3A_99 = tpu.memref_slice %arg3[%dma_wait3A_97, %dma_wait3A_98] : memref<744x64xi32, #tpu.memory_space<hbm>> -> memref<744x64xi32, #tpu.memory_space<hbm>>
    tpu.wait_indirect_dma semaphore(%arg11 : memref<!tpu.dma_semaphore, #tpu.memory_space<semaphore_mem>>) src(%dma_wait3A_99 : memref<744x64xi32, #tpu.memory_space<hbm>>) dst(%dma_wait3A_93 : memref<128x64xi32, #tpu.memory_space<vmem>>)
    %scan3A = arith.constant 0 : i32
    %scan3A_100 = arith.constant 0 : i32
    %scan3A_101 = arith.constant 128 : i32
    %scan3A_102 = arith.addi %scan3A_100, %scan3A_101 : i32
    %scan3A_103 = arith.constant 2 : i32
    %scan3A_104 = scf.for %scan3A_317 = %scan3A_100 to %scan3A_102 step %scan3A_103 iter_args(%scan3A_318 = %scan3A) -> (i32)  : i32 {
      %add3A_319 = arith.constant 0 : i32
      %add3A_320 = arith.addi %add3A_319, %scan3A_317 : i32
      %get3A = arith.index_cast %add3A_320 : i32 to index
      %get3A_321 = arith.constant 0 : index
      %get3A_322 = tpu.vector_load %arg7[%get3A, %get3A_321] {strides = array<i32>} : memref<512x64xi32, #tpu.memory_space<vmem>>, vector<1x16xi32>,
      %get3A_323 = vector.shape_cast %get3A_322 : vector<1x16xi32> to vector<16xi32>
      %get3A_324 = arith.constant 0 : i32
      %get3A_325 = arith.index_cast %get3A_324 : i32 to index
      %get3A_326 = arith.index_cast %scan3A_317 : i32 to index
      %get3A_327 = arith.constant 0 : index
      %get3A_328 = tpu.vector_load %arg8[%get3A_325, %get3A_326, %get3A_327] {strides = array<i32>} : memref<3x128x64xi32, #tpu.memory_space<vmem>>, vector<1x1x16xi32>,
      %get3A_329 = vector.shape_cast %get3A_328 : vector<1x1x16xi32> to vector<16xi32>
      %shift_left3A = arith.constant 16 : i32
      %shift_left3A_330 = vector.broadcast %shift_left3A : i32 to vector<16xi32>
      %shift_left3A_331 = arith.shli %get3A_323, %shift_left3A_330 : vector<16xi32>
      %bitcast_convert_type3A = tpu.bitcast %shift_left3A_331 : vector<16xi32> -> vector<16xf32>
      %shift_left3A_332 = arith.constant 16 : i32
      %shift_left3A_333 = vector.broadcast %shift_left3A_332 : i32 to vector<16xi32>
      %shift_left3A_334 = arith.shli %get3A_329, %shift_left3A_333 : vector<16xi32>
      %bitcast_convert_type3A_335 = tpu.bitcast %shift_left3A_334 : vector<16xi32> -> vector<16xf32>
      %add3A_336 = arith.addf %bitcast_convert_type3A, %bitcast_convert_type3A_335 : vector<16xf32>
      %and3A = arith.constant -65536 : i32
      %and3A_337 = vector.broadcast %and3A : i32 to vector<16xi32>
      %and3A_338 = arith.andi %get3A_323, %and3A_337 : vector<16xi32>
      %bitcast_convert_type3A_339 = tpu.bitcast %and3A_338 : vector<16xi32> -> vector<16xf32>
      %and3A_340 = arith.constant -65536 : i32
      %and3A_341 = vector.broadcast %and3A_340 : i32 to vector<16xi32>
      %and3A_342 = arith.andi %get3A_329, %and3A_341 : vector<16xi32>
      %bitcast_convert_type3A_343 = tpu.bitcast %and3A_342 : vector<16xi32> -> vector<16xf32>
      %add3A_344 = arith.addf %bitcast_convert_type3A_339, %bitcast_convert_type3A_343 : vector<16xf32>
      %swap3A = arith.constant 0 : i32
      %swap3A_345 = arith.index_cast %swap3A : i32 to index
      %swap3A_346 = arith.index_cast %scan3A_317 : i32 to index
      %swap3A_347 = arith.constant 0 : index
      %swap3A_348 = tpu.vector_load %arg9[%swap3A_345, %swap3A_346, %swap3A_347] {strides = array<i32>} : memref<2x128x128xf32, #tpu.memory_space<vmem>>, vector<1x1x16xf32>,
      %swap3A_349 = vector.shape_cast %swap3A_348 : vector<1x1x16xf32> to vector<16xf32>
      %swap3A_350 = vector.shape_cast %add3A_336 : vector<16xf32> to vector<1x1x16xf32>
      tpu.vector_store %arg9[%swap3A_345, %swap3A_346, %swap3A_347], %swap3A_350 {strides = array<i32>} : memref<2x128x128xf32, #tpu.memory_space<vmem>>, vector<1x1x16xf32>,
      %swap3A_351 = arith.constant 0 : i32
      %swap3A_352 = arith.index_cast %swap3A_351 : i32 to index
      %swap3A_353 = arith.index_cast %scan3A_317 : i32 to index
      %swap3A_354 = arith.constant 16 : index
      %swap3A_355 = tpu.vector_load %arg9[%swap3A_352, %swap3A_353, %swap3A_354] {strides = array<i32>} : memref<2x128x128xf32, #tpu.memory_space<vmem>>, vector<1x1x16xf32>,
      %swap3A_356 = vector.shape_cast %swap3A_355 : vector<1x1x16xf32> to vector<16xf32>
      %swap3A_357 = vector.shape_cast %add3A_344 : vector<16xf32> to vector<1x1x16xf32>
      tpu.vector_store %arg9[%swap3A_352, %swap3A_353, %swap3A_354], %swap3A_357 {strides = array<i32>} : memref<2x128x128xf32, #tpu.memory_space<vmem>>, vector<1x1x16xf32>,
      %add3A_358 = arith.constant 0 : i32
      %add3A_359 = arith.addi %add3A_358, %scan3A_317 : i32
      %get3A_360 = arith.index_cast %add3A_359 : i32 to index
      %get3A_361 = arith.constant 16 : index
      %get3A_362 = tpu.vector_load %arg7[%get3A_360, %get3A_361] {strides = array<i32>} : memref<512x64xi32, #tpu.memory_space<vmem>>, vector<1x16xi32>,
      %get3A_363 = vector.shape_cast %get3A_362 : vector<1x16xi32> to vector<16xi32>
      %get3A_364 = arith.constant 0 : i32
      %get3A_365 = arith.index_cast %get3A_364 : i32 to index
      %get3A_366 = arith.index_cast %scan3A_317 : i32 to index
      %get3A_367 = arith.constant 16 : index
      %get3A_368 = tpu.vector_load %arg8[%get3A_365, %get3A_366, %get3A_367] {strides = array<i32>} : memref<3x128x64xi32, #tpu.memory_space<vmem>>, vector<1x1x16xi32>,
      %get3A_369 = vector.shape_cast %get3A_368 : vector<1x1x16xi32> to vector<16xi32>
      %shift_left3A_370 = arith.constant 16 : i32
      %shift_left3A_371 = vector.broadcast %shift_left3A_370 : i32 to vector<16xi32>
      %shift_left3A_372 = arith.shli %get3A_363, %shift_left3A_371 : vector<16xi32>
      %bitcast_convert_type3A_373 = tpu.bitcast %shift_left3A_372 : vector<16xi32> -> vector<16xf32>
      %shift_left3A_374 = arith.constant 16 : i32
      %shift_left3A_375 = vector.broadcast %shift_left3A_374 : i32 to vector<16xi32>
      %shift_left3A_376 = arith.shli %get3A_369, %shift_left3A_375 : vector<16xi32>
      %bitcast_convert_type3A_377 = tpu.bitcast %shift_left3A_376 : vector<16xi32> -> vector<16xf32>
      %add3A_378 = arith.addf %bitcast_convert_type3A_373, %bitcast_convert_type3A_377 : vector<16xf32>
      %and3A_379 = arith.constant -65536 : i32
      %and3A_380 = vector.broadcast %and3A_379 : i32 to vector<16xi32>
      %and3A_381 = arith.andi %get3A_363, %and3A_380 : vector<16xi32>
      %bitcast_convert_type3A_382 = tpu.bitcast %and3A_381 : vector<16xi32> -> vector<16xf32>
      %and3A_383 = arith.constant -65536 : i32
      %and3A_384 = vector.broadcast %and3A_383 : i32 to vector<16xi32>
      %and3A_385 = arith.andi %get3A_369, %and3A_384 : vector<16xi32>
      %bitcast_convert_type3A_386 = tpu.bitcast %and3A_385 : vector<16xi32> -> vector<16xf32>
      %add3A_387 = arith.addf %bitcast_convert_type3A_382, %bitcast_convert_type3A_386 : vector<16xf32>
      %swap3A_388 = arith.constant 0 : i32
      %swap3A_389 = arith.index_cast %swap3A_388 : i32 to index
      %swap3A_390 = arith.index_cast %scan3A_317 : i32 to index
      %swap3A_391 = arith.constant 32 : index
      %swap3A_392 = tpu.vector_load %arg9[%swap3A_389, %swap3A_390, %swap3A_391] {strides = array<i32>} : memref<2x128x128xf32, #tpu.memory_space<vmem>>, vector<1x1x16xf32>,
      %swap3A_393 = vector.shape_cast %swap3A_392 : vector<1x1x16xf32> to vector<16xf32>
      %swap3A_394 = vector.shape_cast %add3A_378 : vector<16xf32> to vector<1x1x16xf32>
      tpu.vector_store %arg9[%swap3A_389, %swap3A_390, %swap3A_391], %swap3A_394 {strides = array<i32>} : memref<2x128x128xf32, #tpu.memory_space<vmem>>, vector<1x1x16xf32>,
      %swap3A_395 = arith.constant 0 : i32
      %swap3A_396 = arith.index_cast %swap3A_395 : i32 to index
      %swap3A_397 = arith.index_cast %scan3A_317 : i32 to index
      %swap3A_398 = arith.constant 48 : index
      %swap3A_399 = tpu.vector_load %arg9[%swap3A_396, %swap3A_397, %swap3A_398] {strides = array<i32>} : memref<2x128x128xf32, #tpu.memory_space<vmem>>, vector<1x1x16xf32>,
      %swap3A_400 = vector.shape_cast %swap3A_399 : vector<1x1x16xf32> to vector<16xf32>
      %swap3A_401 = vector.shape_cast %add3A_387 : vector<16xf32> to vector<1x1x16xf32>
      tpu.vector_store %arg9[%swap3A_396, %swap3A_397, %swap3A_398], %swap3A_401 {strides = array<i32>} : memref<2x128x128xf32, #tpu.memory_space<vmem>>, vector<1x1x16xf32>,
      %add3A_402 = arith.constant 0 : i32
      %add3A_403 = arith.addi %add3A_402, %scan3A_317 : i32
      %get3A_404 = arith.index_cast %add3A_403 : i32 to index
      %get3A_405 = arith.constant 32 : index
      %get3A_406 = tpu.vector_load %arg7[%get3A_404, %get3A_405] {strides = array<i32>} : memref<512x64xi32, #tpu.memory_space<vmem>>, vector<1x16xi32>,
      %get3A_407 = vector.shape_cast %get3A_406 : vector<1x16xi32> to vector<16xi32>
      %get3A_408 = arith.constant 0 : i32
      %get3A_409 = arith.index_cast %get3A_408 : i32 to index
      %get3A_410 = arith.index_cast %scan3A_317 : i32 to index
      %get3A_411 = arith.constant 32 : index
      %get3A_412 = tpu.vector_load %arg8[%get3A_409, %get3A_410, %get3A_411] {strides = array<i32>} : memref<3x128x64xi32, #tpu.memory_space<vmem>>, vector<1x1x16xi32>,
      %get3A_413 = vector.shape_cast %get3A_412 : vector<1x1x16xi32> to vector<16xi32>
      %shift_left3A_414 = arith.constant 16 : i32
      %shift_left3A_415 = vector.broadcast %shift_left3A_414 : i32 to vector<16xi32>
      %shift_left3A_416 = arith.shli %get3A_407, %shift_left3A_415 : vector<16xi32>
      %bitcast_convert_type3A_417 = tpu.bitcast %shift_left3A_416 : vector<16xi32> -> vector<16xf32>
      %shift_left3A_418 = arith.constant 16 : i32
      %shift_left3A_419 = vector.broadcast %shift_left3A_418 : i32 to vector<16xi32>
      %shift_left3A_420 = arith.shli %get3A_413, %shift_left3A_419 : vector<16xi32>
      %bitcast_convert_type3A_421 = tpu.bitcast %shift_left3A_420 : vector<16xi32> -> vector<16xf32>
      %add3A_422 = arith.addf %bitcast_convert_type3A_417, %bitcast_convert_type3A_421 : vector<16xf32>
      %and3A_423 = arith.constant -65536 : i32
      %and3A_424 = vector.broadcast %and3A_423 : i32 to vector<16xi32>
      %and3A_425 = arith.andi %get3A_407, %and3A_424 : vector<16xi32>
      %bitcast_convert_type3A_426 = tpu.bitcast %and3A_425 : vector<16xi32> -> vector<16xf32>
      %and3A_427 = arith.constant -65536 : i32
      %and3A_428 = vector.broadcast %and3A_427 : i32 to vector<16xi32>
      %and3A_429 = arith.andi %get3A_413, %and3A_428 : vector<16xi32>
      %bitcast_convert_type3A_430 = tpu.bitcast %and3A_429 : vector<16xi32> -> vector<16xf32>
      %add3A_431 = arith.addf %bitcast_convert_type3A_426, %bitcast_convert_type3A_430 : vector<16xf32>
      %swap3A_432 = arith.constant 0 : i32
      %swap3A_433 = arith.index_cast %swap3A_432 : i32 to index
      %swap3A_434 = arith.index_cast %scan3A_317 : i32 to index
      %swap3A_435 = arith.constant 64 : index
      %swap3A_436 = tpu.vector_load %arg9[%swap3A_433, %swap3A_434, %swap3A_435] {strides = array<i32>} : memref<2x128x128xf32, #tpu.memory_space<vmem>>, vector<1x1x16xf32>,
      %swap3A_437 = vector.shape_cast %swap3A_436 : vector<1x1x16xf32> to vector<16xf32>
      %swap3A_438 = vector.shape_cast %add3A_422 : vector<16xf32> to vector<1x1x16xf32>
      tpu.vector_store %arg9[%swap3A_433, %swap3A_434, %swap3A_435], %swap3A_438 {strides = array<i32>} : memref<2x128x128xf32, #tpu.memory_space<vmem>>, vector<1x1x16xf32>,
      %swap3A_439 = arith.constant 0 : i32
      %swap3A_440 = arith.index_cast %swap3A_439 : i32 to index
      %swap3A_441 = arith.index_cast %scan3A_317 : i32 to index
      %swap3A_442 = arith.constant 80 : index
      %swap3A_443 = tpu.vector_load %arg9[%swap3A_440, %swap3A_441, %swap3A_442] {strides = array<i32>} : memref<2x128x128xf32, #tpu.memory_space<vmem>>, vector<1x1x16xf32>,
      %swap3A_444 = vector.shape_cast %swap3A_443 : vector<1x1x16xf32> to vector<16xf32>
      %swap3A_445 = vector.shape_cast %add3A_431 : vector<16xf32> to vector<1x1x16xf32>
      tpu.vector_store %arg9[%swap3A_440, %swap3A_441, %swap3A_442], %swap3A_445 {strides = array<i32>} : memref<2x128x128xf32, #tpu.memory_space<vmem>>, vector<1x1x16xf32>,
      %add3A_446 = arith.constant 0 : i32
      %add3A_447 = arith.addi %add3A_446, %scan3A_317 : i32
      %get3A_448 = arith.index_cast %add3A_447 : i32 to index
      %get3A_449 = arith.constant 48 : index
      %get3A_450 = tpu.vector_load %arg7[%get3A_448, %get3A_449] {strides = array<i32>} : memref<512x64xi32, #tpu.memory_space<vmem>>, vector<1x16xi32>,
      %get3A_451 = vector.shape_cast %get3A_450 : vector<1x16xi32> to vector<16xi32>
      %get3A_452 = arith.constant 0 : i32
      %get3A_453 = arith.index_cast %get3A_452 : i32 to index
      %get3A_454 = arith.index_cast %scan3A_317 : i32 to index
      %get3A_455 = arith.constant 48 : index
      %get3A_456 = tpu.vector_load %arg8[%get3A_453, %get3A_454, %get3A_455] {strides = array<i32>} : memref<3x128x64xi32, #tpu.memory_space<vmem>>, vector<1x1x16xi32>,
      %get3A_457 = vector.shape_cast %get3A_456 : vector<1x1x16xi32> to vector<16xi32>
      %shift_left3A_458 = arith.constant 16 : i32
      %shift_left3A_459 = vector.broadcast %shift_left3A_458 : i32 to vector<16xi32>
      %shift_left3A_460 = arith.shli %get3A_451, %shift_left3A_459 : vector<16xi32>
      %bitcast_convert_type3A_461 = tpu.bitcast %shift_left3A_460 : vector<16xi32> -> vector<16xf32>
      %shift_left3A_462 = arith.constant 16 : i32
      %shift_left3A_463 = vector.broadcast %shift_left3A_462 : i32 to vector<16xi32>
      %shift_left3A_464 = arith.shli %get3A_457, %shift_left3A_463 : vector<16xi32>
      %bitcast_convert_type3A_465 = tpu.bitcast %shift_left3A_464 : vector<16xi32> -> vector<16xf32>
      %add3A_466 = arith.addf %bitcast_convert_type3A_461, %bitcast_convert_type3A_465 : vector<16xf32>
      %and3A_467 = arith.constant -65536 : i32
      %and3A_468 = vector.broadcast %and3A_467 : i32 to vector<16xi32>
      %and3A_469 = arith.andi %get3A_451, %and3A_468 : vector<16xi32>
      %bitcast_convert_type3A_470 = tpu.bitcast %and3A_469 : vector<16xi32> -> vector<16xf32>
      %and3A_471 = arith.constant -65536 : i32
      %and3A_472 = vector.broadcast %and3A_471 : i32 to vector<16xi32>
      %and3A_473 = arith.andi %get3A_457, %and3A_472 : vector<16xi32>
      %bitcast_convert_type3A_474 = tpu.bitcast %and3A_473 : vector<16xi32> -> vector<16xf32>
      %add3A_475 = arith.addf %bitcast_convert_type3A_470, %bitcast_convert_type3A_474 : vector<16xf32>
      %swap3A_476 = arith.constant 0 : i32
      %swap3A_477 = arith.index_cast %swap3A_476 : i32 to index
      %swap3A_478 = arith.index_cast %scan3A_317 : i32 to index
      %swap3A_479 = arith.constant 96 : index
      %swap3A_480 = tpu.vector_load %arg9[%swap3A_477, %swap3A_478, %swap3A_479] {strides = array<i32>} : memref<2x128x128xf32, #tpu.memory_space<vmem>>, vector<1x1x16xf32>,
      %swap3A_481 = vector.shape_cast %swap3A_480 : vector<1x1x16xf32> to vector<16xf32>
      %swap3A_482 = vector.shape_cast %add3A_466 : vector<16xf32> to vector<1x1x16xf32>
      tpu.vector_store %arg9[%swap3A_477, %swap3A_478, %swap3A_479], %swap3A_482 {strides = array<i32>} : memref<2x128x128xf32, #tpu.memory_space<vmem>>, vector<1x1x16xf32>,
      %swap3A_483 = arith.constant 0 : i32
      %swap3A_484 = arith.index_cast %swap3A_483 : i32 to index
      %swap3A_485 = arith.index_cast %scan3A_317 : i32 to index
      %swap3A_486 = arith.constant 112 : index
      %swap3A_487 = tpu.vector_load %arg9[%swap3A_484, %swap3A_485, %swap3A_486] {strides = array<i32>} : memref<2x128x128xf32, #tpu.memory_space<vmem>>, vector<1x1x16xf32>,
      %swap3A_488 = vector.shape_cast %swap3A_487 : vector<1x1x16xf32> to vector<16xf32>
      %swap3A_489 = vector.shape_cast %add3A_475 : vector<16xf32> to vector<1x1x16xf32>
      tpu.vector_store %arg9[%swap3A_484, %swap3A_485, %swap3A_486], %swap3A_489 {strides = array<i32>} : memref<2x128x128xf32, #tpu.memory_space<vmem>>, vector<1x1x16xf32>,
      %scan3A_490 = arith.constant 0 : i32
      %scan3A_491 = arith.constant 1 : i32
      %scan3A_492 = arith.addi %scan3A_317, %scan3A_491 : i32
      %add3A_493 = arith.constant 0 : i32
      %add3A_494 = arith.addi %add3A_493, %scan3A_492 : i32
      %get3A_495 = arith.index_cast %add3A_494 : i32 to index
      %get3A_496 = arith.constant 0 : index
      %get3A_497 = tpu.vector_load %arg7[%get3A_495, %get3A_496] {strides = array<i32>} : memref<512x64xi32, #tpu.memory_space<vmem>>, vector<1x16xi32>,
      %get3A_498 = vector.shape_cast %get3A_497 : vector<1x16xi32> to vector<16xi32>
      %get3A_499 = arith.constant 0 : i32
      %get3A_500 = arith.index_cast %get3A_499 : i32 to index
      %get3A_501 = arith.index_cast %scan3A_492 : i32 to index
      %get3A_502 = arith.constant 0 : index
      %get3A_503 = tpu.vector_load %arg8[%get3A_500, %get3A_501, %get3A_502] {strides = array<i32>} : memref<3x128x64xi32, #tpu.memory_space<vmem>>, vector<1x1x16xi32>,
      %get3A_504 = vector.shape_cast %get3A_503 : vector<1x1x16xi32> to vector<16xi32>
      %shift_left3A_505 = arith.constant 16 : i32
      %shift_left3A_506 = vector.broadcast %shift_left3A_505 : i32 to vector<16xi32>
      %shift_left3A_507 = arith.shli %get3A_498, %shift_left3A_506 : vector<16xi32>
      %bitcast_convert_type3A_508 = tpu.bitcast %shift_left3A_507 : vector<16xi32> -> vector<16xf32>
      %shift_left3A_509 = arith.constant 16 : i32
      %shift_left3A_510 = vector.broadcast %shift_left3A_509 : i32 to vector<16xi32>
      %shift_left3A_511 = arith.shli %get3A_504, %shift_left3A_510 : vector<16xi32>
      %bitcast_convert_type3A_512 = tpu.bitcast %shift_left3A_511 : vector<16xi32> -> vector<16xf32>
      %add3A_513 = arith.addf %bitcast_convert_type3A_508, %bitcast_convert_type3A_512 : vector<16xf32>
      %and3A_514 = arith.constant -65536 : i32
      %and3A_515 = vector.broadcast %and3A_514 : i32 to vector<16xi32>
      %and3A_516 = arith.andi %get3A_498, %and3A_515 : vector<16xi32>
      %bitcast_convert_type3A_517 = tpu.bitcast %and3A_516 : vector<16xi32> -> vector<16xf32>
      %and3A_518 = arith.constant -65536 : i32
      %and3A_519 = vector.broadcast %and3A_518 : i32 to vector<16xi32>
      %and3A_520 = arith.andi %get3A_504, %and3A_519 : vector<16xi32>
      %bitcast_convert_type3A_521 = tpu.bitcast %and3A_520 : vector<16xi32> -> vector<16xf32>
      %add3A_522 = arith.addf %bitcast_convert_type3A_517, %bitcast_convert_type3A_521 : vector<16xf32>
      %swap3A_523 = arith.constant 0 : i32
      %swap3A_524 = arith.index_cast %swap3A_523 : i32 to index
      %swap3A_525 = arith.index_cast %scan3A_492 : i32 to index
      %swap3A_526 = arith.constant 0 : index
      %swap3A_527 = tpu.vector_load %arg9[%swap3A_524, %swap3A_525, %swap3A_526] {strides = array<i32>} : memref<2x128x128xf32, #tpu.memory_space<vmem>>, vector<1x1x16xf32>,
      %swap3A_528 = vector.shape_cast %swap3A_527 : vector<1x1x16xf32> to vector<16xf32>
      %swap3A_529 = vector.shape_cast %add3A_513 : vector<16xf32> to vector<1x1x16xf32>
      tpu.vector_store %arg9[%swap3A_524, %swap3A_525, %swap3A_526], %swap3A_529 {strides = array<i32>} : memref<2x128x128xf32, #tpu.memory_space<vmem>>, vector<1x1x16xf32>,
      %swap3A_530 = arith.constant 0 : i32
      %swap3A_531 = arith.index_cast %swap3A_530 : i32 to index
      %swap3A_532 = arith.index_cast %scan3A_492 : i32 to index
      %swap3A_533 = arith.constant 16 : index
      %swap3A_534 = tpu.vector_load %arg9[%swap3A_531, %swap3A_532, %swap3A_533] {strides = array<i32>} : memref<2x128x128xf32, #tpu.memory_space<vmem>>, vector<1x1x16xf32>,
      %swap3A_535 = vector.shape_cast %swap3A_534 : vector<1x1x16xf32> to vector<16xf32>
      %swap3A_536 = vector.shape_cast %add3A_522 : vector<16xf32> to vector<1x1x16xf32>
      tpu.vector_store %arg9[%swap3A_531, %swap3A_532, %swap3A_533], %swap3A_536 {strides = array<i32>} : memref<2x128x128xf32, #tpu.memory_space<vmem>>, vector<1x1x16xf32>,
      %add3A_537 = arith.constant 0 : i32
      %add3A_538 = arith.addi %add3A_537, %scan3A_492 : i32
      %get3A_539 = arith.index_cast %add3A_538 : i32 to index
      %get3A_540 = arith.constant 16 : index
      %get3A_541 = tpu.vector_load %arg7[%get3A_539, %get3A_540] {strides = array<i32>} : memref<512x64xi32, #tpu.memory_space<vmem>>, vector<1x16xi32>,
      %get3A_542 = vector.shape_cast %get3A_541 : vector<1x16xi32> to vector<16xi32>
      %get3A_543 = arith.constant 0 : i32
      %get3A_544 = arith.index_cast %get3A_543 : i32 to index
      %get3A_545 = arith.index_cast %scan3A_492 : i32 to index
      %get3A_546 = arith.constant 16 : index
      %get3A_547 = tpu.vector_load %arg8[%get3A_544, %get3A_545, %get3A_546] {strides = array<i32>} : memref<3x128x64xi32, #tpu.memory_space<vmem>>, vector<1x1x16xi32>,
      %get3A_548 = vector.shape_cast %get3A_547 : vector<1x1x16xi32> to vector<16xi32>
      %shift_left3A_549 = arith.constant 16 : i32
      %shift_left3A_550 = vector.broadcast %shift_left3A_549 : i32 to vector<16xi32>
      %shift_left3A_551 = arith.shli %get3A_542, %shift_left3A_550 : vector<16xi32>
      %bitcast_convert_type3A_552 = tpu.bitcast %shift_left3A_551 : vector<16xi32> -> vector<16xf32>
      %shift_left3A_553 = arith.constant 16 : i32
      %shift_left3A_554 = vector.broadcast %shift_left3A_553 : i32 to vector<16xi32>
      %shift_left3A_555 = arith.shli %get3A_548, %shift_left3A_554 : vector<16xi32>
      %bitcast_convert_type3A_556 = tpu.bitcast %shift_left3A_555 : vector<16xi32> -> vector<16xf32>
      %add3A_557 = arith.addf %bitcast_convert_type3A_552, %bitcast_convert_type3A_556 : vector<16xf32>
      %and3A_558 = arith.constant -65536 : i32
      %and3A_559 = vector.broadcast %and3A_558 : i32 to vector<16xi32>
      %and3A_560 = arith.andi %get3A_542, %and3A_559 : vector<16xi32>
      %bitcast_convert_type3A_561 = tpu.bitcast %and3A_560 : vector<16xi32> -> vector<16xf32>
      %and3A_562 = arith.constant -65536 : i32
      %and3A_563 = vector.broadcast %and3A_562 : i32 to vector<16xi32>
      %and3A_564 = arith.andi %get3A_548, %and3A_563 : vector<16xi32>
      %bitcast_convert_type3A_565 = tpu.bitcast %and3A_564 : vector<16xi32> -> vector<16xf32>
      %add3A_566 = arith.addf %bitcast_convert_type3A_561, %bitcast_convert_type3A_565 : vector<16xf32>
      %swap3A_567 = arith.constant 0 : i32
      %swap3A_568 = arith.index_cast %swap3A_567 : i32 to index
      %swap3A_569 = arith.index_cast %scan3A_492 : i32 to index
      %swap3A_570 = arith.constant 32 : index
      %swap3A_571 = tpu.vector_load %arg9[%swap3A_568, %swap3A_569, %swap3A_570] {strides = array<i32>} : memref<2x128x128xf32, #tpu.memory_space<vmem>>, vector<1x1x16xf32>,
      %swap3A_572 = vector.shape_cast %swap3A_571 : vector<1x1x16xf32> to vector<16xf32>
      %swap3A_573 = vector.shape_cast %add3A_557 : vector<16xf32> to vector<1x1x16xf32>
      tpu.vector_store %arg9[%swap3A_568, %swap3A_569, %swap3A_570], %swap3A_573 {strides = array<i32>} : memref<2x128x128xf32, #tpu.memory_space<vmem>>, vector<1x1x16xf32>,
      %swap3A_574 = arith.constant 0 : i32
      %swap3A_575 = arith.index_cast %swap3A_574 : i32 to index
      %swap3A_576 = arith.index_cast %scan3A_492 : i32 to index
      %swap3A_577 = arith.constant 48 : index
      %swap3A_578 = tpu.vector_load %arg9[%swap3A_575, %swap3A_576, %swap3A_577] {strides = array<i32>} : memref<2x128x128xf32, #tpu.memory_space<vmem>>, vector<1x1x16xf32>,
      %swap3A_579 = vector.shape_cast %swap3A_578 : vector<1x1x16xf32> to vector<16xf32>
      %swap3A_580 = vector.shape_cast %add3A_566 : vector<16xf32> to vector<1x1x16xf32>
      tpu.vector_store %arg9[%swap3A_575, %swap3A_576, %swap3A_577], %swap3A_580 {strides = array<i32>} : memref<2x128x128xf32, #tpu.memory_space<vmem>>, vector<1x1x16xf32>,
      %add3A_581 = arith.constant 0 : i32
      %add3A_582 = arith.addi %add3A_581, %scan3A_492 : i32
      %get3A_583 = arith.index_cast %add3A_582 : i32 to index
      %get3A_584 = arith.constant 32 : index
      %get3A_585 = tpu.vector_load %arg7[%get3A_583, %get3A_584] {strides = array<i32>} : memref<512x64xi32, #tpu.memory_space<vmem>>, vector<1x16xi32>,
      %get3A_586 = vector.shape_cast %get3A_585 : vector<1x16xi32> to vector<16xi32>
      %get3A_587 = arith.constant 0 : i32
      %get3A_588 = arith.index_cast %get3A_587 : i32 to index
      %get3A_589 = arith.index_cast %scan3A_492 : i32 to index
      %get3A_590 = arith.constant 32 : index
      %get3A_591 = tpu.vector_load %arg8[%get3A_588, %get3A_589, %get3A_590] {strides = array<i32>} : memref<3x128x64xi32, #tpu.memory_space<vmem>>, vector<1x1x16xi32>,
      %get3A_592 = vector.shape_cast %get3A_591 : vector<1x1x16xi32> to vector<16xi32>
      %shift_left3A_593 = arith.constant 16 : i32
      %shift_left3A_594 = vector.broadcast %shift_left3A_593 : i32 to vector<16xi32>
      %shift_left3A_595 = arith.shli %get3A_586, %shift_left3A_594 : vector<16xi32>
      %bitcast_convert_type3A_596 = tpu.bitcast %shift_left3A_595 : vector<16xi32> -> vector<16xf32>
      %shift_left3A_597 = arith.constant 16 : i32
      %shift_left3A_598 = vector.broadcast %shift_left3A_597 : i32 to vector<16xi32>
      %shift_left3A_599 = arith.shli %get3A_592, %shift_left3A_598 : vector<16xi32>
      %bitcast_convert_type3A_600 = tpu.bitcast %shift_left3A_599 : vector<16xi32> -> vector<16xf32>
      %add3A_601 = arith.addf %bitcast_convert_type3A_596, %bitcast_convert_type3A_600 : vector<16xf32>
      %and3A_602 = arith.constant -65536 : i32
      %and3A_603 = vector.broadcast %and3A_602 : i32 to vector<16xi32>
      %and3A_604 = arith.andi %get3A_586, %and3A_603 : vector<16xi32>
      %bitcast_convert_type3A_605 = tpu.bitcast %and3A_604 : vector<16xi32> -> vector<16xf32>
      %and3A_606 = arith.constant -65536 : i32
      %and3A_607 = vector.broadcast %and3A_606 : i32 to vector<16xi32>
      %and3A_608 = arith.andi %get3A_592, %and3A_607 : vector<16xi32>
      %bitcast_convert_type3A_609 = tpu.bitcast %and3A_608 : vector<16xi32> -> vector<16xf32>
      %add3A_610 = arith.addf %bitcast_convert_type3A_605, %bitcast_convert_type3A_609 : vector<16xf32>
      %swap3A_611 = arith.constant 0 : i32
      %swap3A_612 = arith.index_cast %swap3A_611 : i32 to index
      %swap3A_613 = arith.index_cast %scan3A_492 : i32 to index
      %swap3A_614 = arith.constant 64 : index
      %swap3A_615 = tpu.vector_load %arg9[%swap3A_612, %swap3A_613, %swap3A_614] {strides = array<i32>} : memref<2x128x128xf32, #tpu.memory_space<vmem>>, vector<1x1x16xf32>,
      %swap3A_616 = vector.shape_cast %swap3A_615 : vector<1x1x16xf32> to vector<16xf32>
      %swap3A_617 = vector.shape_cast %add3A_601 : vector<16xf32> to vector<1x1x16xf32>
      tpu.vector_store %arg9[%swap3A_612, %swap3A_613, %swap3A_614], %swap3A_617 {strides = array<i32>} : memref<2x128x128xf32, #tpu.memory_space<vmem>>, vector<1x1x16xf32>,
      %swap3A_618 = arith.constant 0 : i32
      %swap3A_619 = arith.index_cast %swap3A_618 : i32 to index
      %swap3A_620 = arith.index_cast %scan3A_492 : i32 to index
      %swap3A_621 = arith.constant 80 : index
      %swap3A_622 = tpu.vector_load %arg9[%swap3A_619, %swap3A_620, %swap3A_621] {strides = array<i32>} : memref<2x128x128xf32, #tpu.memory_space<vmem>>, vector<1x1x16xf32>,
      %swap3A_623 = vector.shape_cast %swap3A_622 : vector<1x1x16xf32> to vector<16xf32>
      %swap3A_624 = vector.shape_cast %add3A_610 : vector<16xf32> to vector<1x1x16xf32>
      tpu.vector_store %arg9[%swap3A_619, %swap3A_620, %swap3A_621], %swap3A_624 {strides = array<i32>} : memref<2x128x128xf32, #tpu.memory_space<vmem>>, vector<1x1x16xf32>,
      %add3A_625 = arith.constant 0 : i32
      %add3A_626 = arith.addi %add3A_625, %scan3A_492 : i32
      %get3A_627 = arith.index_cast %add3A_626 : i32 to index
      %get3A_628 = arith.constant 48 : index
      %get3A_629 = tpu.vector_load %arg7[%get3A_627, %get3A_628] {strides = array<i32>} : memref<512x64xi32, #tpu.memory_space<vmem>>, vector<1x16xi32>,
      %get3A_630 = vector.shape_cast %get3A_629 : vector<1x16xi32> to vector<16xi32>
      %get3A_631 = arith.constant 0 : i32
      %get3A_632 = arith.index_cast %get3A_631 : i32 to index
      %get3A_633 = arith.index_cast %scan3A_492 : i32 to index
      %get3A_634 = arith.constant 48 : index
      %get3A_635 = tpu.vector_load %arg8[%get3A_632, %get3A_633, %get3A_634] {strides = array<i32>} : memref<3x128x64xi32, #tpu.memory_space<vmem>>, vector<1x1x16xi32>,
      %get3A_636 = vector.shape_cast %get3A_635 : vector<1x1x16xi32> to vector<16xi32>
      %shift_left3A_637 = arith.constant 16 : i32
      %shift_left3A_638 = vector.broadcast %shift_left3A_637 : i32 to vector<16xi32>
      %shift_left3A_639 = arith.shli %get3A_630, %shift_left3A_638 : vector<16xi32>
      %bitcast_convert_type3A_640 = tpu.bitcast %shift_left3A_639 : vector<16xi32> -> vector<16xf32>
      %shift_left3A_641 = arith.constant 16 : i32
      %shift_left3A_642 = vector.broadcast %shift_left3A_641 : i32 to vector<16xi32>
      %shift_left3A_643 = arith.shli %get3A_636, %shift_left3A_642 : vector<16xi32>
      %bitcast_convert_type3A_644 = tpu.bitcast %shift_left3A_643 : vector<16xi32> -> vector<16xf32>
      %add3A_645 = arith.addf %bitcast_convert_type3A_640, %bitcast_convert_type3A_644 : vector<16xf32>
      %and3A_646 = arith.constant -65536 : i32
      %and3A_647 = vector.broadcast %and3A_646 : i32 to vector<16xi32>
      %and3A_648 = arith.andi %get3A_630, %and3A_647 : vector<16xi32>
      %bitcast_convert_type3A_649 = tpu.bitcast %and3A_648 : vector<16xi32> -> vector<16xf32>
      %and3A_650 = arith.constant -65536 : i32
      %and3A_651 = vector.broadcast %and3A_650 : i32 to vector<16xi32>
      %and3A_652 = arith.andi %get3A_636, %and3A_651 : vector<16xi32>
      %bitcast_convert_type3A_653 = tpu.bitcast %and3A_652 : vector<16xi32> -> vector<16xf32>
      %add3A_654 = arith.addf %bitcast_convert_type3A_649, %bitcast_convert_type3A_653 : vector<16xf32>
      %swap3A_655 = arith.constant 0 : i32
      %swap3A_656 = arith.index_cast %swap3A_655 : i32 to index
      %swap3A_657 = arith.index_cast %scan3A_492 : i32 to index
      %swap3A_658 = arith.constant 96 : index
      %swap3A_659 = tpu.vector_load %arg9[%swap3A_656, %swap3A_657, %swap3A_658] {strides = array<i32>} : memref<2x128x128xf32, #tpu.memory_space<vmem>>, vector<1x1x16xf32>,
      %swap3A_660 = vector.shape_cast %swap3A_659 : vector<1x1x16xf32> to vector<16xf32>
      %swap3A_661 = vector.shape_cast %add3A_645 : vector<16xf32> to vector<1x1x16xf32>
      tpu.vector_store %arg9[%swap3A_656, %swap3A_657, %swap3A_658], %swap3A_661 {strides = array<i32>} : memref<2x128x128xf32, #tpu.memory_space<vmem>>, vector<1x1x16xf32>,
      %swap3A_662 = arith.constant 0 : i32
      %swap3A_663 = arith.index_cast %swap3A_662 : i32 to index
      %swap3A_664 = arith.index_cast %scan3A_492 : i32 to index
      %swap3A_665 = arith.constant 112 : index
      %swap3A_666 = tpu.vector_load %arg9[%swap3A_663, %swap3A_664, %swap3A_665] {strides = array<i32>} : memref<2x128x128xf32, #tpu.memory_space<vmem>>, vector<1x1x16xf32>,
      %swap3A_667 = vector.shape_cast %swap3A_666 : vector<1x1x16xf32> to vector<16xf32>
      %swap3A_668 = vector.shape_cast %add3A_654 : vector<16xf32> to vector<1x1x16xf32>
      tpu.vector_store %arg9[%swap3A_663, %swap3A_664, %swap3A_665], %swap3A_668 {strides = array<i32>} : memref<2x128x128xf32, #tpu.memory_space<vmem>>, vector<1x1x16xf32>,
      %scan3A_669 = arith.constant 0 : i32
      scf.yield %scan3A_669 : i32
    }
    %scan3A_105 = arith.constant 128 : i32
    %dma_start3A_106 = arith.constant 7 : i32
    %dma_start3A_107 = arith.constant 0 : i32
    %dma_start3A_108 = arith.constant 0 : i32
    %dma_start3A_109 = arith.constant 0 : i32
    %dma_start3A_110 = tpu.memref_slice %arg8[%dma_start3A_107, %dma_start3A_108, %dma_start3A_109] : memref<3x128x64xi32, #tpu.memory_space<vmem>> -> memref<1x128x64xi32, #tpu.memory_space<vmem>>
    %dma_start3A_111 = tpu.memref_squeeze %dma_start3A_110 : memref<1x128x64xi32, #tpu.memory_space<vmem>> -> memref<128x64xi32, #tpu.memory_space<vmem>>
    %dma_start3A_112 = arith.constant 0 : i32
    %dma_start3A_113 = tpu.memref_slice %arg6[%dma_start3A_106, %dma_start3A_112] : memref<8x128xi32, #tpu.memory_space<vmem>> -> memref<1x128xi32, #tpu.memory_space<vmem>>
    %dma_start3A_114 = tpu.memref_squeeze %dma_start3A_113 : memref<1x128xi32, #tpu.memory_space<vmem>> -> memref<128xi32, #tpu.memory_space<vmem>>
    %dma_start3A_115 = arith.constant 0 : i32
    %dma_start3A_116 = arith.constant 0 : i32
    %dma_start3A_117 = tpu.memref_slice %arg3[%dma_start3A_115, %dma_start3A_116] : memref<744x64xi32, #tpu.memory_space<hbm>> -> memref<744x64xi32, #tpu.memory_space<hbm>>
    tpu.enqueue_indirect_dma source(%dma_start3A_117 : memref<744x64xi32, #tpu.memory_space<hbm>>) target(%dma_start3A_111 : memref<128x64xi32, #tpu.memory_space<vmem>>) offsets(%dma_start3A_114 : memref<128xi32, #tpu.memory_space<vmem>>) semaphore(%arg11 : memref<!tpu.dma_semaphore, #tpu.memory_space<semaphore_mem>>)
    %add3A_118 = arith.constant 0 : i32
    %add3A_119 = arith.addi %mul3A_2, %add3A_118 : i32
    %dma_start3A_120 = arith.constant 0 : i32
    %dma_start3A_121 = arith.constant 0 : i32
    %dma_start3A_122 = arith.constant 0 : i32
    %dma_start3A_123 = tpu.memref_slice %arg9[%dma_start3A_120, %dma_start3A_121, %dma_start3A_122] : memref<2x128x128xf32, #tpu.memory_space<vmem>> -> memref<1x128x128xf32, #tpu.memory_space<vmem>>
    %dma_start3A_124 = tpu.memref_squeeze %dma_start3A_123 : memref<1x128x128xf32, #tpu.memory_space<vmem>> -> memref<128x128xf32, #tpu.memory_space<vmem>>
    %dma_start3A_125 = arith.constant 0 : i32
    %dma_start3A_126 = tpu.memref_slice %arg5[%add3A_119, %dma_start3A_125] : memref<16384x128xf32, #tpu.memory_space<hbm>> -> memref<128x128xf32, #tpu.memory_space<hbm>>
    %dma_start3A_127 = arith.constant 0 : i32
    %dma_start3A_128 = tpu.memref_slice %arg5[%add3A_119, %dma_start3A_127] : memref<16384x128xf32, #tpu.memory_space<hbm>> -> memref<128x128xf32, #tpu.memory_space<hbm>>
    %dma_start3A_129 = arith.constant 0 : i32
    %dma_start3A_130 = arith.constant 0 : i32
    %dma_start3A_131 = tpu.memref_slice %arg9[%dma_start3A_120, %dma_start3A_129, %dma_start3A_130] : memref<2x128x128xf32, #tpu.memory_space<vmem>> -> memref<1x128x128xf32, #tpu.memory_space<vmem>>
    %dma_start3A_132 = tpu.memref_squeeze %dma_start3A_131 : memref<1x128x128xf32, #tpu.memory_space<vmem>> -> memref<128x128xf32, #tpu.memory_space<vmem>>
    tpu.enqueue_dma source(%dma_start3A_132 : memref<128x128xf32, #tpu.memory_space<vmem>>) target(%dma_start3A_128 : memref<128x128xf32, #tpu.memory_space<hbm>>) target_semaphore(%arg12 : memref<!tpu.dma_semaphore, #tpu.memory_space<semaphore_mem>>)
    %dma_wait3A_133 = arith.constant 1 : i32
    %dma_wait3A_134 = arith.constant 128 : i32
    %dma_wait3A_135 = arith.constant 0 : i32
    %dma_wait3A_136 = tpu.memref_slice %arg7[%dma_wait3A_134, %dma_wait3A_135] : memref<512x64xi32, #tpu.memory_space<vmem>> -> memref<128x64xi32, #tpu.memory_space<vmem>>
    %dma_wait3A_137 = arith.constant 0 : i32
    %dma_wait3A_138 = tpu.memref_slice %arg6[%dma_wait3A_133, %dma_wait3A_137] : memref<8x128xi32, #tpu.memory_space<vmem>> -> memref<1x128xi32, #tpu.memory_space<vmem>>
    %dma_wait3A_139 = tpu.memref_squeeze %dma_wait3A_138 : memref<1x128xi32, #tpu.memory_space<vmem>> -> memref<128xi32, #tpu.memory_space<vmem>>
    %dma_wait3A_140 = arith.constant 0 : i32
    %dma_wait3A_141 = arith.constant 0 : i32
    %dma_wait3A_142 = tpu.memref_slice %arg2[%dma_wait3A_140, %dma_wait3A_141] : memref<600x64xi32, #tpu.memory_space<hbm>> -> memref<600x64xi32, #tpu.memory_space<hbm>>
    tpu.wait_indirect_dma semaphore(%arg10 : memref<!tpu.dma_semaphore, #tpu.memory_space<semaphore_mem>>) src(%dma_wait3A_142 : memref<600x64xi32, #tpu.memory_space<hbm>>) dst(%dma_wait3A_136 : memref<128x64xi32, #tpu.memory_space<vmem>>)
    %dma_wait3A_143 = arith.constant 5 : i32
    %dma_wait3A_144 = arith.constant 1 : i32
    %dma_wait3A_145 = arith.constant 0 : i32
    %dma_wait3A_146 = arith.constant 0 : i32
    %dma_wait3A_147 = tpu.memref_slice %arg8[%dma_wait3A_144, %dma_wait3A_145, %dma_wait3A_146] : memref<3x128x64xi32, #tpu.memory_space<vmem>> -> memref<1x128x64xi32, #tpu.memory_space<vmem>>
    %dma_wait3A_148 = tpu.memref_squeeze %dma_wait3A_147 : memref<1x128x64xi32, #tpu.memory_space<vmem>> -> memref<128x64xi32, #tpu.memory_space<vmem>>
    %dma_wait3A_149 = arith.constant 0 : i32
    %dma_wait3A_150 = tpu.memref_slice %arg6[%dma_wait3A_143, %dma_wait3A_149] : memref<8x128xi32, #tpu.memory_space<vmem>> -> memref<1x128xi32, #tpu.memory_space<vmem>>
    %dma_wait3A_151 = tpu.memref_squeeze %dma_wait3A_150 : memref<1x128xi32, #tpu.memory_space<vmem>> -> memref<128xi32, #tpu.memory_space<vmem>>
    %dma_wait3A_152 = arith.constant 0 : i32
    %dma_wait3A_153 = arith.constant 0 : i32
    %dma_wait3A_154 = tpu.memref_slice %arg3[%dma_wait3A_152, %dma_wait3A_153] : memref<744x64xi32, #tpu.memory_space<hbm>> -> memref<744x64xi32, #tpu.memory_space<hbm>>
    tpu.wait_indirect_dma semaphore(%arg11 : memref<!tpu.dma_semaphore, #tpu.memory_space<semaphore_mem>>) src(%dma_wait3A_154 : memref<744x64xi32, #tpu.memory_space<hbm>>) dst(%dma_wait3A_148 : memref<128x64xi32, #tpu.memory_space<vmem>>)
    %scan3A_155 = arith.constant 0 : i32
    %scan3A_156 = arith.constant 0 : i32
    %scan3A_157 = arith.constant 128 : i32
    %scan3A_158 = arith.addi %scan3A_156, %scan3A_157 : i32
    %scan3A_159 = arith.constant 2 : i32
    %scan3A_160 = scf.for %scan3A_317 = %scan3A_156 to %scan3A_158 step %scan3A_159 iter_args(%scan3A_318 = %scan3A_155) -> (i32)  : i32 {
      %add3A_319 = arith.constant 128 : i32
      %add3A_320 = arith.addi %add3A_319, %scan3A_317 : i32
      %get3A = arith.index_cast %add3A_320 : i32 to index
      %get3A_321 = arith.constant 0 : index
      %get3A_322 = tpu.vector_load %arg7[%get3A, %get3A_321] {strides = array<i32>} : memref<512x64xi32, #tpu.memory_space<vmem>>, vector<1x16xi32>,
      %get3A_323 = vector.shape_cast %get3A_322 : vector<1x16xi32> to vector<16xi32>
      %get3A_324 = arith.constant 1 : i32
      %get3A_325 = arith.index_cast %get3A_324 : i32 to index
      %get3A_326 = arith.index_cast %scan3A_317 : i32 to index
      %get3A_327 = arith.constant 0 : index
      %get3A_328 = tpu.vector_load %arg8[%get3A_325, %get3A_326, %get3A_327] {strides = array<i32>} : memref<3x128x64xi32, #tpu.memory_space<vmem>>, vector<1x1x16xi32>,
      %get3A_329 = vector.shape_cast %get3A_328 : vector<1x1x16xi32> to vector<16xi32>
      %shift_left3A = arith.constant 16 : i32
      %shift_left3A_330 = vector.broadcast %shift_left3A : i32 to vector<16xi32>
      %shift_left3A_331 = arith.shli %get3A_323, %shift_left3A_330 : vector<16xi32>
      %bitcast_convert_type3A = tpu.bitcast %shift_left3A_331 : vector<16xi32> -> vector<16xf32>
      %shift_left3A_332 = arith.constant 16 : i32
      %shift_left3A_333 = vector.broadcast %shift_left3A_332 : i32 to vector<16xi32>
      %shift_left3A_334 = arith.shli %get3A_329, %shift_left3A_333 : vector<16xi32>
      %bitcast_convert_type3A_335 = tpu.bitcast %shift_left3A_334 : vector<16xi32> -> vector<16xf32>
      %add3A_336 = arith.addf %bitcast_convert_type3A, %bitcast_convert_type3A_335 : vector<16xf32>
      %and3A = arith.constant -65536 : i32
      %and3A_337 = vector.broadcast %and3A : i32 to vector<16xi32>
      %and3A_338 = arith.andi %get3A_323, %and3A_337 : vector<16xi32>
      %bitcast_convert_type3A_339 = tpu.bitcast %and3A_338 : vector<16xi32> -> vector<16xf32>
      %and3A_340 = arith.constant -65536 : i32
      %and3A_341 = vector.broadcast %and3A_340 : i32 to vector<16xi32>
      %and3A_342 = arith.andi %get3A_329, %and3A_341 : vector<16xi32>
      %bitcast_convert_type3A_343 = tpu.bitcast %and3A_342 : vector<16xi32> -> vector<16xf32>
      %add3A_344 = arith.addf %bitcast_convert_type3A_339, %bitcast_convert_type3A_343 : vector<16xf32>
      %swap3A = arith.constant 1 : i32
      %swap3A_345 = arith.index_cast %swap3A : i32 to index
      %swap3A_346 = arith.index_cast %scan3A_317 : i32 to index
      %swap3A_347 = arith.constant 0 : index
      %swap3A_348 = tpu.vector_load %arg9[%swap3A_345, %swap3A_346, %swap3A_347] {strides = array<i32>} : memref<2x128x128xf32, #tpu.memory_space<vmem>>, vector<1x1x16xf32>,
      %swap3A_349 = vector.shape_cast %swap3A_348 : vector<1x1x16xf32> to vector<16xf32>
      %swap3A_350 = vector.shape_cast %add3A_336 : vector<16xf32> to vector<1x1x16xf32>
      tpu.vector_store %arg9[%swap3A_345, %swap3A_346, %swap3A_347], %swap3A_350 {strides = array<i32>} : memref<2x128x128xf32, #tpu.memory_space<vmem>>, vector<1x1x16xf32>,
      %swap3A_351 = arith.constant 1 : i32
      %swap3A_352 = arith.index_cast %swap3A_351 : i32 to index
      %swap3A_353 = arith.index_cast %scan3A_317 : i32 to index
      %swap3A_354 = arith.constant 16 : index
      %swap3A_355 = tpu.vector_load %arg9[%swap3A_352, %swap3A_353, %swap3A_354] {strides = array<i32>} : memref<2x128x128xf32, #tpu.memory_space<vmem>>, vector<1x1x16xf32>,
      %swap3A_356 = vector.shape_cast %swap3A_355 : vector<1x1x16xf32> to vector<16xf32>
      %swap3A_357 = vector.shape_cast %add3A_344 : vector<16xf32> to vector<1x1x16xf32>
      tpu.vector_store %arg9[%swap3A_352, %swap3A_353, %swap3A_354], %swap3A_357 {strides = array<i32>} : memref<2x128x128xf32, #tpu.memory_space<vmem>>, vector<1x1x16xf32>,
      %add3A_358 = arith.constant 128 : i32
      %add3A_359 = arith.addi %add3A_358, %scan3A_317 : i32
      %get3A_360 = arith.index_cast %add3A_359 : i32 to index
      %get3A_361 = arith.constant 16 : index
      %get3A_362 = tpu.vector_load %arg7[%get3A_360, %get3A_361] {strides = array<i32>} : memref<512x64xi32, #tpu.memory_space<vmem>>, vector<1x16xi32>,
      %get3A_363 = vector.shape_cast %get3A_362 : vector<1x16xi32> to vector<16xi32>
      %get3A_364 = arith.constant 1 : i32
      %get3A_365 = arith.index_cast %get3A_364 : i32 to index
      %get3A_366 = arith.index_cast %scan3A_317 : i32 to index
      %get3A_367 = arith.constant 16 : index
      %get3A_368 = tpu.vector_load %arg8[%get3A_365, %get3A_366, %get3A_367] {strides = array<i32>} : memref<3x128x64xi32, #tpu.memory_space<vmem>>, vector<1x1x16xi32>,
      %get3A_369 = vector.shape_cast %get3A_368 : vector<1x1x16xi32> to vector<16xi32>
      %shift_left3A_370 = arith.constant 16 : i32
      %shift_left3A_371 = vector.broadcast %shift_left3A_370 : i32 to vector<16xi32>
      %shift_left3A_372 = arith.shli %get3A_363, %shift_left3A_371 : vector<16xi32>
      %bitcast_convert_type3A_373 = tpu.bitcast %shift_left3A_372 : vector<16xi32> -> vector<16xf32>
      %shift_left3A_374 = arith.constant 16 : i32
      %shift_left3A_375 = vector.broadcast %shift_left3A_374 : i32 to vector<16xi32>
      %shift_left3A_376 = arith.shli %get3A_369, %shift_left3A_375 : vector<16xi32>
      %bitcast_convert_type3A_377 = tpu.bitcast %shift_left3A_376 : vector<16xi32> -> vector<16xf32>
      %add3A_378 = arith.addf %bitcast_convert_type3A_373, %bitcast_convert_type3A_377 : vector<16xf32>
      %and3A_379 = arith.constant -65536 : i32
      %and3A_380 = vector.broadcast %and3A_379 : i32 to vector<16xi32>
      %and3A_381 = arith.andi %get3A_363, %and3A_380 : vector<16xi32>
      %bitcast_convert_type3A_382 = tpu.bitcast %and3A_381 : vector<16xi32> -> vector<16xf32>
      %and3A_383 = arith.constant -65536 : i32
      %and3A_384 = vector.broadcast %and3A_383 : i32 to vector<16xi32>
      %and3A_385 = arith.andi %get3A_369, %and3A_384 : vector<16xi32>
      %bitcast_convert_type3A_386 = tpu.bitcast %and3A_385 : vector<16xi32> -> vector<16xf32>
      %add3A_387 = arith.addf %bitcast_convert_type3A_382, %bitcast_convert_type3A_386 : vector<16xf32>
      %swap3A_388 = arith.constant 1 : i32
      %swap3A_389 = arith.index_cast %swap3A_388 : i32 to index
      %swap3A_390 = arith.index_cast %scan3A_317 : i32 to index
      %swap3A_391 = arith.constant 32 : index
      %swap3A_392 = tpu.vector_load %arg9[%swap3A_389, %swap3A_390, %swap3A_391] {strides = array<i32>} : memref<2x128x128xf32, #tpu.memory_space<vmem>>, vector<1x1x16xf32>,
      %swap3A_393 = vector.shape_cast %swap3A_392 : vector<1x1x16xf32> to vector<16xf32>
      %swap3A_394 = vector.shape_cast %add3A_378 : vector<16xf32> to vector<1x1x16xf32>
      tpu.vector_store %arg9[%swap3A_389, %swap3A_390, %swap3A_391], %swap3A_394 {strides = array<i32>} : memref<2x128x128xf32, #tpu.memory_space<vmem>>, vector<1x1x16xf32>,
      %swap3A_395 = arith.constant 1 : i32
      %swap3A_396 = arith.index_cast %swap3A_395 : i32 to index
      %swap3A_397 = arith.index_cast %scan3A_317 : i32 to index
      %swap3A_398 = arith.constant 48 : index
      %swap3A_399 = tpu.vector_load %arg9[%swap3A_396, %swap3A_397, %swap3A_398] {strides = array<i32>} : memref<2x128x128xf32, #tpu.memory_space<vmem>>, vector<1x1x16xf32>,
      %swap3A_400 = vector.shape_cast %swap3A_399 : vector<1x1x16xf32> to vector<16xf32>
      %swap3A_401 = vector.shape_cast %add3A_387 : vector<16xf32> to vector<1x1x16xf32>
      tpu.vector_store %arg9[%swap3A_396, %swap3A_397, %swap3A_398], %swap3A_401 {strides = array<i32>} : memref<2x128x128xf32, #tpu.memory_space<vmem>>, vector<1x1x16xf32>,
      %add3A_402 = arith.constant 128 : i32
      %add3A_403 = arith.addi %add3A_402, %scan3A_317 : i32
      %get3A_404 = arith.index_cast %add3A_403 : i32 to index
      %get3A_405 = arith.constant 32 : index
      %get3A_406 = tpu.vector_load %arg7[%get3A_404, %get3A_405] {strides = array<i32>} : memref<512x64xi32, #tpu.memory_space<vmem>>, vector<1x16xi32>,
      %get3A_407 = vector.shape_cast %get3A_406 : vector<1x16xi32> to vector<16xi32>
      %get3A_408 = arith.constant 1 : i32
      %get3A_409 = arith.index_cast %get3A_408 : i32 to index
      %get3A_410 = arith.index_cast %scan3A_317 : i32 to index
      %get3A_411 = arith.constant 32 : index
      %get3A_412 = tpu.vector_load %arg8[%get3A_409, %get3A_410, %get3A_411] {strides = array<i32>} : memref<3x128x64xi32, #tpu.memory_space<vmem>>, vector<1x1x16xi32>,
      %get3A_413 = vector.shape_cast %get3A_412 : vector<1x1x16xi32> to vector<16xi32>
      %shift_left3A_414 = arith.constant 16 : i32
      %shift_left3A_415 = vector.broadcast %shift_left3A_414 : i32 to vector<16xi32>
      %shift_left3A_416 = arith.shli %get3A_407, %shift_left3A_415 : vector<16xi32>
      %bitcast_convert_type3A_417 = tpu.bitcast %shift_left3A_416 : vector<16xi32> -> vector<16xf32>
      %shift_left3A_418 = arith.constant 16 : i32
      %shift_left3A_419 = vector.broadcast %shift_left3A_418 : i32 to vector<16xi32>
      %shift_left3A_420 = arith.shli %get3A_413, %shift_left3A_419 : vector<16xi32>
      %bitcast_convert_type3A_421 = tpu.bitcast %shift_left3A_420 : vector<16xi32> -> vector<16xf32>
      %add3A_422 = arith.addf %bitcast_convert_type3A_417, %bitcast_convert_type3A_421 : vector<16xf32>
      %and3A_423 = arith.constant -65536 : i32
      %and3A_424 = vector.broadcast %and3A_423 : i32 to vector<16xi32>
      %and3A_425 = arith.andi %get3A_407, %and3A_424 : vector<16xi32>
      %bitcast_convert_type3A_426 = tpu.bitcast %and3A_425 : vector<16xi32> -> vector<16xf32>
      %and3A_427 = arith.constant -65536 : i32
      %and3A_428 = vector.broadcast %and3A_427 : i32 to vector<16xi32>
      %and3A_429 = arith.andi %get3A_413, %and3A_428 : vector<16xi32>
      %bitcast_convert_type3A_430 = tpu.bitcast %and3A_429 : vector<16xi32> -> vector<16xf32>
      %add3A_431 = arith.addf %bitcast_convert_type3A_426, %bitcast_convert_type3A_430 : vector<16xf32>
      %swap3A_432 = arith.constant 1 : i32
      %swap3A_433 = arith.index_cast %swap3A_432 : i32 to index
      %swap3A_434 = arith.index_cast %scan3A_317 : i32 to index
      %swap3A_435 = arith.constant 64 : index
      %swap3A_436 = tpu.vector_load %arg9[%swap3A_433, %swap3A_434, %swap3A_435] {strides = array<i32>} : memref<2x128x128xf32, #tpu.memory_space<vmem>>, vector<1x1x16xf32>,
      %swap3A_437 = vector.shape_cast %swap3A_436 : vector<1x1x16xf32> to vector<16xf32>
      %swap3A_438 = vector.shape_cast %add3A_422 : vector<16xf32> to vector<1x1x16xf32>
      tpu.vector_store %arg9[%swap3A_433, %swap3A_434, %swap3A_435], %swap3A_438 {strides = array<i32>} : memref<2x128x128xf32, #tpu.memory_space<vmem>>, vector<1x1x16xf32>,
      %swap3A_439 = arith.constant 1 : i32
      %swap3A_440 = arith.index_cast %swap3A_439 : i32 to index
      %swap3A_441 = arith.index_cast %scan3A_317 : i32 to index
      %swap3A_442 = arith.constant 80 : index
      %swap3A_443 = tpu.vector_load %arg9[%swap3A_440, %swap3A_441, %swap3A_442] {strides = array<i32>} : memref<2x128x128xf32, #tpu.memory_space<vmem>>, vector<1x1x16xf32>,
      %swap3A_444 = vector.shape_cast %swap3A_443 : vector<1x1x16xf32> to vector<16xf32>
      %swap3A_445 = vector.shape_cast %add3A_431 : vector<16xf32> to vector<1x1x16xf32>
      tpu.vector_store %arg9[%swap3A_440, %swap3A_441, %swap3A_442], %swap3A_445 {strides = array<i32>} : memref<2x128x128xf32, #tpu.memory_space<vmem>>, vector<1x1x16xf32>,
      %add3A_446 = arith.constant 128 : i32
      %add3A_447 = arith.addi %add3A_446, %scan3A_317 : i32
      %get3A_448 = arith.index_cast %add3A_447 : i32 to index
      %get3A_449 = arith.constant 48 : index
      %get3A_450 = tpu.vector_load %arg7[%get3A_448, %get3A_449] {strides = array<i32>} : memref<512x64xi32, #tpu.memory_space<vmem>>, vector<1x16xi32>,
      %get3A_451 = vector.shape_cast %get3A_450 : vector<1x16xi32> to vector<16xi32>
      %get3A_452 = arith.constant 1 : i32
      %get3A_453 = arith.index_cast %get3A_452 : i32 to index
      %get3A_454 = arith.index_cast %scan3A_317 : i32 to index
      %get3A_455 = arith.constant 48 : index
      %get3A_456 = tpu.vector_load %arg8[%get3A_453, %get3A_454, %get3A_455] {strides = array<i32>} : memref<3x128x64xi32, #tpu.memory_space<vmem>>, vector<1x1x16xi32>,
      %get3A_457 = vector.shape_cast %get3A_456 : vector<1x1x16xi32> to vector<16xi32>
      %shift_left3A_458 = arith.constant 16 : i32
      %shift_left3A_459 = vector.broadcast %shift_left3A_458 : i32 to vector<16xi32>
      %shift_left3A_460 = arith.shli %get3A_451, %shift_left3A_459 : vector<16xi32>
      %bitcast_convert_type3A_461 = tpu.bitcast %shift_left3A_460 : vector<16xi32> -> vector<16xf32>
      %shift_left3A_462 = arith.constant 16 : i32
      %shift_left3A_463 = vector.broadcast %shift_left3A_462 : i32 to vector<16xi32>
      %shift_left3A_464 = arith.shli %get3A_457, %shift_left3A_463 : vector<16xi32>
      %bitcast_convert_type3A_465 = tpu.bitcast %shift_left3A_464 : vector<16xi32> -> vector<16xf32>
      %add3A_466 = arith.addf %bitcast_convert_type3A_461, %bitcast_convert_type3A_465 : vector<16xf32>
      %and3A_467 = arith.constant -65536 : i32
      %and3A_468 = vector.broadcast %and3A_467 : i32 to vector<16xi32>
      %and3A_469 = arith.andi %get3A_451, %and3A_468 : vector<16xi32>
      %bitcast_convert_type3A_470 = tpu.bitcast %and3A_469 : vector<16xi32> -> vector<16xf32>
      %and3A_471 = arith.constant -65536 : i32
      %and3A_472 = vector.broadcast %and3A_471 : i32 to vector<16xi32>
      %and3A_473 = arith.andi %get3A_457, %and3A_472 : vector<16xi32>
      %bitcast_convert_type3A_474 = tpu.bitcast %and3A_473 : vector<16xi32> -> vector<16xf32>
      %add3A_475 = arith.addf %bitcast_convert_type3A_470, %bitcast_convert_type3A_474 : vector<16xf32>
      %swap3A_476 = arith.constant 1 : i32
      %swap3A_477 = arith.index_cast %swap3A_476 : i32 to index
      %swap3A_478 = arith.index_cast %scan3A_317 : i32 to index
      %swap3A_479 = arith.constant 96 : index
      %swap3A_480 = tpu.vector_load %arg9[%swap3A_477, %swap3A_478, %swap3A_479] {strides = array<i32>} : memref<2x128x128xf32, #tpu.memory_space<vmem>>, vector<1x1x16xf32>,
      %swap3A_481 = vector.shape_cast %swap3A_480 : vector<1x1x16xf32> to vector<16xf32>
      %swap3A_482 = vector.shape_cast %add3A_466 : vector<16xf32> to vector<1x1x16xf32>
      tpu.vector_store %arg9[%swap3A_477, %swap3A_478, %swap3A_479], %swap3A_482 {strides = array<i32>} : memref<2x128x128xf32, #tpu.memory_space<vmem>>, vector<1x1x16xf32>,
      %swap3A_483 = arith.constant 1 : i32
      %swap3A_484 = arith.index_cast %swap3A_483 : i32 to index
      %swap3A_485 = arith.index_cast %scan3A_317 : i32 to index
      %swap3A_486 = arith.constant 112 : index
      %swap3A_487 = tpu.vector_load %arg9[%swap3A_484, %swap3A_485, %swap3A_486] {strides = array<i32>} : memref<2x128x128xf32, #tpu.memory_space<vmem>>, vector<1x1x16xf32>,
      %swap3A_488 = vector.shape_cast %swap3A_487 : vector<1x1x16xf32> to vector<16xf32>
      %swap3A_489 = vector.shape_cast %add3A_475 : vector<16xf32> to vector<1x1x16xf32>
      tpu.vector_store %arg9[%swap3A_484, %swap3A_485, %swap3A_486], %swap3A_489 {strides = array<i32>} : memref<2x128x128xf32, #tpu.memory_space<vmem>>, vector<1x1x16xf32>,
      %scan3A_490 = arith.constant 0 : i32
      %scan3A_491 = arith.constant 1 : i32
      %scan3A_492 = arith.addi %scan3A_317, %scan3A_491 : i32
      %add3A_493 = arith.constant 128 : i32
      %add3A_494 = arith.addi %add3A_493, %scan3A_492 : i32
      %get3A_495 = arith.index_cast %add3A_494 : i32 to index
      %get3A_496 = arith.constant 0 : index
      %get3A_497 = tpu.vector_load %arg7[%get3A_495, %get3A_496] {strides = array<i32>} : memref<512x64xi32, #tpu.memory_space<vmem>>, vector<1x16xi32>,
      %get3A_498 = vector.shape_cast %get3A_497 : vector<1x16xi32> to vector<16xi32>
      %get3A_499 = arith.constant 1 : i32
      %get3A_500 = arith.index_cast %get3A_499 : i32 to index
      %get3A_501 = arith.index_cast %scan3A_492 : i32 to index
      %get3A_502 = arith.constant 0 : index
      %get3A_503 = tpu.vector_load %arg8[%get3A_500, %get3A_501, %get3A_502] {strides = array<i32>} : memref<3x128x64xi32, #tpu.memory_space<vmem>>, vector<1x1x16xi32>,
      %get3A_504 = vector.shape_cast %get3A_503 : vector<1x1x16xi32> to vector<16xi32>
      %shift_left3A_505 = arith.constant 16 : i32
      %shift_left3A_506 = vector.broadcast %shift_left3A_505 : i32 to vector<16xi32>
      %shift_left3A_507 = arith.shli %get3A_498, %shift_left3A_506 : vector<16xi32>
      %bitcast_convert_type3A_508 = tpu.bitcast %shift_left3A_507 : vector<16xi32> -> vector<16xf32>
      %shift_left3A_509 = arith.constant 16 : i32
      %shift_left3A_510 = vector.broadcast %shift_left3A_509 : i32 to vector<16xi32>
      %shift_left3A_511 = arith.shli %get3A_504, %shift_left3A_510 : vector<16xi32>
      %bitcast_convert_type3A_512 = tpu.bitcast %shift_left3A_511 : vector<16xi32> -> vector<16xf32>
      %add3A_513 = arith.addf %bitcast_convert_type3A_508, %bitcast_convert_type3A_512 : vector<16xf32>
      %and3A_514 = arith.constant -65536 : i32
      %and3A_515 = vector.broadcast %and3A_514 : i32 to vector<16xi32>
      %and3A_516 = arith.andi %get3A_498, %and3A_515 : vector<16xi32>
      %bitcast_convert_type3A_517 = tpu.bitcast %and3A_516 : vector<16xi32> -> vector<16xf32>
      %and3A_518 = arith.constant -65536 : i32
      %and3A_519 = vector.broadcast %and3A_518 : i32 to vector<16xi32>
      %and3A_520 = arith.andi %get3A_504, %and3A_519 : vector<16xi32>
      %bitcast_convert_type3A_521 = tpu.bitcast %and3A_520 : vector<16xi32> -> vector<16xf32>
      %add3A_522 = arith.addf %bitcast_convert_type3A_517, %bitcast_convert_type3A_521 : vector<16xf32>
      %swap3A_523 = arith.constant 1 : i32
      %swap3A_524 = arith.index_cast %swap3A_523 : i32 to index
      %swap3A_525 = arith.index_cast %scan3A_492 : i32 to index
      %swap3A_526 = arith.constant 0 : index
      %swap3A_527 = tpu.vector_load %arg9[%swap3A_524, %swap3A_525, %swap3A_526] {strides = array<i32>} : memref<2x128x128xf32, #tpu.memory_space<vmem>>, vector<1x1x16xf32>,
      %swap3A_528 = vector.shape_cast %swap3A_527 : vector<1x1x16xf32> to vector<16xf32>
      %swap3A_529 = vector.shape_cast %add3A_513 : vector<16xf32> to vector<1x1x16xf32>
      tpu.vector_store %arg9[%swap3A_524, %swap3A_525, %swap3A_526], %swap3A_529 {strides = array<i32>} : memref<2x128x128xf32, #tpu.memory_space<vmem>>, vector<1x1x16xf32>,
      %swap3A_530 = arith.constant 1 : i32
      %swap3A_531 = arith.index_cast %swap3A_530 : i32 to index
      %swap3A_532 = arith.index_cast %scan3A_492 : i32 to index
      %swap3A_533 = arith.constant 16 : index
      %swap3A_534 = tpu.vector_load %arg9[%swap3A_531, %swap3A_532, %swap3A_533] {strides = array<i32>} : memref<2x128x128xf32, #tpu.memory_space<vmem>>, vector<1x1x16xf32>,
      %swap3A_535 = vector.shape_cast %swap3A_534 : vector<1x1x16xf32> to vector<16xf32>
      %swap3A_536 = vector.shape_cast %add3A_522 : vector<16xf32> to vector<1x1x16xf32>
      tpu.vector_store %arg9[%swap3A_531, %swap3A_532, %swap3A_533], %swap3A_536 {strides = array<i32>} : memref<2x128x128xf32, #tpu.memory_space<vmem>>, vector<1x1x16xf32>,
      %add3A_537 = arith.constant 128 : i32
      %add3A_538 = arith.addi %add3A_537, %scan3A_492 : i32
      %get3A_539 = arith.index_cast %add3A_538 : i32 to index
      %get3A_540 = arith.constant 16 : index
      %get3A_541 = tpu.vector_load %arg7[%get3A_539, %get3A_540] {strides = array<i32>} : memref<512x64xi32, #tpu.memory_space<vmem>>, vector<1x16xi32>,
      %get3A_542 = vector.shape_cast %get3A_541 : vector<1x16xi32> to vector<16xi32>
      %get3A_543 = arith.constant 1 : i32
      %get3A_544 = arith.index_cast %get3A_543 : i32 to index
      %get3A_545 = arith.index_cast %scan3A_492 : i32 to index
      %get3A_546 = arith.constant 16 : index
      %get3A_547 = tpu.vector_load %arg8[%get3A_544, %get3A_545, %get3A_546] {strides = array<i32>} : memref<3x128x64xi32, #tpu.memory_space<vmem>>, vector<1x1x16xi32>,
      %get3A_548 = vector.shape_cast %get3A_547 : vector<1x1x16xi32> to vector<16xi32>
      %shift_left3A_549 = arith.constant 16 : i32
      %shift_left3A_550 = vector.broadcast %shift_left3A_549 : i32 to vector<16xi32>
      %shift_left3A_551 = arith.shli %get3A_542, %shift_left3A_550 : vector<16xi32>
      %bitcast_convert_type3A_552 = tpu.bitcast %shift_left3A_551 : vector<16xi32> -> vector<16xf32>
      %shift_left3A_553 = arith.constant 16 : i32
      %shift_left3A_554 = vector.broadcast %shift_left3A_553 : i32 to vector<16xi32>
      %shift_left3A_555 = arith.shli %get3A_548, %shift_left3A_554 : vector<16xi32>
      %bitcast_convert_type3A_556 = tpu.bitcast %shift_left3A_555 : vector<16xi32> -> vector<16xf32>
      %add3A_557 = arith.addf %bitcast_convert_type3A_552, %bitcast_convert_type3A_556 : vector<16xf32>
      %and3A_558 = arith.constant -65536 : i32
      %and3A_559 = vector.broadcast %and3A_558 : i32 to vector<16xi32>
      %and3A_560 = arith.andi %get3A_542, %and3A_559 : vector<16xi32>
      %bitcast_convert_type3A_561 = tpu.bitcast %and3A_560 : vector<16xi32> -> vector<16xf32>
      %and3A_562 = arith.constant -65536 : i32
      %and3A_563 = vector.broadcast %and3A_562 : i32 to vector<16xi32>
      %and3A_564 = arith.andi %get3A_548, %and3A_563 : vector<16xi32>
      %bitcast_convert_type3A_565 = tpu.bitcast %and3A_564 : vector<16xi32> -> vector<16xf32>
      %add3A_566 = arith.addf %bitcast_convert_type3A_561, %bitcast_convert_type3A_565 : vector<16xf32>
      %swap3A_567 = arith.constant 1 : i32
      %swap3A_568 = arith.index_cast %swap3A_567 : i32 to index
      %swap3A_569 = arith.index_cast %scan3A_492 : i32 to index
      %swap3A_570 = arith.constant 32 : index
      %swap3A_571 = tpu.vector_load %arg9[%swap3A_568, %swap3A_569, %swap3A_570] {strides = array<i32>} : memref<2x128x128xf32, #tpu.memory_space<vmem>>, vector<1x1x16xf32>,
      %swap3A_572 = vector.shape_cast %swap3A_571 : vector<1x1x16xf32> to vector<16xf32>
      %swap3A_573 = vector.shape_cast %add3A_557 : vector<16xf32> to vector<1x1x16xf32>
      tpu.vector_store %arg9[%swap3A_568, %swap3A_569, %swap3A_570], %swap3A_573 {strides = array<i32>} : memref<2x128x128xf32, #tpu.memory_space<vmem>>, vector<1x1x16xf32>,
      %swap3A_574 = arith.constant 1 : i32
      %swap3A_575 = arith.index_cast %swap3A_574 : i32 to index
      %swap3A_576 = arith.index_cast %scan3A_492 : i32 to index
      %swap3A_577 = arith.constant 48 : index
      %swap3A_578 = tpu.vector_load %arg9[%swap3A_575, %swap3A_576, %swap3A_577] {strides = array<i32>} : memref<2x128x128xf32, #tpu.memory_space<vmem>>, vector<1x1x16xf32>,
      %swap3A_579 = vector.shape_cast %swap3A_578 : vector<1x1x16xf32> to vector<16xf32>
      %swap3A_580 = vector.shape_cast %add3A_566 : vector<16xf32> to vector<1x1x16xf32>
      tpu.vector_store %arg9[%swap3A_575, %swap3A_576, %swap3A_577], %swap3A_580 {strides = array<i32>} : memref<2x128x128xf32, #tpu.memory_space<vmem>>, vector<1x1x16xf32>,
      %add3A_581 = arith.constant 128 : i32
      %add3A_582 = arith.addi %add3A_581, %scan3A_492 : i32
      %get3A_583 = arith.index_cast %add3A_582 : i32 to index
      %get3A_584 = arith.constant 32 : index
      %get3A_585 = tpu.vector_load %arg7[%get3A_583, %get3A_584] {strides = array<i32>} : memref<512x64xi32, #tpu.memory_space<vmem>>, vector<1x16xi32>,
      %get3A_586 = vector.shape_cast %get3A_585 : vector<1x16xi32> to vector<16xi32>
      %get3A_587 = arith.constant 1 : i32
      %get3A_588 = arith.index_cast %get3A_587 : i32 to index
      %get3A_589 = arith.index_cast %scan3A_492 : i32 to index
      %get3A_590 = arith.constant 32 : index
      %get3A_591 = tpu.vector_load %arg8[%get3A_588, %get3A_589, %get3A_590] {strides = array<i32>} : memref<3x128x64xi32, #tpu.memory_space<vmem>>, vector<1x1x16xi32>,
      %get3A_592 = vector.shape_cast %get3A_591 : vector<1x1x16xi32> to vector<16xi32>
      %shift_left3A_593 = arith.constant 16 : i32
      %shift_left3A_594 = vector.broadcast %shift_left3A_593 : i32 to vector<16xi32>
      %shift_left3A_595 = arith.shli %get3A_586, %shift_left3A_594 : vector<16xi32>
      %bitcast_convert_type3A_596 = tpu.bitcast %shift_left3A_595 : vector<16xi32> -> vector<16xf32>
      %shift_left3A_597 = arith.constant 16 : i32
      %shift_left3A_598 = vector.broadcast %shift_left3A_597 : i32 to vector<16xi32>
      %shift_left3A_599 = arith.shli %get3A_592, %shift_left3A_598 : vector<16xi32>
      %bitcast_convert_type3A_600 = tpu.bitcast %shift_left3A_599 : vector<16xi32> -> vector<16xf32>
      %add3A_601 = arith.addf %bitcast_convert_type3A_596, %bitcast_convert_type3A_600 : vector<16xf32>
      %and3A_602 = arith.constant -65536 : i32
      %and3A_603 = vector.broadcast %and3A_602 : i32 to vector<16xi32>
      %and3A_604 = arith.andi %get3A_586, %and3A_603 : vector<16xi32>
      %bitcast_convert_type3A_605 = tpu.bitcast %and3A_604 : vector<16xi32> -> vector<16xf32>
      %and3A_606 = arith.constant -65536 : i32
      %and3A_607 = vector.broadcast %and3A_606 : i32 to vector<16xi32>
      %and3A_608 = arith.andi %get3A_592, %and3A_607 : vector<16xi32>
      %bitcast_convert_type3A_609 = tpu.bitcast %and3A_608 : vector<16xi32> -> vector<16xf32>
      %add3A_610 = arith.addf %bitcast_convert_type3A_605, %bitcast_convert_type3A_609 : vector<16xf32>
      %swap3A_611 = arith.constant 1 : i32
      %swap3A_612 = arith.index_cast %swap3A_611 : i32 to index
      %swap3A_613 = arith.index_cast %scan3A_492 : i32 to index
      %swap3A_614 = arith.constant 64 : index
      %swap3A_615 = tpu.vector_load %arg9[%swap3A_612, %swap3A_613, %swap3A_614] {strides = array<i32>} : memref<2x128x128xf32, #tpu.memory_space<vmem>>, vector<1x1x16xf32>,
      %swap3A_616 = vector.shape_cast %swap3A_615 : vector<1x1x16xf32> to vector<16xf32>
      %swap3A_617 = vector.shape_cast %add3A_601 : vector<16xf32> to vector<1x1x16xf32>
      tpu.vector_store %arg9[%swap3A_612, %swap3A_613, %swap3A_614], %swap3A_617 {strides = array<i32>} : memref<2x128x128xf32, #tpu.memory_space<vmem>>, vector<1x1x16xf32>,
      %swap3A_618 = arith.constant 1 : i32
      %swap3A_619 = arith.index_cast %swap3A_618 : i32 to index
      %swap3A_620 = arith.index_cast %scan3A_492 : i32 to index
      %swap3A_621 = arith.constant 80 : index
      %swap3A_622 = tpu.vector_load %arg9[%swap3A_619, %swap3A_620, %swap3A_621] {strides = array<i32>} : memref<2x128x128xf32, #tpu.memory_space<vmem>>, vector<1x1x16xf32>,
      %swap3A_623 = vector.shape_cast %swap3A_622 : vector<1x1x16xf32> to vector<16xf32>
      %swap3A_624 = vector.shape_cast %add3A_610 : vector<16xf32> to vector<1x1x16xf32>
      tpu.vector_store %arg9[%swap3A_619, %swap3A_620, %swap3A_621], %swap3A_624 {strides = array<i32>} : memref<2x128x128xf32, #tpu.memory_space<vmem>>, vector<1x1x16xf32>,
      %add3A_625 = arith.constant 128 : i32
      %add3A_626 = arith.addi %add3A_625, %scan3A_492 : i32
      %get3A_627 = arith.index_cast %add3A_626 : i32 to index
      %get3A_628 = arith.constant 48 : index
      %get3A_629 = tpu.vector_load %arg7[%get3A_627, %get3A_628] {strides = array<i32>} : memref<512x64xi32, #tpu.memory_space<vmem>>, vector<1x16xi32>,
      %get3A_630 = vector.shape_cast %get3A_629 : vector<1x16xi32> to vector<16xi32>
      %get3A_631 = arith.constant 1 : i32
      %get3A_632 = arith.index_cast %get3A_631 : i32 to index
      %get3A_633 = arith.index_cast %scan3A_492 : i32 to index
      %get3A_634 = arith.constant 48 : index
      %get3A_635 = tpu.vector_load %arg8[%get3A_632, %get3A_633, %get3A_634] {strides = array<i32>} : memref<3x128x64xi32, #tpu.memory_space<vmem>>, vector<1x1x16xi32>,
      %get3A_636 = vector.shape_cast %get3A_635 : vector<1x1x16xi32> to vector<16xi32>
      %shift_left3A_637 = arith.constant 16 : i32
      %shift_left3A_638 = vector.broadcast %shift_left3A_637 : i32 to vector<16xi32>
      %shift_left3A_639 = arith.shli %get3A_630, %shift_left3A_638 : vector<16xi32>
      %bitcast_convert_type3A_640 = tpu.bitcast %shift_left3A_639 : vector<16xi32> -> vector<16xf32>
      %shift_left3A_641 = arith.constant 16 : i32
      %shift_left3A_642 = vector.broadcast %shift_left3A_641 : i32 to vector<16xi32>
      %shift_left3A_643 = arith.shli %get3A_636, %shift_left3A_642 : vector<16xi32>
      %bitcast_convert_type3A_644 = tpu.bitcast %shift_left3A_643 : vector<16xi32> -> vector<16xf32>
      %add3A_645 = arith.addf %bitcast_convert_type3A_640, %bitcast_convert_type3A_644 : vector<16xf32>
      %and3A_646 = arith.constant -65536 : i32
      %and3A_647 = vector.broadcast %and3A_646 : i32 to vector<16xi32>
      %and3A_648 = arith.andi %get3A_630, %and3A_647 : vector<16xi32>
      %bitcast_convert_type3A_649 = tpu.bitcast %and3A_648 : vector<16xi32> -> vector<16xf32>
      %and3A_650 = arith.constant -65536 : i32
      %and3A_651 = vector.broadcast %and3A_650 : i32 to vector<16xi32>
      %and3A_652 = arith.andi %get3A_636, %and3A_651 : vector<16xi32>
      %bitcast_convert_type3A_653 = tpu.bitcast %and3A_652 : vector<16xi32> -> vector<16xf32>
      %add3A_654 = arith.addf %bitcast_convert_type3A_649, %bitcast_convert_type3A_653 : vector<16xf32>
      %swap3A_655 = arith.constant 1 : i32
      %swap3A_656 = arith.index_cast %swap3A_655 : i32 to index
      %swap3A_657 = arith.index_cast %scan3A_492 : i32 to index
      %swap3A_658 = arith.constant 96 : index
      %swap3A_659 = tpu.vector_load %arg9[%swap3A_656, %swap3A_657, %swap3A_658] {strides = array<i32>} : memref<2x128x128xf32, #tpu.memory_space<vmem>>, vector<1x1x16xf32>,
      %swap3A_660 = vector.shape_cast %swap3A_659 : vector<1x1x16xf32> to vector<16xf32>
      %swap3A_661 = vector.shape_cast %add3A_645 : vector<16xf32> to vector<1x1x16xf32>
      tpu.vector_store %arg9[%swap3A_656, %swap3A_657, %swap3A_658], %swap3A_661 {strides = array<i32>} : memref<2x128x128xf32, #tpu.memory_space<vmem>>, vector<1x1x16xf32>,
      %swap3A_662 = arith.constant 1 : i32
      %swap3A_663 = arith.index_cast %swap3A_662 : i32 to index
      %swap3A_664 = arith.index_cast %scan3A_492 : i32 to index
      %swap3A_665 = arith.constant 112 : index
      %swap3A_666 = tpu.vector_load %arg9[%swap3A_663, %swap3A_664, %swap3A_665] {strides = array<i32>} : memref<2x128x128xf32, #tpu.memory_space<vmem>>, vector<1x1x16xf32>,
      %swap3A_667 = vector.shape_cast %swap3A_666 : vector<1x1x16xf32> to vector<16xf32>
      %swap3A_668 = vector.shape_cast %add3A_654 : vector<16xf32> to vector<1x1x16xf32>
      tpu.vector_store %arg9[%swap3A_663, %swap3A_664, %swap3A_665], %swap3A_668 {strides = array<i32>} : memref<2x128x128xf32, #tpu.memory_space<vmem>>, vector<1x1x16xf32>,
      %scan3A_669 = arith.constant 0 : i32
      scf.yield %scan3A_669 : i32
    }
    %scan3A_161 = arith.constant 128 : i32
    %add3A_162 = arith.constant 128 : i32
    %add3A_163 = arith.addi %mul3A_2, %add3A_162 : i32
    %dma_start3A_164 = arith.constant 1 : i32
    %dma_start3A_165 = arith.constant 0 : i32
    %dma_start3A_166 = arith.constant 0 : i32
    %dma_start3A_167 = tpu.memref_slice %arg9[%dma_start3A_164, %dma_start3A_165, %dma_start3A_166] : memref<2x128x128xf32, #tpu.memory_space<vmem>> -> memref<1x128x128xf32, #tpu.memory_space<vmem>>
    %dma_start3A_168 = tpu.memref_squeeze %dma_start3A_167 : memref<1x128x128xf32, #tpu.memory_space<vmem>> -> memref<128x128xf32, #tpu.memory_space<vmem>>
    %dma_start3A_169 = arith.constant 0 : i32
    %dma_start3A_170 = tpu.memref_slice %arg5[%add3A_163, %dma_start3A_169] : memref<16384x128xf32, #tpu.memory_space<hbm>> -> memref<128x128xf32, #tpu.memory_space<hbm>>
    %dma_start3A_171 = arith.constant 0 : i32
    %dma_start3A_172 = tpu.memref_slice %arg5[%add3A_163, %dma_start3A_171] : memref<16384x128xf32, #tpu.memory_space<hbm>> -> memref<128x128xf32, #tpu.memory_space<hbm>>
    %dma_start3A_173 = arith.constant 0 : i32
    %dma_start3A_174 = arith.constant 0 : i32
    %dma_start3A_175 = tpu.memref_slice %arg9[%dma_start3A_164, %dma_start3A_173, %dma_start3A_174] : memref<2x128x128xf32, #tpu.memory_space<vmem>> -> memref<1x128x128xf32, #tpu.memory_space<vmem>>
    %dma_start3A_176 = tpu.memref_squeeze %dma_start3A_175 : memref<1x128x128xf32, #tpu.memory_space<vmem>> -> memref<128x128xf32, #tpu.memory_space<vmem>>
    tpu.enqueue_dma source(%dma_start3A_176 : memref<128x128xf32, #tpu.memory_space<vmem>>) target(%dma_start3A_172 : memref<128x128xf32, #tpu.memory_space<hbm>>) target_semaphore(%arg12 : memref<!tpu.dma_semaphore, #tpu.memory_space<semaphore_mem>>)
    %dma_wait3A_177 = arith.constant 2 : i32
    %dma_wait3A_178 = arith.constant 256 : i32
    %dma_wait3A_179 = arith.constant 0 : i32
    %dma_wait3A_180 = tpu.memref_slice %arg7[%dma_wait3A_178, %dma_wait3A_179] : memref<512x64xi32, #tpu.memory_space<vmem>> -> memref<128x64xi32, #tpu.memory_space<vmem>>
    %dma_wait3A_181 = arith.constant 0 : i32
    %dma_wait3A_182 = tpu.memref_slice %arg6[%dma_wait3A_177, %dma_wait3A_181] : memref<8x128xi32, #tpu.memory_space<vmem>> -> memref<1x128xi32, #tpu.memory_space<vmem>>
    %dma_wait3A_183 = tpu.memref_squeeze %dma_wait3A_182 : memref<1x128xi32, #tpu.memory_space<vmem>> -> memref<128xi32, #tpu.memory_space<vmem>>
    %dma_wait3A_184 = arith.constant 0 : i32
    %dma_wait3A_185 = arith.constant 0 : i32
    %dma_wait3A_186 = tpu.memref_slice %arg2[%dma_wait3A_184, %dma_wait3A_185] : memref<600x64xi32, #tpu.memory_space<hbm>> -> memref<600x64xi32, #tpu.memory_space<hbm>>
    tpu.wait_indirect_dma semaphore(%arg10 : memref<!tpu.dma_semaphore, #tpu.memory_space<semaphore_mem>>) src(%dma_wait3A_186 : memref<600x64xi32, #tpu.memory_space<hbm>>) dst(%dma_wait3A_180 : memref<128x64xi32, #tpu.memory_space<vmem>>)
    %dma_wait3A_187 = arith.constant 6 : i32
    %dma_wait3A_188 = arith.constant 2 : i32
    %dma_wait3A_189 = arith.constant 0 : i32
    %dma_wait3A_190 = arith.constant 0 : i32
    %dma_wait3A_191 = tpu.memref_slice %arg8[%dma_wait3A_188, %dma_wait3A_189, %dma_wait3A_190] : memref<3x128x64xi32, #tpu.memory_space<vmem>> -> memref<1x128x64xi32, #tpu.memory_space<vmem>>
    %dma_wait3A_192 = tpu.memref_squeeze %dma_wait3A_191 : memref<1x128x64xi32, #tpu.memory_space<vmem>> -> memref<128x64xi32, #tpu.memory_space<vmem>>
    %dma_wait3A_193 = arith.constant 0 : i32
    %dma_wait3A_194 = tpu.memref_slice %arg6[%dma_wait3A_187, %dma_wait3A_193] : memref<8x128xi32, #tpu.memory_space<vmem>> -> memref<1x128xi32, #tpu.memory_space<vmem>>
    %dma_wait3A_195 = tpu.memref_squeeze %dma_wait3A_194 : memref<1x128xi32, #tpu.memory_space<vmem>> -> memref<128xi32, #tpu.memory_space<vmem>>
    %dma_wait3A_196 = arith.constant 0 : i32
    %dma_wait3A_197 = arith.constant 0 : i32
    %dma_wait3A_198 = tpu.memref_slice %arg3[%dma_wait3A_196, %dma_wait3A_197] : memref<744x64xi32, #tpu.memory_space<hbm>> -> memref<744x64xi32, #tpu.memory_space<hbm>>
    tpu.wait_indirect_dma semaphore(%arg11 : memref<!tpu.dma_semaphore, #tpu.memory_space<semaphore_mem>>) src(%dma_wait3A_198 : memref<744x64xi32, #tpu.memory_space<hbm>>) dst(%dma_wait3A_192 : memref<128x64xi32, #tpu.memory_space<vmem>>)
    %dma_wait3A_199 = arith.constant 0 : i32
    %dma_wait3A_200 = arith.constant 0 : i32
    %dma_wait3A_201 = arith.constant 0 : i32
    %dma_wait3A_202 = tpu.memref_slice %arg9[%dma_wait3A_199, %dma_wait3A_200, %dma_wait3A_201] : memref<2x128x128xf32, #tpu.memory_space<vmem>> -> memref<1x128x128xf32, #tpu.memory_space<vmem>>
    %dma_wait3A_203 = tpu.memref_squeeze %dma_wait3A_202 : memref<1x128x128xf32, #tpu.memory_space<vmem>> -> memref<128x128xf32, #tpu.memory_space<vmem>>
    %dma_wait3A_204 = arith.constant 0 : i32
    %dma_wait3A_205 = tpu.memref_slice %arg5[%add3A_119, %dma_wait3A_204] : memref<16384x128xf32, #tpu.memory_space<hbm>> -> memref<128x128xf32, #tpu.memory_space<hbm>>
    %dma_wait3A_206 = arith.constant 0 : i32
    %dma_wait3A_207 = tpu.memref_slice %arg5[%add3A_119, %dma_wait3A_206] : memref<16384x128xf32, #tpu.memory_space<hbm>> -> memref<128x128xf32, #tpu.memory_space<hbm>>
    %dma_wait3A_208 = arith.constant 0 : i32
    %dma_wait3A_209 = arith.constant 0 : i32
    %dma_wait3A_210 = tpu.memref_slice %arg9[%dma_wait3A_199, %dma_wait3A_208, %dma_wait3A_209] : memref<2x128x128xf32, #tpu.memory_space<vmem>> -> memref<1x128x128xf32, #tpu.memory_space<vmem>>
    %dma_wait3A_211 = tpu.memref_squeeze %dma_wait3A_210 : memref<1x128x128xf32, #tpu.memory_space<vmem>> -> memref<128x128xf32, #tpu.memory_space<vmem>>
    tpu.wait_dma2 semaphore(%arg12 : memref<!tpu.dma_semaphore, #tpu.memory_space<semaphore_mem>>) src(%dma_wait3A_211 : memref<128x128xf32, #tpu.memory_space<vmem>>) dst(%dma_wait3A_207 : memref<128x128xf32, #tpu.memory_space<hbm>>)
    %scan3A_212 = arith.constant 0 : i32
    %scan3A_213 = arith.constant 0 : i32
    %scan3A_214 = arith.constant 128 : i32
    %scan3A_215 = arith.addi %scan3A_213, %scan3A_214 : i32
    %scan3A_216 = arith.constant 2 : i32
    %scan3A_217 = scf.for %scan3A_317 = %scan3A_213 to %scan3A_215 step %scan3A_216 iter_args(%scan3A_318 = %scan3A_212) -> (i32)  : i32 {
      %add3A_319 = arith.constant 256 : i32
      %add3A_320 = arith.addi %add3A_319, %scan3A_317 : i32
      %get3A = arith.index_cast %add3A_320 : i32 to index
      %get3A_321 = arith.constant 0 : index
      %get3A_322 = tpu.vector_load %arg7[%get3A, %get3A_321] {strides = array<i32>} : memref<512x64xi32, #tpu.memory_space<vmem>>, vector<1x16xi32>,
      %get3A_323 = vector.shape_cast %get3A_322 : vector<1x16xi32> to vector<16xi32>
      %get3A_324 = arith.constant 2 : i32
      %get3A_325 = arith.index_cast %get3A_324 : i32 to index
      %get3A_326 = arith.index_cast %scan3A_317 : i32 to index
      %get3A_327 = arith.constant 0 : index
      %get3A_328 = tpu.vector_load %arg8[%get3A_325, %get3A_326, %get3A_327] {strides = array<i32>} : memref<3x128x64xi32, #tpu.memory_space<vmem>>, vector<1x1x16xi32>,
      %get3A_329 = vector.shape_cast %get3A_328 : vector<1x1x16xi32> to vector<16xi32>
      %shift_left3A = arith.constant 16 : i32
      %shift_left3A_330 = vector.broadcast %shift_left3A : i32 to vector<16xi32>
      %shift_left3A_331 = arith.shli %get3A_323, %shift_left3A_330 : vector<16xi32>
      %bitcast_convert_type3A = tpu.bitcast %shift_left3A_331 : vector<16xi32> -> vector<16xf32>
      %shift_left3A_332 = arith.constant 16 : i32
      %shift_left3A_333 = vector.broadcast %shift_left3A_332 : i32 to vector<16xi32>
      %shift_left3A_334 = arith.shli %get3A_329, %shift_left3A_333 : vector<16xi32>
      %bitcast_convert_type3A_335 = tpu.bitcast %shift_left3A_334 : vector<16xi32> -> vector<16xf32>
      %add3A_336 = arith.addf %bitcast_convert_type3A, %bitcast_convert_type3A_335 : vector<16xf32>
      %and3A = arith.constant -65536 : i32
      %and3A_337 = vector.broadcast %and3A : i32 to vector<16xi32>
      %and3A_338 = arith.andi %get3A_323, %and3A_337 : vector<16xi32>
      %bitcast_convert_type3A_339 = tpu.bitcast %and3A_338 : vector<16xi32> -> vector<16xf32>
      %and3A_340 = arith.constant -65536 : i32
      %and3A_341 = vector.broadcast %and3A_340 : i32 to vector<16xi32>
      %and3A_342 = arith.andi %get3A_329, %and3A_341 : vector<16xi32>
      %bitcast_convert_type3A_343 = tpu.bitcast %and3A_342 : vector<16xi32> -> vector<16xf32>
      %add3A_344 = arith.addf %bitcast_convert_type3A_339, %bitcast_convert_type3A_343 : vector<16xf32>
      %swap3A = arith.constant 0 : i32
      %swap3A_345 = arith.index_cast %swap3A : i32 to index
      %swap3A_346 = arith.index_cast %scan3A_317 : i32 to index
      %swap3A_347 = arith.constant 0 : index
      %swap3A_348 = tpu.vector_load %arg9[%swap3A_345, %swap3A_346, %swap3A_347] {strides = array<i32>} : memref<2x128x128xf32, #tpu.memory_space<vmem>>, vector<1x1x16xf32>,
      %swap3A_349 = vector.shape_cast %swap3A_348 : vector<1x1x16xf32> to vector<16xf32>
      %swap3A_350 = vector.shape_cast %add3A_336 : vector<16xf32> to vector<1x1x16xf32>
      tpu.vector_store %arg9[%swap3A_345, %swap3A_346, %swap3A_347], %swap3A_350 {strides = array<i32>} : memref<2x128x128xf32, #tpu.memory_space<vmem>>, vector<1x1x16xf32>,
      %swap3A_351 = arith.constant 0 : i32
      %swap3A_352 = arith.index_cast %swap3A_351 : i32 to index
      %swap3A_353 = arith.index_cast %scan3A_317 : i32 to index
      %swap3A_354 = arith.constant 16 : index
      %swap3A_355 = tpu.vector_load %arg9[%swap3A_352, %swap3A_353, %swap3A_354] {strides = array<i32>} : memref<2x128x128xf32, #tpu.memory_space<vmem>>, vector<1x1x16xf32>,
      %swap3A_356 = vector.shape_cast %swap3A_355 : vector<1x1x16xf32> to vector<16xf32>
      %swap3A_357 = vector.shape_cast %add3A_344 : vector<16xf32> to vector<1x1x16xf32>
      tpu.vector_store %arg9[%swap3A_352, %swap3A_353, %swap3A_354], %swap3A_357 {strides = array<i32>} : memref<2x128x128xf32, #tpu.memory_space<vmem>>, vector<1x1x16xf32>,
      %add3A_358 = arith.constant 256 : i32
      %add3A_359 = arith.addi %add3A_358, %scan3A_317 : i32
      %get3A_360 = arith.index_cast %add3A_359 : i32 to index
      %get3A_361 = arith.constant 16 : index
      %get3A_362 = tpu.vector_load %arg7[%get3A_360, %get3A_361] {strides = array<i32>} : memref<512x64xi32, #tpu.memory_space<vmem>>, vector<1x16xi32>,
      %get3A_363 = vector.shape_cast %get3A_362 : vector<1x16xi32> to vector<16xi32>
      %get3A_364 = arith.constant 2 : i32
      %get3A_365 = arith.index_cast %get3A_364 : i32 to index
      %get3A_366 = arith.index_cast %scan3A_317 : i32 to index
      %get3A_367 = arith.constant 16 : index
      %get3A_368 = tpu.vector_load %arg8[%get3A_365, %get3A_366, %get3A_367] {strides = array<i32>} : memref<3x128x64xi32, #tpu.memory_space<vmem>>, vector<1x1x16xi32>,
      %get3A_369 = vector.shape_cast %get3A_368 : vector<1x1x16xi32> to vector<16xi32>
      %shift_left3A_370 = arith.constant 16 : i32
      %shift_left3A_371 = vector.broadcast %shift_left3A_370 : i32 to vector<16xi32>
      %shift_left3A_372 = arith.shli %get3A_363, %shift_left3A_371 : vector<16xi32>
      %bitcast_convert_type3A_373 = tpu.bitcast %shift_left3A_372 : vector<16xi32> -> vector<16xf32>
      %shift_left3A_374 = arith.constant 16 : i32
      %shift_left3A_375 = vector.broadcast %shift_left3A_374 : i32 to vector<16xi32>
      %shift_left3A_376 = arith.shli %get3A_369, %shift_left3A_375 : vector<16xi32>
      %bitcast_convert_type3A_377 = tpu.bitcast %shift_left3A_376 : vector<16xi32> -> vector<16xf32>
      %add3A_378 = arith.addf %bitcast_convert_type3A_373, %bitcast_convert_type3A_377 : vector<16xf32>
      %and3A_379 = arith.constant -65536 : i32
      %and3A_380 = vector.broadcast %and3A_379 : i32 to vector<16xi32>
      %and3A_381 = arith.andi %get3A_363, %and3A_380 : vector<16xi32>
      %bitcast_convert_type3A_382 = tpu.bitcast %and3A_381 : vector<16xi32> -> vector<16xf32>
      %and3A_383 = arith.constant -65536 : i32
      %and3A_384 = vector.broadcast %and3A_383 : i32 to vector<16xi32>
      %and3A_385 = arith.andi %get3A_369, %and3A_384 : vector<16xi32>
      %bitcast_convert_type3A_386 = tpu.bitcast %and3A_385 : vector<16xi32> -> vector<16xf32>
      %add3A_387 = arith.addf %bitcast_convert_type3A_382, %bitcast_convert_type3A_386 : vector<16xf32>
      %swap3A_388 = arith.constant 0 : i32
      %swap3A_389 = arith.index_cast %swap3A_388 : i32 to index
      %swap3A_390 = arith.index_cast %scan3A_317 : i32 to index
      %swap3A_391 = arith.constant 32 : index
      %swap3A_392 = tpu.vector_load %arg9[%swap3A_389, %swap3A_390, %swap3A_391] {strides = array<i32>} : memref<2x128x128xf32, #tpu.memory_space<vmem>>, vector<1x1x16xf32>,
      %swap3A_393 = vector.shape_cast %swap3A_392 : vector<1x1x16xf32> to vector<16xf32>
      %swap3A_394 = vector.shape_cast %add3A_378 : vector<16xf32> to vector<1x1x16xf32>
      tpu.vector_store %arg9[%swap3A_389, %swap3A_390, %swap3A_391], %swap3A_394 {strides = array<i32>} : memref<2x128x128xf32, #tpu.memory_space<vmem>>, vector<1x1x16xf32>,
      %swap3A_395 = arith.constant 0 : i32
      %swap3A_396 = arith.index_cast %swap3A_395 : i32 to index
      %swap3A_397 = arith.index_cast %scan3A_317 : i32 to index
      %swap3A_398 = arith.constant 48 : index
      %swap3A_399 = tpu.vector_load %arg9[%swap3A_396, %swap3A_397, %swap3A_398] {strides = array<i32>} : memref<2x128x128xf32, #tpu.memory_space<vmem>>, vector<1x1x16xf32>,
      %swap3A_400 = vector.shape_cast %swap3A_399 : vector<1x1x16xf32> to vector<16xf32>
      %swap3A_401 = vector.shape_cast %add3A_387 : vector<16xf32> to vector<1x1x16xf32>
      tpu.vector_store %arg9[%swap3A_396, %swap3A_397, %swap3A_398], %swap3A_401 {strides = array<i32>} : memref<2x128x128xf32, #tpu.memory_space<vmem>>, vector<1x1x16xf32>,
      %add3A_402 = arith.constant 256 : i32
      %add3A_403 = arith.addi %add3A_402, %scan3A_317 : i32
      %get3A_404 = arith.index_cast %add3A_403 : i32 to index
      %get3A_405 = arith.constant 32 : index
      %get3A_406 = tpu.vector_load %arg7[%get3A_404, %get3A_405] {strides = array<i32>} : memref<512x64xi32, #tpu.memory_space<vmem>>, vector<1x16xi32>,
      %get3A_407 = vector.shape_cast %get3A_406 : vector<1x16xi32> to vector<16xi32>
      %get3A_408 = arith.constant 2 : i32
      %get3A_409 = arith.index_cast %get3A_408 : i32 to index
      %get3A_410 = arith.index_cast %scan3A_317 : i32 to index
      %get3A_411 = arith.constant 32 : index
      %get3A_412 = tpu.vector_load %arg8[%get3A_409, %get3A_410, %get3A_411] {strides = array<i32>} : memref<3x128x64xi32, #tpu.memory_space<vmem>>, vector<1x1x16xi32>,
      %get3A_413 = vector.shape_cast %get3A_412 : vector<1x1x16xi32> to vector<16xi32>
      %shift_left3A_414 = arith.constant 16 : i32
      %shift_left3A_415 = vector.broadcast %shift_left3A_414 : i32 to vector<16xi32>
      %shift_left3A_416 = arith.shli %get3A_407, %shift_left3A_415 : vector<16xi32>
      %bitcast_convert_type3A_417 = tpu.bitcast %shift_left3A_416 : vector<16xi32> -> vector<16xf32>
      %shift_left3A_418 = arith.constant 16 : i32
      %shift_left3A_419 = vector.broadcast %shift_left3A_418 : i32 to vector<16xi32>
      %shift_left3A_420 = arith.shli %get3A_413, %shift_left3A_419 : vector<16xi32>
      %bitcast_convert_type3A_421 = tpu.bitcast %shift_left3A_420 : vector<16xi32> -> vector<16xf32>
      %add3A_422 = arith.addf %bitcast_convert_type3A_417, %bitcast_convert_type3A_421 : vector<16xf32>
      %and3A_423 = arith.constant -65536 : i32
      %and3A_424 = vector.broadcast %and3A_423 : i32 to vector<16xi32>
      %and3A_425 = arith.andi %get3A_407, %and3A_424 : vector<16xi32>
      %bitcast_convert_type3A_426 = tpu.bitcast %and3A_425 : vector<16xi32> -> vector<16xf32>
      %and3A_427 = arith.constant -65536 : i32
      %and3A_428 = vector.broadcast %and3A_427 : i32 to vector<16xi32>
      %and3A_429 = arith.andi %get3A_413, %and3A_428 : vector<16xi32>
      %bitcast_convert_type3A_430 = tpu.bitcast %and3A_429 : vector<16xi32> -> vector<16xf32>
      %add3A_431 = arith.addf %bitcast_convert_type3A_426, %bitcast_convert_type3A_430 : vector<16xf32>
      %swap3A_432 = arith.constant 0 : i32
      %swap3A_433 = arith.index_cast %swap3A_432 : i32 to index
      %swap3A_434 = arith.index_cast %scan3A_317 : i32 to index
      %swap3A_435 = arith.constant 64 : index
      %swap3A_436 = tpu.vector_load %arg9[%swap3A_433, %swap3A_434, %swap3A_435] {strides = array<i32>} : memref<2x128x128xf32, #tpu.memory_space<vmem>>, vector<1x1x16xf32>,
      %swap3A_437 = vector.shape_cast %swap3A_436 : vector<1x1x16xf32> to vector<16xf32>
      %swap3A_438 = vector.shape_cast %add3A_422 : vector<16xf32> to vector<1x1x16xf32>
      tpu.vector_store %arg9[%swap3A_433, %swap3A_434, %swap3A_435], %swap3A_438 {strides = array<i32>} : memref<2x128x128xf32, #tpu.memory_space<vmem>>, vector<1x1x16xf32>,
      %swap3A_439 = arith.constant 0 : i32
      %swap3A_440 = arith.index_cast %swap3A_439 : i32 to index
      %swap3A_441 = arith.index_cast %scan3A_317 : i32 to index
      %swap3A_442 = arith.constant 80 : index
      %swap3A_443 = tpu.vector_load %arg9[%swap3A_440, %swap3A_441, %swap3A_442] {strides = array<i32>} : memref<2x128x128xf32, #tpu.memory_space<vmem>>, vector<1x1x16xf32>,
      %swap3A_444 = vector.shape_cast %swap3A_443 : vector<1x1x16xf32> to vector<16xf32>
      %swap3A_445 = vector.shape_cast %add3A_431 : vector<16xf32> to vector<1x1x16xf32>
      tpu.vector_store %arg9[%swap3A_440, %swap3A_441, %swap3A_442], %swap3A_445 {strides = array<i32>} : memref<2x128x128xf32, #tpu.memory_space<vmem>>, vector<1x1x16xf32>,
      %add3A_446 = arith.constant 256 : i32
      %add3A_447 = arith.addi %add3A_446, %scan3A_317 : i32
      %get3A_448 = arith.index_cast %add3A_447 : i32 to index
      %get3A_449 = arith.constant 48 : index
      %get3A_450 = tpu.vector_load %arg7[%get3A_448, %get3A_449] {strides = array<i32>} : memref<512x64xi32, #tpu.memory_space<vmem>>, vector<1x16xi32>,
      %get3A_451 = vector.shape_cast %get3A_450 : vector<1x16xi32> to vector<16xi32>
      %get3A_452 = arith.constant 2 : i32
      %get3A_453 = arith.index_cast %get3A_452 : i32 to index
      %get3A_454 = arith.index_cast %scan3A_317 : i32 to index
      %get3A_455 = arith.constant 48 : index
      %get3A_456 = tpu.vector_load %arg8[%get3A_453, %get3A_454, %get3A_455] {strides = array<i32>} : memref<3x128x64xi32, #tpu.memory_space<vmem>>, vector<1x1x16xi32>,
      %get3A_457 = vector.shape_cast %get3A_456 : vector<1x1x16xi32> to vector<16xi32>
      %shift_left3A_458 = arith.constant 16 : i32
      %shift_left3A_459 = vector.broadcast %shift_left3A_458 : i32 to vector<16xi32>
      %shift_left3A_460 = arith.shli %get3A_451, %shift_left3A_459 : vector<16xi32>
      %bitcast_convert_type3A_461 = tpu.bitcast %shift_left3A_460 : vector<16xi32> -> vector<16xf32>
      %shift_left3A_462 = arith.constant 16 : i32
      %shift_left3A_463 = vector.broadcast %shift_left3A_462 : i32 to vector<16xi32>
      %shift_left3A_464 = arith.shli %get3A_457, %shift_left3A_463 : vector<16xi32>
      %bitcast_convert_type3A_465 = tpu.bitcast %shift_left3A_464 : vector<16xi32> -> vector<16xf32>
      %add3A_466 = arith.addf %bitcast_convert_type3A_461, %bitcast_convert_type3A_465 : vector<16xf32>
      %and3A_467 = arith.constant -65536 : i32
      %and3A_468 = vector.broadcast %and3A_467 : i32 to vector<16xi32>
      %and3A_469 = arith.andi %get3A_451, %and3A_468 : vector<16xi32>
      %bitcast_convert_type3A_470 = tpu.bitcast %and3A_469 : vector<16xi32> -> vector<16xf32>
      %and3A_471 = arith.constant -65536 : i32
      %and3A_472 = vector.broadcast %and3A_471 : i32 to vector<16xi32>
      %and3A_473 = arith.andi %get3A_457, %and3A_472 : vector<16xi32>
      %bitcast_convert_type3A_474 = tpu.bitcast %and3A_473 : vector<16xi32> -> vector<16xf32>
      %add3A_475 = arith.addf %bitcast_convert_type3A_470, %bitcast_convert_type3A_474 : vector<16xf32>
      %swap3A_476 = arith.constant 0 : i32
      %swap3A_477 = arith.index_cast %swap3A_476 : i32 to index
      %swap3A_478 = arith.index_cast %scan3A_317 : i32 to index
      %swap3A_479 = arith.constant 96 : index
      %swap3A_480 = tpu.vector_load %arg9[%swap3A_477, %swap3A_478, %swap3A_479] {strides = array<i32>} : memref<2x128x128xf32, #tpu.memory_space<vmem>>, vector<1x1x16xf32>,
      %swap3A_481 = vector.shape_cast %swap3A_480 : vector<1x1x16xf32> to vector<16xf32>
      %swap3A_482 = vector.shape_cast %add3A_466 : vector<16xf32> to vector<1x1x16xf32>
      tpu.vector_store %arg9[%swap3A_477, %swap3A_478, %swap3A_479], %swap3A_482 {strides = array<i32>} : memref<2x128x128xf32, #tpu.memory_space<vmem>>, vector<1x1x16xf32>,
      %swap3A_483 = arith.constant 0 : i32
      %swap3A_484 = arith.index_cast %swap3A_483 : i32 to index
      %swap3A_485 = arith.index_cast %scan3A_317 : i32 to index
      %swap3A_486 = arith.constant 112 : index
      %swap3A_487 = tpu.vector_load %arg9[%swap3A_484, %swap3A_485, %swap3A_486] {strides = array<i32>} : memref<2x128x128xf32, #tpu.memory_space<vmem>>, vector<1x1x16xf32>,
      %swap3A_488 = vector.shape_cast %swap3A_487 : vector<1x1x16xf32> to vector<16xf32>
      %swap3A_489 = vector.shape_cast %add3A_475 : vector<16xf32> to vector<1x1x16xf32>
      tpu.vector_store %arg9[%swap3A_484, %swap3A_485, %swap3A_486], %swap3A_489 {strides = array<i32>} : memref<2x128x128xf32, #tpu.memory_space<vmem>>, vector<1x1x16xf32>,
      %scan3A_490 = arith.constant 0 : i32
      %scan3A_491 = arith.constant 1 : i32
      %scan3A_492 = arith.addi %scan3A_317, %scan3A_491 : i32
      %add3A_493 = arith.constant 256 : i32
      %add3A_494 = arith.addi %add3A_493, %scan3A_492 : i32
      %get3A_495 = arith.index_cast %add3A_494 : i32 to index
      %get3A_496 = arith.constant 0 : index
      %get3A_497 = tpu.vector_load %arg7[%get3A_495, %get3A_496] {strides = array<i32>} : memref<512x64xi32, #tpu.memory_space<vmem>>, vector<1x16xi32>,
      %get3A_498 = vector.shape_cast %get3A_497 : vector<1x16xi32> to vector<16xi32>
      %get3A_499 = arith.constant 2 : i32
      %get3A_500 = arith.index_cast %get3A_499 : i32 to index
      %get3A_501 = arith.index_cast %scan3A_492 : i32 to index
      %get3A_502 = arith.constant 0 : index
      %get3A_503 = tpu.vector_load %arg8[%get3A_500, %get3A_501, %get3A_502] {strides = array<i32>} : memref<3x128x64xi32, #tpu.memory_space<vmem>>, vector<1x1x16xi32>,
      %get3A_504 = vector.shape_cast %get3A_503 : vector<1x1x16xi32> to vector<16xi32>
      %shift_left3A_505 = arith.constant 16 : i32
      %shift_left3A_506 = vector.broadcast %shift_left3A_505 : i32 to vector<16xi32>
      %shift_left3A_507 = arith.shli %get3A_498, %shift_left3A_506 : vector<16xi32>
      %bitcast_convert_type3A_508 = tpu.bitcast %shift_left3A_507 : vector<16xi32> -> vector<16xf32>
      %shift_left3A_509 = arith.constant 16 : i32
      %shift_left3A_510 = vector.broadcast %shift_left3A_509 : i32 to vector<16xi32>
      %shift_left3A_511 = arith.shli %get3A_504, %shift_left3A_510 : vector<16xi32>
      %bitcast_convert_type3A_512 = tpu.bitcast %shift_left3A_511 : vector<16xi32> -> vector<16xf32>
      %add3A_513 = arith.addf %bitcast_convert_type3A_508, %bitcast_convert_type3A_512 : vector<16xf32>
      %and3A_514 = arith.constant -65536 : i32
      %and3A_515 = vector.broadcast %and3A_514 : i32 to vector<16xi32>
      %and3A_516 = arith.andi %get3A_498, %and3A_515 : vector<16xi32>
      %bitcast_convert_type3A_517 = tpu.bitcast %and3A_516 : vector<16xi32> -> vector<16xf32>
      %and3A_518 = arith.constant -65536 : i32
      %and3A_519 = vector.broadcast %and3A_518 : i32 to vector<16xi32>
      %and3A_520 = arith.andi %get3A_504, %and3A_519 : vector<16xi32>
      %bitcast_convert_type3A_521 = tpu.bitcast %and3A_520 : vector<16xi32> -> vector<16xf32>
      %add3A_522 = arith.addf %bitcast_convert_type3A_517, %bitcast_convert_type3A_521 : vector<16xf32>
      %swap3A_523 = arith.constant 0 : i32
      %swap3A_524 = arith.index_cast %swap3A_523 : i32 to index
      %swap3A_525 = arith.index_cast %scan3A_492 : i32 to index
      %swap3A_526 = arith.constant 0 : index
      %swap3A_527 = tpu.vector_load %arg9[%swap3A_524, %swap3A_525, %swap3A_526] {strides = array<i32>} : memref<2x128x128xf32, #tpu.memory_space<vmem>>, vector<1x1x16xf32>,
      %swap3A_528 = vector.shape_cast %swap3A_527 : vector<1x1x16xf32> to vector<16xf32>
      %swap3A_529 = vector.shape_cast %add3A_513 : vector<16xf32> to vector<1x1x16xf32>
      tpu.vector_store %arg9[%swap3A_524, %swap3A_525, %swap3A_526], %swap3A_529 {strides = array<i32>} : memref<2x128x128xf32, #tpu.memory_space<vmem>>, vector<1x1x16xf32>,
      %swap3A_530 = arith.constant 0 : i32
      %swap3A_531 = arith.index_cast %swap3A_530 : i32 to index
      %swap3A_532 = arith.index_cast %scan3A_492 : i32 to index
      %swap3A_533 = arith.constant 16 : index
      %swap3A_534 = tpu.vector_load %arg9[%swap3A_531, %swap3A_532, %swap3A_533] {strides = array<i32>} : memref<2x128x128xf32, #tpu.memory_space<vmem>>, vector<1x1x16xf32>,
      %swap3A_535 = vector.shape_cast %swap3A_534 : vector<1x1x16xf32> to vector<16xf32>
      %swap3A_536 = vector.shape_cast %add3A_522 : vector<16xf32> to vector<1x1x16xf32>
      tpu.vector_store %arg9[%swap3A_531, %swap3A_532, %swap3A_533], %swap3A_536 {strides = array<i32>} : memref<2x128x128xf32, #tpu.memory_space<vmem>>, vector<1x1x16xf32>,
      %add3A_537 = arith.constant 256 : i32
      %add3A_538 = arith.addi %add3A_537, %scan3A_492 : i32
      %get3A_539 = arith.index_cast %add3A_538 : i32 to index
      %get3A_540 = arith.constant 16 : index
      %get3A_541 = tpu.vector_load %arg7[%get3A_539, %get3A_540] {strides = array<i32>} : memref<512x64xi32, #tpu.memory_space<vmem>>, vector<1x16xi32>,
      %get3A_542 = vector.shape_cast %get3A_541 : vector<1x16xi32> to vector<16xi32>
      %get3A_543 = arith.constant 2 : i32
      %get3A_544 = arith.index_cast %get3A_543 : i32 to index
      %get3A_545 = arith.index_cast %scan3A_492 : i32 to index
      %get3A_546 = arith.constant 16 : index
      %get3A_547 = tpu.vector_load %arg8[%get3A_544, %get3A_545, %get3A_546] {strides = array<i32>} : memref<3x128x64xi32, #tpu.memory_space<vmem>>, vector<1x1x16xi32>,
      %get3A_548 = vector.shape_cast %get3A_547 : vector<1x1x16xi32> to vector<16xi32>
      %shift_left3A_549 = arith.constant 16 : i32
      %shift_left3A_550 = vector.broadcast %shift_left3A_549 : i32 to vector<16xi32>
      %shift_left3A_551 = arith.shli %get3A_542, %shift_left3A_550 : vector<16xi32>
      %bitcast_convert_type3A_552 = tpu.bitcast %shift_left3A_551 : vector<16xi32> -> vector<16xf32>
      %shift_left3A_553 = arith.constant 16 : i32
      %shift_left3A_554 = vector.broadcast %shift_left3A_553 : i32 to vector<16xi32>
      %shift_left3A_555 = arith.shli %get3A_548, %shift_left3A_554 : vector<16xi32>
      %bitcast_convert_type3A_556 = tpu.bitcast %shift_left3A_555 : vector<16xi32> -> vector<16xf32>
      %add3A_557 = arith.addf %bitcast_convert_type3A_552, %bitcast_convert_type3A_556 : vector<16xf32>
      %and3A_558 = arith.constant -65536 : i32
      %and3A_559 = vector.broadcast %and3A_558 : i32 to vector<16xi32>
      %and3A_560 = arith.andi %get3A_542, %and3A_559 : vector<16xi32>
      %bitcast_convert_type3A_561 = tpu.bitcast %and3A_560 : vector<16xi32> -> vector<16xf32>
      %and3A_562 = arith.constant -65536 : i32
      %and3A_563 = vector.broadcast %and3A_562 : i32 to vector<16xi32>
      %and3A_564 = arith.andi %get3A_548, %and3A_563 : vector<16xi32>
      %bitcast_convert_type3A_565 = tpu.bitcast %and3A_564 : vector<16xi32> -> vector<16xf32>
      %add3A_566 = arith.addf %bitcast_convert_type3A_561, %bitcast_convert_type3A_565 : vector<16xf32>
      %swap3A_567 = arith.constant 0 : i32
      %swap3A_568 = arith.index_cast %swap3A_567 : i32 to index
      %swap3A_569 = arith.index_cast %scan3A_492 : i32 to index
      %swap3A_570 = arith.constant 32 : index
      %swap3A_571 = tpu.vector_load %arg9[%swap3A_568, %swap3A_569, %swap3A_570] {strides = array<i32>} : memref<2x128x128xf32, #tpu.memory_space<vmem>>, vector<1x1x16xf32>,
      %swap3A_572 = vector.shape_cast %swap3A_571 : vector<1x1x16xf32> to vector<16xf32>
      %swap3A_573 = vector.shape_cast %add3A_557 : vector<16xf32> to vector<1x1x16xf32>
      tpu.vector_store %arg9[%swap3A_568, %swap3A_569, %swap3A_570], %swap3A_573 {strides = array<i32>} : memref<2x128x128xf32, #tpu.memory_space<vmem>>, vector<1x1x16xf32>,
      %swap3A_574 = arith.constant 0 : i32
      %swap3A_575 = arith.index_cast %swap3A_574 : i32 to index
      %swap3A_576 = arith.index_cast %scan3A_492 : i32 to index
      %swap3A_577 = arith.constant 48 : index
      %swap3A_578 = tpu.vector_load %arg9[%swap3A_575, %swap3A_576, %swap3A_577] {strides = array<i32>} : memref<2x128x128xf32, #tpu.memory_space<vmem>>, vector<1x1x16xf32>,
      %swap3A_579 = vector.shape_cast %swap3A_578 : vector<1x1x16xf32> to vector<16xf32>
      %swap3A_580 = vector.shape_cast %add3A_566 : vector<16xf32> to vector<1x1x16xf32>
      tpu.vector_store %arg9[%swap3A_575, %swap3A_576, %swap3A_577], %swap3A_580 {strides = array<i32>} : memref<2x128x128xf32, #tpu.memory_space<vmem>>, vector<1x1x16xf32>,
      %add3A_581 = arith.constant 256 : i32
      %add3A_582 = arith.addi %add3A_581, %scan3A_492 : i32
      %get3A_583 = arith.index_cast %add3A_582 : i32 to index
      %get3A_584 = arith.constant 32 : index
      %get3A_585 = tpu.vector_load %arg7[%get3A_583, %get3A_584] {strides = array<i32>} : memref<512x64xi32, #tpu.memory_space<vmem>>, vector<1x16xi32>,
      %get3A_586 = vector.shape_cast %get3A_585 : vector<1x16xi32> to vector<16xi32>
      %get3A_587 = arith.constant 2 : i32
      %get3A_588 = arith.index_cast %get3A_587 : i32 to index
      %get3A_589 = arith.index_cast %scan3A_492 : i32 to index
      %get3A_590 = arith.constant 32 : index
      %get3A_591 = tpu.vector_load %arg8[%get3A_588, %get3A_589, %get3A_590] {strides = array<i32>} : memref<3x128x64xi32, #tpu.memory_space<vmem>>, vector<1x1x16xi32>,
      %get3A_592 = vector.shape_cast %get3A_591 : vector<1x1x16xi32> to vector<16xi32>
      %shift_left3A_593 = arith.constant 16 : i32
      %shift_left3A_594 = vector.broadcast %shift_left3A_593 : i32 to vector<16xi32>
      %shift_left3A_595 = arith.shli %get3A_586, %shift_left3A_594 : vector<16xi32>
      %bitcast_convert_type3A_596 = tpu.bitcast %shift_left3A_595 : vector<16xi32> -> vector<16xf32>
      %shift_left3A_597 = arith.constant 16 : i32
      %shift_left3A_598 = vector.broadcast %shift_left3A_597 : i32 to vector<16xi32>
      %shift_left3A_599 = arith.shli %get3A_592, %shift_left3A_598 : vector<16xi32>
      %bitcast_convert_type3A_600 = tpu.bitcast %shift_left3A_599 : vector<16xi32> -> vector<16xf32>
      %add3A_601 = arith.addf %bitcast_convert_type3A_596, %bitcast_convert_type3A_600 : vector<16xf32>
      %and3A_602 = arith.constant -65536 : i32
      %and3A_603 = vector.broadcast %and3A_602 : i32 to vector<16xi32>
      %and3A_604 = arith.andi %get3A_586, %and3A_603 : vector<16xi32>
      %bitcast_convert_type3A_605 = tpu.bitcast %and3A_604 : vector<16xi32> -> vector<16xf32>
      %and3A_606 = arith.constant -65536 : i32
      %and3A_607 = vector.broadcast %and3A_606 : i32 to vector<16xi32>
      %and3A_608 = arith.andi %get3A_592, %and3A_607 : vector<16xi32>
      %bitcast_convert_type3A_609 = tpu.bitcast %and3A_608 : vector<16xi32> -> vector<16xf32>
      %add3A_610 = arith.addf %bitcast_convert_type3A_605, %bitcast_convert_type3A_609 : vector<16xf32>
      %swap3A_611 = arith.constant 0 : i32
      %swap3A_612 = arith.index_cast %swap3A_611 : i32 to index
      %swap3A_613 = arith.index_cast %scan3A_492 : i32 to index
      %swap3A_614 = arith.constant 64 : index
      %swap3A_615 = tpu.vector_load %arg9[%swap3A_612, %swap3A_613, %swap3A_614] {strides = array<i32>} : memref<2x128x128xf32, #tpu.memory_space<vmem>>, vector<1x1x16xf32>,
      %swap3A_616 = vector.shape_cast %swap3A_615 : vector<1x1x16xf32> to vector<16xf32>
      %swap3A_617 = vector.shape_cast %add3A_601 : vector<16xf32> to vector<1x1x16xf32>
      tpu.vector_store %arg9[%swap3A_612, %swap3A_613, %swap3A_614], %swap3A_617 {strides = array<i32>} : memref<2x128x128xf32, #tpu.memory_space<vmem>>, vector<1x1x16xf32>,
      %swap3A_618 = arith.constant 0 : i32
      %swap3A_619 = arith.index_cast %swap3A_618 : i32 to index
      %swap3A_620 = arith.index_cast %scan3A_492 : i32 to index
      %swap3A_621 = arith.constant 80 : index
      %swap3A_622 = tpu.vector_load %arg9[%swap3A_619, %swap3A_620, %swap3A_621] {strides = array<i32>} : memref<2x128x128xf32, #tpu.memory_space<vmem>>, vector<1x1x16xf32>,
      %swap3A_623 = vector.shape_cast %swap3A_622 : vector<1x1x16xf32> to vector<16xf32>
      %swap3A_624 = vector.shape_cast %add3A_610 : vector<16xf32> to vector<1x1x16xf32>
      tpu.vector_store %arg9[%swap3A_619, %swap3A_620, %swap3A_621], %swap3A_624 {strides = array<i32>} : memref<2x128x128xf32, #tpu.memory_space<vmem>>, vector<1x1x16xf32>,
      %add3A_625 = arith.constant 256 : i32
      %add3A_626 = arith.addi %add3A_625, %scan3A_492 : i32
      %get3A_627 = arith.index_cast %add3A_626 : i32 to index
      %get3A_628 = arith.constant 48 : index
      %get3A_629 = tpu.vector_load %arg7[%get3A_627, %get3A_628] {strides = array<i32>} : memref<512x64xi32, #tpu.memory_space<vmem>>, vector<1x16xi32>,
      %get3A_630 = vector.shape_cast %get3A_629 : vector<1x16xi32> to vector<16xi32>
      %get3A_631 = arith.constant 2 : i32
      %get3A_632 = arith.index_cast %get3A_631 : i32 to index
      %get3A_633 = arith.index_cast %scan3A_492 : i32 to index
      %get3A_634 = arith.constant 48 : index
      %get3A_635 = tpu.vector_load %arg8[%get3A_632, %get3A_633, %get3A_634] {strides = array<i32>} : memref<3x128x64xi32, #tpu.memory_space<vmem>>, vector<1x1x16xi32>,
      %get3A_636 = vector.shape_cast %get3A_635 : vector<1x1x16xi32> to vector<16xi32>
      %shift_left3A_637 = arith.constant 16 : i32
      %shift_left3A_638 = vector.broadcast %shift_left3A_637 : i32 to vector<16xi32>
      %shift_left3A_639 = arith.shli %get3A_630, %shift_left3A_638 : vector<16xi32>
      %bitcast_convert_type3A_640 = tpu.bitcast %shift_left3A_639 : vector<16xi32> -> vector<16xf32>
      %shift_left3A_641 = arith.constant 16 : i32
      %shift_left3A_642 = vector.broadcast %shift_left3A_641 : i32 to vector<16xi32>
      %shift_left3A_643 = arith.shli %get3A_636, %shift_left3A_642 : vector<16xi32>
      %bitcast_convert_type3A_644 = tpu.bitcast %shift_left3A_643 : vector<16xi32> -> vector<16xf32>
      %add3A_645 = arith.addf %bitcast_convert_type3A_640, %bitcast_convert_type3A_644 : vector<16xf32>
      %and3A_646 = arith.constant -65536 : i32
      %and3A_647 = vector.broadcast %and3A_646 : i32 to vector<16xi32>
      %and3A_648 = arith.andi %get3A_630, %and3A_647 : vector<16xi32>
      %bitcast_convert_type3A_649 = tpu.bitcast %and3A_648 : vector<16xi32> -> vector<16xf32>
      %and3A_650 = arith.constant -65536 : i32
      %and3A_651 = vector.broadcast %and3A_650 : i32 to vector<16xi32>
      %and3A_652 = arith.andi %get3A_636, %and3A_651 : vector<16xi32>
      %bitcast_convert_type3A_653 = tpu.bitcast %and3A_652 : vector<16xi32> -> vector<16xf32>
      %add3A_654 = arith.addf %bitcast_convert_type3A_649, %bitcast_convert_type3A_653 : vector<16xf32>
      %swap3A_655 = arith.constant 0 : i32
      %swap3A_656 = arith.index_cast %swap3A_655 : i32 to index
      %swap3A_657 = arith.index_cast %scan3A_492 : i32 to index
      %swap3A_658 = arith.constant 96 : index
      %swap3A_659 = tpu.vector_load %arg9[%swap3A_656, %swap3A_657, %swap3A_658] {strides = array<i32>} : memref<2x128x128xf32, #tpu.memory_space<vmem>>, vector<1x1x16xf32>,
      %swap3A_660 = vector.shape_cast %swap3A_659 : vector<1x1x16xf32> to vector<16xf32>
      %swap3A_661 = vector.shape_cast %add3A_645 : vector<16xf32> to vector<1x1x16xf32>
      tpu.vector_store %arg9[%swap3A_656, %swap3A_657, %swap3A_658], %swap3A_661 {strides = array<i32>} : memref<2x128x128xf32, #tpu.memory_space<vmem>>, vector<1x1x16xf32>,
      %swap3A_662 = arith.constant 0 : i32
      %swap3A_663 = arith.index_cast %swap3A_662 : i32 to index
      %swap3A_664 = arith.index_cast %scan3A_492 : i32 to index
      %swap3A_665 = arith.constant 112 : index
      %swap3A_666 = tpu.vector_load %arg9[%swap3A_663, %swap3A_664, %swap3A_665] {strides = array<i32>} : memref<2x128x128xf32, #tpu.memory_space<vmem>>, vector<1x1x16xf32>,
      %swap3A_667 = vector.shape_cast %swap3A_666 : vector<1x1x16xf32> to vector<16xf32>
      %swap3A_668 = vector.shape_cast %add3A_654 : vector<16xf32> to vector<1x1x16xf32>
      tpu.vector_store %arg9[%swap3A_663, %swap3A_664, %swap3A_665], %swap3A_668 {strides = array<i32>} : memref<2x128x128xf32, #tpu.memory_space<vmem>>, vector<1x1x16xf32>,
      %scan3A_669 = arith.constant 0 : i32
      scf.yield %scan3A_669 : i32
    }
    %scan3A_218 = arith.constant 128 : i32
    %add3A_219 = arith.constant 256 : i32
    %add3A_220 = arith.addi %mul3A_2, %add3A_219 : i32
    %dma_start3A_221 = arith.constant 0 : i32
    %dma_start3A_222 = arith.constant 0 : i32
    %dma_start3A_223 = arith.constant 0 : i32
    %dma_start3A_224 = tpu.memref_slice %arg9[%dma_start3A_221, %dma_start3A_222, %dma_start3A_223] : memref<2x128x128xf32, #tpu.memory_space<vmem>> -> memref<1x128x128xf32, #tpu.memory_space<vmem>>
    %dma_start3A_225 = tpu.memref_squeeze %dma_start3A_224 : memref<1x128x128xf32, #tpu.memory_space<vmem>> -> memref<128x128xf32, #tpu.memory_space<vmem>>
    %dma_start3A_226 = arith.constant 0 : i32
    %dma_start3A_227 = tpu.memref_slice %arg5[%add3A_220, %dma_start3A_226] : memref<16384x128xf32, #tpu.memory_space<hbm>> -> memref<128x128xf32, #tpu.memory_space<hbm>>
    %dma_start3A_228 = arith.constant 0 : i32
    %dma_start3A_229 = tpu.memref_slice %arg5[%add3A_220, %dma_start3A_228] : memref<16384x128xf32, #tpu.memory_space<hbm>> -> memref<128x128xf32, #tpu.memory_space<hbm>>
    %dma_start3A_230 = arith.constant 0 : i32
    %dma_start3A_231 = arith.constant 0 : i32
    %dma_start3A_232 = tpu.memref_slice %arg9[%dma_start3A_221, %dma_start3A_230, %dma_start3A_231] : memref<2x128x128xf32, #tpu.memory_space<vmem>> -> memref<1x128x128xf32, #tpu.memory_space<vmem>>
    %dma_start3A_233 = tpu.memref_squeeze %dma_start3A_232 : memref<1x128x128xf32, #tpu.memory_space<vmem>> -> memref<128x128xf32, #tpu.memory_space<vmem>>
    tpu.enqueue_dma source(%dma_start3A_233 : memref<128x128xf32, #tpu.memory_space<vmem>>) target(%dma_start3A_229 : memref<128x128xf32, #tpu.memory_space<hbm>>) target_semaphore(%arg12 : memref<!tpu.dma_semaphore, #tpu.memory_space<semaphore_mem>>)
    %dma_wait3A_234 = arith.constant 3 : i32
    %dma_wait3A_235 = arith.constant 384 : i32
    %dma_wait3A_236 = arith.constant 0 : i32
    %dma_wait3A_237 = tpu.memref_slice %arg7[%dma_wait3A_235, %dma_wait3A_236] : memref<512x64xi32, #tpu.memory_space<vmem>> -> memref<128x64xi32, #tpu.memory_space<vmem>>
    %dma_wait3A_238 = arith.constant 0 : i32
    %dma_wait3A_239 = tpu.memref_slice %arg6[%dma_wait3A_234, %dma_wait3A_238] : memref<8x128xi32, #tpu.memory_space<vmem>> -> memref<1x128xi32, #tpu.memory_space<vmem>>
    %dma_wait3A_240 = tpu.memref_squeeze %dma_wait3A_239 : memref<1x128xi32, #tpu.memory_space<vmem>> -> memref<128xi32, #tpu.memory_space<vmem>>
    %dma_wait3A_241 = arith.constant 0 : i32
    %dma_wait3A_242 = arith.constant 0 : i32
    %dma_wait3A_243 = tpu.memref_slice %arg2[%dma_wait3A_241, %dma_wait3A_242] : memref<600x64xi32, #tpu.memory_space<hbm>> -> memref<600x64xi32, #tpu.memory_space<hbm>>
    tpu.wait_indirect_dma semaphore(%arg10 : memref<!tpu.dma_semaphore, #tpu.memory_space<semaphore_mem>>) src(%dma_wait3A_243 : memref<600x64xi32, #tpu.memory_space<hbm>>) dst(%dma_wait3A_237 : memref<128x64xi32, #tpu.memory_space<vmem>>)
    %dma_wait3A_244 = arith.constant 7 : i32
    %dma_wait3A_245 = arith.constant 0 : i32
    %dma_wait3A_246 = arith.constant 0 : i32
    %dma_wait3A_247 = arith.constant 0 : i32
    %dma_wait3A_248 = tpu.memref_slice %arg8[%dma_wait3A_245, %dma_wait3A_246, %dma_wait3A_247] : memref<3x128x64xi32, #tpu.memory_space<vmem>> -> memref<1x128x64xi32, #tpu.memory_space<vmem>>
    %dma_wait3A_249 = tpu.memref_squeeze %dma_wait3A_248 : memref<1x128x64xi32, #tpu.memory_space<vmem>> -> memref<128x64xi32, #tpu.memory_space<vmem>>
    %dma_wait3A_250 = arith.constant 0 : i32
    %dma_wait3A_251 = tpu.memref_slice %arg6[%dma_wait3A_244, %dma_wait3A_250] : memref<8x128xi32, #tpu.memory_space<vmem>> -> memref<1x128xi32, #tpu.memory_space<vmem>>
    %dma_wait3A_252 = tpu.memref_squeeze %dma_wait3A_251 : memref<1x128xi32, #tpu.memory_space<vmem>> -> memref<128xi32, #tpu.memory_space<vmem>>
    %dma_wait3A_253 = arith.constant 0 : i32
    %dma_wait3A_254 = arith.constant 0 : i32
    %dma_wait3A_255 = tpu.memref_slice %arg3[%dma_wait3A_253, %dma_wait3A_254] : memref<744x64xi32, #tpu.memory_space<hbm>> -> memref<744x64xi32, #tpu.memory_space<hbm>>
    tpu.wait_indirect_dma semaphore(%arg11 : memref<!tpu.dma_semaphore, #tpu.memory_space<semaphore_mem>>) src(%dma_wait3A_255 : memref<744x64xi32, #tpu.memory_space<hbm>>) dst(%dma_wait3A_249 : memref<128x64xi32, #tpu.memory_space<vmem>>)
    %dma_wait3A_256 = arith.constant 1 : i32
    %dma_wait3A_257 = arith.constant 0 : i32
    %dma_wait3A_258 = arith.constant 0 : i32
    %dma_wait3A_259 = tpu.memref_slice %arg9[%dma_wait3A_256, %dma_wait3A_257, %dma_wait3A_258] : memref<2x128x128xf32, #tpu.memory_space<vmem>> -> memref<1x128x128xf32, #tpu.memory_space<vmem>>
    %dma_wait3A_260 = tpu.memref_squeeze %dma_wait3A_259 : memref<1x128x128xf32, #tpu.memory_space<vmem>> -> memref<128x128xf32, #tpu.memory_space<vmem>>
    %dma_wait3A_261 = arith.constant 0 : i32
    %dma_wait3A_262 = tpu.memref_slice %arg5[%add3A_163, %dma_wait3A_261] : memref<16384x128xf32, #tpu.memory_space<hbm>> -> memref<128x128xf32, #tpu.memory_space<hbm>>
    %dma_wait3A_263 = arith.constant 0 : i32
    %dma_wait3A_264 = tpu.memref_slice %arg5[%add3A_163, %dma_wait3A_263] : memref<16384x128xf32, #tpu.memory_space<hbm>> -> memref<128x128xf32, #tpu.memory_space<hbm>>
    %dma_wait3A_265 = arith.constant 0 : i32
    %dma_wait3A_266 = arith.constant 0 : i32
    %dma_wait3A_267 = tpu.memref_slice %arg9[%dma_wait3A_256, %dma_wait3A_265, %dma_wait3A_266] : memref<2x128x128xf32, #tpu.memory_space<vmem>> -> memref<1x128x128xf32, #tpu.memory_space<vmem>>
    %dma_wait3A_268 = tpu.memref_squeeze %dma_wait3A_267 : memref<1x128x128xf32, #tpu.memory_space<vmem>> -> memref<128x128xf32, #tpu.memory_space<vmem>>
    tpu.wait_dma2 semaphore(%arg12 : memref<!tpu.dma_semaphore, #tpu.memory_space<semaphore_mem>>) src(%dma_wait3A_268 : memref<128x128xf32, #tpu.memory_space<vmem>>) dst(%dma_wait3A_264 : memref<128x128xf32, #tpu.memory_space<hbm>>)
    %scan3A_269 = arith.constant 0 : i32
    %scan3A_270 = arith.constant 0 : i32
    %scan3A_271 = arith.constant 128 : i32
    %scan3A_272 = arith.addi %scan3A_270, %scan3A_271 : i32
    %scan3A_273 = arith.constant 2 : i32
    %scan3A_274 = scf.for %scan3A_317 = %scan3A_270 to %scan3A_272 step %scan3A_273 iter_args(%scan3A_318 = %scan3A_269) -> (i32)  : i32 {
      %add3A_319 = arith.constant 384 : i32
      %add3A_320 = arith.addi %add3A_319, %scan3A_317 : i32
      %get3A = arith.index_cast %add3A_320 : i32 to index
      %get3A_321 = arith.constant 0 : index
      %get3A_322 = tpu.vector_load %arg7[%get3A, %get3A_321] {strides = array<i32>} : memref<512x64xi32, #tpu.memory_space<vmem>>, vector<1x16xi32>,
      %get3A_323 = vector.shape_cast %get3A_322 : vector<1x16xi32> to vector<16xi32>
      %get3A_324 = arith.constant 0 : i32
      %get3A_325 = arith.index_cast %get3A_324 : i32 to index
      %get3A_326 = arith.index_cast %scan3A_317 : i32 to index
      %get3A_327 = arith.constant 0 : index
      %get3A_328 = tpu.vector_load %arg8[%get3A_325, %get3A_326, %get3A_327] {strides = array<i32>} : memref<3x128x64xi32, #tpu.memory_space<vmem>>, vector<1x1x16xi32>,
      %get3A_329 = vector.shape_cast %get3A_328 : vector<1x1x16xi32> to vector<16xi32>
      %shift_left3A = arith.constant 16 : i32
      %shift_left3A_330 = vector.broadcast %shift_left3A : i32 to vector<16xi32>
      %shift_left3A_331 = arith.shli %get3A_323, %shift_left3A_330 : vector<16xi32>
      %bitcast_convert_type3A = tpu.bitcast %shift_left3A_331 : vector<16xi32> -> vector<16xf32>
      %shift_left3A_332 = arith.constant 16 : i32
      %shift_left3A_333 = vector.broadcast %shift_left3A_332 : i32 to vector<16xi32>
      %shift_left3A_334 = arith.shli %get3A_329, %shift_left3A_333 : vector<16xi32>
      %bitcast_convert_type3A_335 = tpu.bitcast %shift_left3A_334 : vector<16xi32> -> vector<16xf32>
      %add3A_336 = arith.addf %bitcast_convert_type3A, %bitcast_convert_type3A_335 : vector<16xf32>
      %and3A = arith.constant -65536 : i32
      %and3A_337 = vector.broadcast %and3A : i32 to vector<16xi32>
      %and3A_338 = arith.andi %get3A_323, %and3A_337 : vector<16xi32>
      %bitcast_convert_type3A_339 = tpu.bitcast %and3A_338 : vector<16xi32> -> vector<16xf32>
      %and3A_340 = arith.constant -65536 : i32
      %and3A_341 = vector.broadcast %and3A_340 : i32 to vector<16xi32>
      %and3A_342 = arith.andi %get3A_329, %and3A_341 : vector<16xi32>
      %bitcast_convert_type3A_343 = tpu.bitcast %and3A_342 : vector<16xi32> -> vector<16xf32>
      %add3A_344 = arith.addf %bitcast_convert_type3A_339, %bitcast_convert_type3A_343 : vector<16xf32>
      %swap3A = arith.constant 1 : i32
      %swap3A_345 = arith.index_cast %swap3A : i32 to index
      %swap3A_346 = arith.index_cast %scan3A_317 : i32 to index
      %swap3A_347 = arith.constant 0 : index
      %swap3A_348 = tpu.vector_load %arg9[%swap3A_345, %swap3A_346, %swap3A_347] {strides = array<i32>} : memref<2x128x128xf32, #tpu.memory_space<vmem>>, vector<1x1x16xf32>,
      %swap3A_349 = vector.shape_cast %swap3A_348 : vector<1x1x16xf32> to vector<16xf32>
      %swap3A_350 = vector.shape_cast %add3A_336 : vector<16xf32> to vector<1x1x16xf32>
      tpu.vector_store %arg9[%swap3A_345, %swap3A_346, %swap3A_347], %swap3A_350 {strides = array<i32>} : memref<2x128x128xf32, #tpu.memory_space<vmem>>, vector<1x1x16xf32>,
      %swap3A_351 = arith.constant 1 : i32
      %swap3A_352 = arith.index_cast %swap3A_351 : i32 to index
      %swap3A_353 = arith.index_cast %scan3A_317 : i32 to index
      %swap3A_354 = arith.constant 16 : index
      %swap3A_355 = tpu.vector_load %arg9[%swap3A_352, %swap3A_353, %swap3A_354] {strides = array<i32>} : memref<2x128x128xf32, #tpu.memory_space<vmem>>, vector<1x1x16xf32>,
      %swap3A_356 = vector.shape_cast %swap3A_355 : vector<1x1x16xf32> to vector<16xf32>
      %swap3A_357 = vector.shape_cast %add3A_344 : vector<16xf32> to vector<1x1x16xf32>
      tpu.vector_store %arg9[%swap3A_352, %swap3A_353, %swap3A_354], %swap3A_357 {strides = array<i32>} : memref<2x128x128xf32, #tpu.memory_space<vmem>>, vector<1x1x16xf32>,
      %add3A_358 = arith.constant 384 : i32
      %add3A_359 = arith.addi %add3A_358, %scan3A_317 : i32
      %get3A_360 = arith.index_cast %add3A_359 : i32 to index
      %get3A_361 = arith.constant 16 : index
      %get3A_362 = tpu.vector_load %arg7[%get3A_360, %get3A_361] {strides = array<i32>} : memref<512x64xi32, #tpu.memory_space<vmem>>, vector<1x16xi32>,
      %get3A_363 = vector.shape_cast %get3A_362 : vector<1x16xi32> to vector<16xi32>
      %get3A_364 = arith.constant 0 : i32
      %get3A_365 = arith.index_cast %get3A_364 : i32 to index
      %get3A_366 = arith.index_cast %scan3A_317 : i32 to index
      %get3A_367 = arith.constant 16 : index
      %get3A_368 = tpu.vector_load %arg8[%get3A_365, %get3A_366, %get3A_367] {strides = array<i32>} : memref<3x128x64xi32, #tpu.memory_space<vmem>>, vector<1x1x16xi32>,
      %get3A_369 = vector.shape_cast %get3A_368 : vector<1x1x16xi32> to vector<16xi32>
      %shift_left3A_370 = arith.constant 16 : i32
      %shift_left3A_371 = vector.broadcast %shift_left3A_370 : i32 to vector<16xi32>
      %shift_left3A_372 = arith.shli %get3A_363, %shift_left3A_371 : vector<16xi32>
      %bitcast_convert_type3A_373 = tpu.bitcast %shift_left3A_372 : vector<16xi32> -> vector<16xf32>
      %shift_left3A_374 = arith.constant 16 : i32
      %shift_left3A_375 = vector.broadcast %shift_left3A_374 : i32 to vector<16xi32>
      %shift_left3A_376 = arith.shli %get3A_369, %shift_left3A_375 : vector<16xi32>
      %bitcast_convert_type3A_377 = tpu.bitcast %shift_left3A_376 : vector<16xi32> -> vector<16xf32>
      %add3A_378 = arith.addf %bitcast_convert_type3A_373, %bitcast_convert_type3A_377 : vector<16xf32>
      %and3A_379 = arith.constant -65536 : i32
      %and3A_380 = vector.broadcast %and3A_379 : i32 to vector<16xi32>
      %and3A_381 = arith.andi %get3A_363, %and3A_380 : vector<16xi32>
      %bitcast_convert_type3A_382 = tpu.bitcast %and3A_381 : vector<16xi32> -> vector<16xf32>
      %and3A_383 = arith.constant -65536 : i32
      %and3A_384 = vector.broadcast %and3A_383 : i32 to vector<16xi32>
      %and3A_385 = arith.andi %get3A_369, %and3A_384 : vector<16xi32>
      %bitcast_convert_type3A_386 = tpu.bitcast %and3A_385 : vector<16xi32> -> vector<16xf32>
      %add3A_387 = arith.addf %bitcast_convert_type3A_382, %bitcast_convert_type3A_386 : vector<16xf32>
      %swap3A_388 = arith.constant 1 : i32
      %swap3A_389 = arith.index_cast %swap3A_388 : i32 to index
      %swap3A_390 = arith.index_cast %scan3A_317 : i32 to index
      %swap3A_391 = arith.constant 32 : index
      %swap3A_392 = tpu.vector_load %arg9[%swap3A_389, %swap3A_390, %swap3A_391] {strides = array<i32>} : memref<2x128x128xf32, #tpu.memory_space<vmem>>, vector<1x1x16xf32>,
      %swap3A_393 = vector.shape_cast %swap3A_392 : vector<1x1x16xf32> to vector<16xf32>
      %swap3A_394 = vector.shape_cast %add3A_378 : vector<16xf32> to vector<1x1x16xf32>
      tpu.vector_store %arg9[%swap3A_389, %swap3A_390, %swap3A_391], %swap3A_394 {strides = array<i32>} : memref<2x128x128xf32, #tpu.memory_space<vmem>>, vector<1x1x16xf32>,
      %swap3A_395 = arith.constant 1 : i32
      %swap3A_396 = arith.index_cast %swap3A_395 : i32 to index
      %swap3A_397 = arith.index_cast %scan3A_317 : i32 to index
      %swap3A_398 = arith.constant 48 : index
      %swap3A_399 = tpu.vector_load %arg9[%swap3A_396, %swap3A_397, %swap3A_398] {strides = array<i32>} : memref<2x128x128xf32, #tpu.memory_space<vmem>>, vector<1x1x16xf32>,
      %swap3A_400 = vector.shape_cast %swap3A_399 : vector<1x1x16xf32> to vector<16xf32>
      %swap3A_401 = vector.shape_cast %add3A_387 : vector<16xf32> to vector<1x1x16xf32>
      tpu.vector_store %arg9[%swap3A_396, %swap3A_397, %swap3A_398], %swap3A_401 {strides = array<i32>} : memref<2x128x128xf32, #tpu.memory_space<vmem>>, vector<1x1x16xf32>,
      %add3A_402 = arith.constant 384 : i32
      %add3A_403 = arith.addi %add3A_402, %scan3A_317 : i32
      %get3A_404 = arith.index_cast %add3A_403 : i32 to index
      %get3A_405 = arith.constant 32 : index
      %get3A_406 = tpu.vector_load %arg7[%get3A_404, %get3A_405] {strides = array<i32>} : memref<512x64xi32, #tpu.memory_space<vmem>>, vector<1x16xi32>,
      %get3A_407 = vector.shape_cast %get3A_406 : vector<1x16xi32> to vector<16xi32>
      %get3A_408 = arith.constant 0 : i32
      %get3A_409 = arith.index_cast %get3A_408 : i32 to index
      %get3A_410 = arith.index_cast %scan3A_317 : i32 to index
      %get3A_411 = arith.constant 32 : index
      %get3A_412 = tpu.vector_load %arg8[%get3A_409, %get3A_410, %get3A_411] {strides = array<i32>} : memref<3x128x64xi32, #tpu.memory_space<vmem>>, vector<1x1x16xi32>,
      %get3A_413 = vector.shape_cast %get3A_412 : vector<1x1x16xi32> to vector<16xi32>
      %shift_left3A_414 = arith.constant 16 : i32
      %shift_left3A_415 = vector.broadcast %shift_left3A_414 : i32 to vector<16xi32>
      %shift_left3A_416 = arith.shli %get3A_407, %shift_left3A_415 : vector<16xi32>
      %bitcast_convert_type3A_417 = tpu.bitcast %shift_left3A_416 : vector<16xi32> -> vector<16xf32>
      %shift_left3A_418 = arith.constant 16 : i32
      %shift_left3A_419 = vector.broadcast %shift_left3A_418 : i32 to vector<16xi32>
      %shift_left3A_420 = arith.shli %get3A_413, %shift_left3A_419 : vector<16xi32>
      %bitcast_convert_type3A_421 = tpu.bitcast %shift_left3A_420 : vector<16xi32> -> vector<16xf32>
      %add3A_422 = arith.addf %bitcast_convert_type3A_417, %bitcast_convert_type3A_421 : vector<16xf32>
      %and3A_423 = arith.constant -65536 : i32
      %and3A_424 = vector.broadcast %and3A_423 : i32 to vector<16xi32>
      %and3A_425 = arith.andi %get3A_407, %and3A_424 : vector<16xi32>
      %bitcast_convert_type3A_426 = tpu.bitcast %and3A_425 : vector<16xi32> -> vector<16xf32>
      %and3A_427 = arith.constant -65536 : i32
      %and3A_428 = vector.broadcast %and3A_427 : i32 to vector<16xi32>
      %and3A_429 = arith.andi %get3A_413, %and3A_428 : vector<16xi32>
      %bitcast_convert_type3A_430 = tpu.bitcast %and3A_429 : vector<16xi32> -> vector<16xf32>
      %add3A_431 = arith.addf %bitcast_convert_type3A_426, %bitcast_convert_type3A_430 : vector<16xf32>
      %swap3A_432 = arith.constant 1 : i32
      %swap3A_433 = arith.index_cast %swap3A_432 : i32 to index
      %swap3A_434 = arith.index_cast %scan3A_317 : i32 to index
      %swap3A_435 = arith.constant 64 : index
      %swap3A_436 = tpu.vector_load %arg9[%swap3A_433, %swap3A_434, %swap3A_435] {strides = array<i32>} : memref<2x128x128xf32, #tpu.memory_space<vmem>>, vector<1x1x16xf32>,
      %swap3A_437 = vector.shape_cast %swap3A_436 : vector<1x1x16xf32> to vector<16xf32>
      %swap3A_438 = vector.shape_cast %add3A_422 : vector<16xf32> to vector<1x1x16xf32>
      tpu.vector_store %arg9[%swap3A_433, %swap3A_434, %swap3A_435], %swap3A_438 {strides = array<i32>} : memref<2x128x128xf32, #tpu.memory_space<vmem>>, vector<1x1x16xf32>,
      %swap3A_439 = arith.constant 1 : i32
      %swap3A_440 = arith.index_cast %swap3A_439 : i32 to index
      %swap3A_441 = arith.index_cast %scan3A_317 : i32 to index
      %swap3A_442 = arith.constant 80 : index
      %swap3A_443 = tpu.vector_load %arg9[%swap3A_440, %swap3A_441, %swap3A_442] {strides = array<i32>} : memref<2x128x128xf32, #tpu.memory_space<vmem>>, vector<1x1x16xf32>,
      %swap3A_444 = vector.shape_cast %swap3A_443 : vector<1x1x16xf32> to vector<16xf32>
      %swap3A_445 = vector.shape_cast %add3A_431 : vector<16xf32> to vector<1x1x16xf32>
      tpu.vector_store %arg9[%swap3A_440, %swap3A_441, %swap3A_442], %swap3A_445 {strides = array<i32>} : memref<2x128x128xf32, #tpu.memory_space<vmem>>, vector<1x1x16xf32>,
      %add3A_446 = arith.constant 384 : i32
      %add3A_447 = arith.addi %add3A_446, %scan3A_317 : i32
      %get3A_448 = arith.index_cast %add3A_447 : i32 to index
      %get3A_449 = arith.constant 48 : index
      %get3A_450 = tpu.vector_load %arg7[%get3A_448, %get3A_449] {strides = array<i32>} : memref<512x64xi32, #tpu.memory_space<vmem>>, vector<1x16xi32>,
      %get3A_451 = vector.shape_cast %get3A_450 : vector<1x16xi32> to vector<16xi32>
      %get3A_452 = arith.constant 0 : i32
      %get3A_453 = arith.index_cast %get3A_452 : i32 to index
      %get3A_454 = arith.index_cast %scan3A_317 : i32 to index
      %get3A_455 = arith.constant 48 : index
      %get3A_456 = tpu.vector_load %arg8[%get3A_453, %get3A_454, %get3A_455] {strides = array<i32>} : memref<3x128x64xi32, #tpu.memory_space<vmem>>, vector<1x1x16xi32>,
      %get3A_457 = vector.shape_cast %get3A_456 : vector<1x1x16xi32> to vector<16xi32>
      %shift_left3A_458 = arith.constant 16 : i32
      %shift_left3A_459 = vector.broadcast %shift_left3A_458 : i32 to vector<16xi32>
      %shift_left3A_460 = arith.shli %get3A_451, %shift_left3A_459 : vector<16xi32>
      %bitcast_convert_type3A_461 = tpu.bitcast %shift_left3A_460 : vector<16xi32> -> vector<16xf32>
      %shift_left3A_462 = arith.constant 16 : i32
      %shift_left3A_463 = vector.broadcast %shift_left3A_462 : i32 to vector<16xi32>
      %shift_left3A_464 = arith.shli %get3A_457, %shift_left3A_463 : vector<16xi32>
      %bitcast_convert_type3A_465 = tpu.bitcast %shift_left3A_464 : vector<16xi32> -> vector<16xf32>
      %add3A_466 = arith.addf %bitcast_convert_type3A_461, %bitcast_convert_type3A_465 : vector<16xf32>
      %and3A_467 = arith.constant -65536 : i32
      %and3A_468 = vector.broadcast %and3A_467 : i32 to vector<16xi32>
      %and3A_469 = arith.andi %get3A_451, %and3A_468 : vector<16xi32>
      %bitcast_convert_type3A_470 = tpu.bitcast %and3A_469 : vector<16xi32> -> vector<16xf32>
      %and3A_471 = arith.constant -65536 : i32
      %and3A_472 = vector.broadcast %and3A_471 : i32 to vector<16xi32>
      %and3A_473 = arith.andi %get3A_457, %and3A_472 : vector<16xi32>
      %bitcast_convert_type3A_474 = tpu.bitcast %and3A_473 : vector<16xi32> -> vector<16xf32>
      %add3A_475 = arith.addf %bitcast_convert_type3A_470, %bitcast_convert_type3A_474 : vector<16xf32>
      %swap3A_476 = arith.constant 1 : i32
      %swap3A_477 = arith.index_cast %swap3A_476 : i32 to index
      %swap3A_478 = arith.index_cast %scan3A_317 : i32 to index
      %swap3A_479 = arith.constant 96 : index
      %swap3A_480 = tpu.vector_load %arg9[%swap3A_477, %swap3A_478, %swap3A_479] {strides = array<i32>} : memref<2x128x128xf32, #tpu.memory_space<vmem>>, vector<1x1x16xf32>,
      %swap3A_481 = vector.shape_cast %swap3A_480 : vector<1x1x16xf32> to vector<16xf32>
      %swap3A_482 = vector.shape_cast %add3A_466 : vector<16xf32> to vector<1x1x16xf32>
      tpu.vector_store %arg9[%swap3A_477, %swap3A_478, %swap3A_479], %swap3A_482 {strides = array<i32>} : memref<2x128x128xf32, #tpu.memory_space<vmem>>, vector<1x1x16xf32>,
      %swap3A_483 = arith.constant 1 : i32
      %swap3A_484 = arith.index_cast %swap3A_483 : i32 to index
      %swap3A_485 = arith.index_cast %scan3A_317 : i32 to index
      %swap3A_486 = arith.constant 112 : index
      %swap3A_487 = tpu.vector_load %arg9[%swap3A_484, %swap3A_485, %swap3A_486] {strides = array<i32>} : memref<2x128x128xf32, #tpu.memory_space<vmem>>, vector<1x1x16xf32>,
      %swap3A_488 = vector.shape_cast %swap3A_487 : vector<1x1x16xf32> to vector<16xf32>
      %swap3A_489 = vector.shape_cast %add3A_475 : vector<16xf32> to vector<1x1x16xf32>
      tpu.vector_store %arg9[%swap3A_484, %swap3A_485, %swap3A_486], %swap3A_489 {strides = array<i32>} : memref<2x128x128xf32, #tpu.memory_space<vmem>>, vector<1x1x16xf32>,
      %scan3A_490 = arith.constant 0 : i32
      %scan3A_491 = arith.constant 1 : i32
      %scan3A_492 = arith.addi %scan3A_317, %scan3A_491 : i32
      %add3A_493 = arith.constant 384 : i32
      %add3A_494 = arith.addi %add3A_493, %scan3A_492 : i32
      %get3A_495 = arith.index_cast %add3A_494 : i32 to index
      %get3A_496 = arith.constant 0 : index
      %get3A_497 = tpu.vector_load %arg7[%get3A_495, %get3A_496] {strides = array<i32>} : memref<512x64xi32, #tpu.memory_space<vmem>>, vector<1x16xi32>,
      %get3A_498 = vector.shape_cast %get3A_497 : vector<1x16xi32> to vector<16xi32>
      %get3A_499 = arith.constant 0 : i32
      %get3A_500 = arith.index_cast %get3A_499 : i32 to index
      %get3A_501 = arith.index_cast %scan3A_492 : i32 to index
      %get3A_502 = arith.constant 0 : index
      %get3A_503 = tpu.vector_load %arg8[%get3A_500, %get3A_501, %get3A_502] {strides = array<i32>} : memref<3x128x64xi32, #tpu.memory_space<vmem>>, vector<1x1x16xi32>,
      %get3A_504 = vector.shape_cast %get3A_503 : vector<1x1x16xi32> to vector<16xi32>
      %shift_left3A_505 = arith.constant 16 : i32
      %shift_left3A_506 = vector.broadcast %shift_left3A_505 : i32 to vector<16xi32>
      %shift_left3A_507 = arith.shli %get3A_498, %shift_left3A_506 : vector<16xi32>
      %bitcast_convert_type3A_508 = tpu.bitcast %shift_left3A_507 : vector<16xi32> -> vector<16xf32>
      %shift_left3A_509 = arith.constant 16 : i32
      %shift_left3A_510 = vector.broadcast %shift_left3A_509 : i32 to vector<16xi32>
      %shift_left3A_511 = arith.shli %get3A_504, %shift_left3A_510 : vector<16xi32>
      %bitcast_convert_type3A_512 = tpu.bitcast %shift_left3A_511 : vector<16xi32> -> vector<16xf32>
      %add3A_513 = arith.addf %bitcast_convert_type3A_508, %bitcast_convert_type3A_512 : vector<16xf32>
      %and3A_514 = arith.constant -65536 : i32
      %and3A_515 = vector.broadcast %and3A_514 : i32 to vector<16xi32>
      %and3A_516 = arith.andi %get3A_498, %and3A_515 : vector<16xi32>
      %bitcast_convert_type3A_517 = tpu.bitcast %and3A_516 : vector<16xi32> -> vector<16xf32>
      %and3A_518 = arith.constant -65536 : i32
      %and3A_519 = vector.broadcast %and3A_518 : i32 to vector<16xi32>
      %and3A_520 = arith.andi %get3A_504, %and3A_519 : vector<16xi32>
      %bitcast_convert_type3A_521 = tpu.bitcast %and3A_520 : vector<16xi32> -> vector<16xf32>
      %add3A_522 = arith.addf %bitcast_convert_type3A_517, %bitcast_convert_type3A_521 : vector<16xf32>
      %swap3A_523 = arith.constant 1 : i32
      %swap3A_524 = arith.index_cast %swap3A_523 : i32 to index
      %swap3A_525 = arith.index_cast %scan3A_492 : i32 to index
      %swap3A_526 = arith.constant 0 : index
      %swap3A_527 = tpu.vector_load %arg9[%swap3A_524, %swap3A_525, %swap3A_526] {strides = array<i32>} : memref<2x128x128xf32, #tpu.memory_space<vmem>>, vector<1x1x16xf32>,
      %swap3A_528 = vector.shape_cast %swap3A_527 : vector<1x1x16xf32> to vector<16xf32>
      %swap3A_529 = vector.shape_cast %add3A_513 : vector<16xf32> to vector<1x1x16xf32>
      tpu.vector_store %arg9[%swap3A_524, %swap3A_525, %swap3A_526], %swap3A_529 {strides = array<i32>} : memref<2x128x128xf32, #tpu.memory_space<vmem>>, vector<1x1x16xf32>,
      %swap3A_530 = arith.constant 1 : i32
      %swap3A_531 = arith.index_cast %swap3A_530 : i32 to index
      %swap3A_532 = arith.index_cast %scan3A_492 : i32 to index
      %swap3A_533 = arith.constant 16 : index
      %swap3A_534 = tpu.vector_load %arg9[%swap3A_531, %swap3A_532, %swap3A_533] {strides = array<i32>} : memref<2x128x128xf32, #tpu.memory_space<vmem>>, vector<1x1x16xf32>,
      %swap3A_535 = vector.shape_cast %swap3A_534 : vector<1x1x16xf32> to vector<16xf32>
      %swap3A_536 = vector.shape_cast %add3A_522 : vector<16xf32> to vector<1x1x16xf32>
      tpu.vector_store %arg9[%swap3A_531, %swap3A_532, %swap3A_533], %swap3A_536 {strides = array<i32>} : memref<2x128x128xf32, #tpu.memory_space<vmem>>, vector<1x1x16xf32>,
      %add3A_537 = arith.constant 384 : i32
      %add3A_538 = arith.addi %add3A_537, %scan3A_492 : i32
      %get3A_539 = arith.index_cast %add3A_538 : i32 to index
      %get3A_540 = arith.constant 16 : index
      %get3A_541 = tpu.vector_load %arg7[%get3A_539, %get3A_540] {strides = array<i32>} : memref<512x64xi32, #tpu.memory_space<vmem>>, vector<1x16xi32>,
      %get3A_542 = vector.shape_cast %get3A_541 : vector<1x16xi32> to vector<16xi32>
      %get3A_543 = arith.constant 0 : i32
      %get3A_544 = arith.index_cast %get3A_543 : i32 to index
      %get3A_545 = arith.index_cast %scan3A_492 : i32 to index
      %get3A_546 = arith.constant 16 : index
      %get3A_547 = tpu.vector_load %arg8[%get3A_544, %get3A_545, %get3A_546] {strides = array<i32>} : memref<3x128x64xi32, #tpu.memory_space<vmem>>, vector<1x1x16xi32>,
      %get3A_548 = vector.shape_cast %get3A_547 : vector<1x1x16xi32> to vector<16xi32>
      %shift_left3A_549 = arith.constant 16 : i32
      %shift_left3A_550 = vector.broadcast %shift_left3A_549 : i32 to vector<16xi32>
      %shift_left3A_551 = arith.shli %get3A_542, %shift_left3A_550 : vector<16xi32>
      %bitcast_convert_type3A_552 = tpu.bitcast %shift_left3A_551 : vector<16xi32> -> vector<16xf32>
      %shift_left3A_553 = arith.constant 16 : i32
      %shift_left3A_554 = vector.broadcast %shift_left3A_553 : i32 to vector<16xi32>
      %shift_left3A_555 = arith.shli %get3A_548, %shift_left3A_554 : vector<16xi32>
      %bitcast_convert_type3A_556 = tpu.bitcast %shift_left3A_555 : vector<16xi32> -> vector<16xf32>
      %add3A_557 = arith.addf %bitcast_convert_type3A_552, %bitcast_convert_type3A_556 : vector<16xf32>
      %and3A_558 = arith.constant -65536 : i32
      %and3A_559 = vector.broadcast %and3A_558 : i32 to vector<16xi32>
      %and3A_560 = arith.andi %get3A_542, %and3A_559 : vector<16xi32>
      %bitcast_convert_type3A_561 = tpu.bitcast %and3A_560 : vector<16xi32> -> vector<16xf32>
      %and3A_562 = arith.constant -65536 : i32
      %and3A_563 = vector.broadcast %and3A_562 : i32 to vector<16xi32>
      %and3A_564 = arith.andi %get3A_548, %and3A_563 : vector<16xi32>
      %bitcast_convert_type3A_565 = tpu.bitcast %and3A_564 : vector<16xi32> -> vector<16xf32>
      %add3A_566 = arith.addf %bitcast_convert_type3A_561, %bitcast_convert_type3A_565 : vector<16xf32>
      %swap3A_567 = arith.constant 1 : i32
      %swap3A_568 = arith.index_cast %swap3A_567 : i32 to index
      %swap3A_569 = arith.index_cast %scan3A_492 : i32 to index
      %swap3A_570 = arith.constant 32 : index
      %swap3A_571 = tpu.vector_load %arg9[%swap3A_568, %swap3A_569, %swap3A_570] {strides = array<i32>} : memref<2x128x128xf32, #tpu.memory_space<vmem>>, vector<1x1x16xf32>,
      %swap3A_572 = vector.shape_cast %swap3A_571 : vector<1x1x16xf32> to vector<16xf32>
      %swap3A_573 = vector.shape_cast %add3A_557 : vector<16xf32> to vector<1x1x16xf32>
      tpu.vector_store %arg9[%swap3A_568, %swap3A_569, %swap3A_570], %swap3A_573 {strides = array<i32>} : memref<2x128x128xf32, #tpu.memory_space<vmem>>, vector<1x1x16xf32>,
      %swap3A_574 = arith.constant 1 : i32
      %swap3A_575 = arith.index_cast %swap3A_574 : i32 to index
      %swap3A_576 = arith.index_cast %scan3A_492 : i32 to index
      %swap3A_577 = arith.constant 48 : index
      %swap3A_578 = tpu.vector_load %arg9[%swap3A_575, %swap3A_576, %swap3A_577] {strides = array<i32>} : memref<2x128x128xf32, #tpu.memory_space<vmem>>, vector<1x1x16xf32>,
      %swap3A_579 = vector.shape_cast %swap3A_578 : vector<1x1x16xf32> to vector<16xf32>
      %swap3A_580 = vector.shape_cast %add3A_566 : vector<16xf32> to vector<1x1x16xf32>
      tpu.vector_store %arg9[%swap3A_575, %swap3A_576, %swap3A_577], %swap3A_580 {strides = array<i32>} : memref<2x128x128xf32, #tpu.memory_space<vmem>>, vector<1x1x16xf32>,
      %add3A_581 = arith.constant 384 : i32
      %add3A_582 = arith.addi %add3A_581, %scan3A_492 : i32
      %get3A_583 = arith.index_cast %add3A_582 : i32 to index
      %get3A_584 = arith.constant 32 : index
      %get3A_585 = tpu.vector_load %arg7[%get3A_583, %get3A_584] {strides = array<i32>} : memref<512x64xi32, #tpu.memory_space<vmem>>, vector<1x16xi32>,
      %get3A_586 = vector.shape_cast %get3A_585 : vector<1x16xi32> to vector<16xi32>
      %get3A_587 = arith.constant 0 : i32
      %get3A_588 = arith.index_cast %get3A_587 : i32 to index
      %get3A_589 = arith.index_cast %scan3A_492 : i32 to index
      %get3A_590 = arith.constant 32 : index
      %get3A_591 = tpu.vector_load %arg8[%get3A_588, %get3A_589, %get3A_590] {strides = array<i32>} : memref<3x128x64xi32, #tpu.memory_space<vmem>>, vector<1x1x16xi32>,
      %get3A_592 = vector.shape_cast %get3A_591 : vector<1x1x16xi32> to vector<16xi32>
      %shift_left3A_593 = arith.constant 16 : i32
      %shift_left3A_594 = vector.broadcast %shift_left3A_593 : i32 to vector<16xi32>
      %shift_left3A_595 = arith.shli %get3A_586, %shift_left3A_594 : vector<16xi32>
      %bitcast_convert_type3A_596 = tpu.bitcast %shift_left3A_595 : vector<16xi32> -> vector<16xf32>
      %shift_left3A_597 = arith.constant 16 : i32
      %shift_left3A_598 = vector.broadcast %shift_left3A_597 : i32 to vector<16xi32>
      %shift_left3A_599 = arith.shli %get3A_592, %shift_left3A_598 : vector<16xi32>
      %bitcast_convert_type3A_600 = tpu.bitcast %shift_left3A_599 : vector<16xi32> -> vector<16xf32>
      %add3A_601 = arith.addf %bitcast_convert_type3A_596, %bitcast_convert_type3A_600 : vector<16xf32>
      %and3A_602 = arith.constant -65536 : i32
      %and3A_603 = vector.broadcast %and3A_602 : i32 to vector<16xi32>
      %and3A_604 = arith.andi %get3A_586, %and3A_603 : vector<16xi32>
      %bitcast_convert_type3A_605 = tpu.bitcast %and3A_604 : vector<16xi32> -> vector<16xf32>
      %and3A_606 = arith.constant -65536 : i32
      %and3A_607 = vector.broadcast %and3A_606 : i32 to vector<16xi32>
      %and3A_608 = arith.andi %get3A_592, %and3A_607 : vector<16xi32>
      %bitcast_convert_type3A_609 = tpu.bitcast %and3A_608 : vector<16xi32> -> vector<16xf32>
      %add3A_610 = arith.addf %bitcast_convert_type3A_605, %bitcast_convert_type3A_609 : vector<16xf32>
      %swap3A_611 = arith.constant 1 : i32
      %swap3A_612 = arith.index_cast %swap3A_611 : i32 to index
      %swap3A_613 = arith.index_cast %scan3A_492 : i32 to index
      %swap3A_614 = arith.constant 64 : index
      %swap3A_615 = tpu.vector_load %arg9[%swap3A_612, %swap3A_613, %swap3A_614] {strides = array<i32>} : memref<2x128x128xf32, #tpu.memory_space<vmem>>, vector<1x1x16xf32>,
      %swap3A_616 = vector.shape_cast %swap3A_615 : vector<1x1x16xf32> to vector<16xf32>
      %swap3A_617 = vector.shape_cast %add3A_601 : vector<16xf32> to vector<1x1x16xf32>
      tpu.vector_store %arg9[%swap3A_612, %swap3A_613, %swap3A_614], %swap3A_617 {strides = array<i32>} : memref<2x128x128xf32, #tpu.memory_space<vmem>>, vector<1x1x16xf32>,
      %swap3A_618 = arith.constant 1 : i32
      %swap3A_619 = arith.index_cast %swap3A_618 : i32 to index
      %swap3A_620 = arith.index_cast %scan3A_492 : i32 to index
      %swap3A_621 = arith.constant 80 : index
      %swap3A_622 = tpu.vector_load %arg9[%swap3A_619, %swap3A_620, %swap3A_621] {strides = array<i32>} : memref<2x128x128xf32, #tpu.memory_space<vmem>>, vector<1x1x16xf32>,
      %swap3A_623 = vector.shape_cast %swap3A_622 : vector<1x1x16xf32> to vector<16xf32>
      %swap3A_624 = vector.shape_cast %add3A_610 : vector<16xf32> to vector<1x1x16xf32>
      tpu.vector_store %arg9[%swap3A_619, %swap3A_620, %swap3A_621], %swap3A_624 {strides = array<i32>} : memref<2x128x128xf32, #tpu.memory_space<vmem>>, vector<1x1x16xf32>,
      %add3A_625 = arith.constant 384 : i32
      %add3A_626 = arith.addi %add3A_625, %scan3A_492 : i32
      %get3A_627 = arith.index_cast %add3A_626 : i32 to index
      %get3A_628 = arith.constant 48 : index
      %get3A_629 = tpu.vector_load %arg7[%get3A_627, %get3A_628] {strides = array<i32>} : memref<512x64xi32, #tpu.memory_space<vmem>>, vector<1x16xi32>,
      %get3A_630 = vector.shape_cast %get3A_629 : vector<1x16xi32> to vector<16xi32>
      %get3A_631 = arith.constant 0 : i32
      %get3A_632 = arith.index_cast %get3A_631 : i32 to index
      %get3A_633 = arith.index_cast %scan3A_492 : i32 to index
      %get3A_634 = arith.constant 48 : index
      %get3A_635 = tpu.vector_load %arg8[%get3A_632, %get3A_633, %get3A_634] {strides = array<i32>} : memref<3x128x64xi32, #tpu.memory_space<vmem>>, vector<1x1x16xi32>,
      %get3A_636 = vector.shape_cast %get3A_635 : vector<1x1x16xi32> to vector<16xi32>
      %shift_left3A_637 = arith.constant 16 : i32
      %shift_left3A_638 = vector.broadcast %shift_left3A_637 : i32 to vector<16xi32>
      %shift_left3A_639 = arith.shli %get3A_630, %shift_left3A_638 : vector<16xi32>
      %bitcast_convert_type3A_640 = tpu.bitcast %shift_left3A_639 : vector<16xi32> -> vector<16xf32>
      %shift_left3A_641 = arith.constant 16 : i32
      %shift_left3A_642 = vector.broadcast %shift_left3A_641 : i32 to vector<16xi32>
      %shift_left3A_643 = arith.shli %get3A_636, %shift_left3A_642 : vector<16xi32>
      %bitcast_convert_type3A_644 = tpu.bitcast %shift_left3A_643 : vector<16xi32> -> vector<16xf32>
      %add3A_645 = arith.addf %bitcast_convert_type3A_640, %bitcast_convert_type3A_644 : vector<16xf32>
      %and3A_646 = arith.constant -65536 : i32
      %and3A_647 = vector.broadcast %and3A_646 : i32 to vector<16xi32>
      %and3A_648 = arith.andi %get3A_630, %and3A_647 : vector<16xi32>
      %bitcast_convert_type3A_649 = tpu.bitcast %and3A_648 : vector<16xi32> -> vector<16xf32>
      %and3A_650 = arith.constant -65536 : i32
      %and3A_651 = vector.broadcast %and3A_650 : i32 to vector<16xi32>
      %and3A_652 = arith.andi %get3A_636, %and3A_651 : vector<16xi32>
      %bitcast_convert_type3A_653 = tpu.bitcast %and3A_652 : vector<16xi32> -> vector<16xf32>
      %add3A_654 = arith.addf %bitcast_convert_type3A_649, %bitcast_convert_type3A_653 : vector<16xf32>
      %swap3A_655 = arith.constant 1 : i32
      %swap3A_656 = arith.index_cast %swap3A_655 : i32 to index
      %swap3A_657 = arith.index_cast %scan3A_492 : i32 to index
      %swap3A_658 = arith.constant 96 : index
      %swap3A_659 = tpu.vector_load %arg9[%swap3A_656, %swap3A_657, %swap3A_658] {strides = array<i32>} : memref<2x128x128xf32, #tpu.memory_space<vmem>>, vector<1x1x16xf32>,
      %swap3A_660 = vector.shape_cast %swap3A_659 : vector<1x1x16xf32> to vector<16xf32>
      %swap3A_661 = vector.shape_cast %add3A_645 : vector<16xf32> to vector<1x1x16xf32>
      tpu.vector_store %arg9[%swap3A_656, %swap3A_657, %swap3A_658], %swap3A_661 {strides = array<i32>} : memref<2x128x128xf32, #tpu.memory_space<vmem>>, vector<1x1x16xf32>,
      %swap3A_662 = arith.constant 1 : i32
      %swap3A_663 = arith.index_cast %swap3A_662 : i32 to index
      %swap3A_664 = arith.index_cast %scan3A_492 : i32 to index
      %swap3A_665 = arith.constant 112 : index
      %swap3A_666 = tpu.vector_load %arg9[%swap3A_663, %swap3A_664, %swap3A_665] {strides = array<i32>} : memref<2x128x128xf32, #tpu.memory_space<vmem>>, vector<1x1x16xf32>,
      %swap3A_667 = vector.shape_cast %swap3A_666 : vector<1x1x16xf32> to vector<16xf32>
      %swap3A_668 = vector.shape_cast %add3A_654 : vector<16xf32> to vector<1x1x16xf32>
      tpu.vector_store %arg9[%swap3A_663, %swap3A_664, %swap3A_665], %swap3A_668 {strides = array<i32>} : memref<2x128x128xf32, #tpu.memory_space<vmem>>, vector<1x1x16xf32>,
      %scan3A_669 = arith.constant 0 : i32
      scf.yield %scan3A_669 : i32
    }
    %scan3A_275 = arith.constant 128 : i32
    %add3A_276 = arith.constant 384 : i32
    %add3A_277 = arith.addi %mul3A_2, %add3A_276 : i32
    %dma_start3A_278 = arith.constant 1 : i32
    %dma_start3A_279 = arith.constant 0 : i32
    %dma_start3A_280 = arith.constant 0 : i32
    %dma_start3A_281 = tpu.memref_slice %arg9[%dma_start3A_278, %dma_start3A_279, %dma_start3A_280] : memref<2x128x128xf32, #tpu.memory_space<vmem>> -> memref<1x128x128xf32, #tpu.memory_space<vmem>>
    %dma_start3A_282 = tpu.memref_squeeze %dma_start3A_281 : memref<1x128x128xf32, #tpu.memory_space<vmem>> -> memref<128x128xf32, #tpu.memory_space<vmem>>
    %dma_start3A_283 = arith.constant 0 : i32
    %dma_start3A_284 = tpu.memref_slice %arg5[%add3A_277, %dma_start3A_283] : memref<16384x128xf32, #tpu.memory_space<hbm>> -> memref<128x128xf32, #tpu.memory_space<hbm>>
    %dma_start3A_285 = arith.constant 0 : i32
    %dma_start3A_286 = tpu.memref_slice %arg5[%add3A_277, %dma_start3A_285] : memref<16384x128xf32, #tpu.memory_space<hbm>> -> memref<128x128xf32, #tpu.memory_space<hbm>>
    %dma_start3A_287 = arith.constant 0 : i32
    %dma_start3A_288 = arith.constant 0 : i32
    %dma_start3A_289 = tpu.memref_slice %arg9[%dma_start3A_278, %dma_start3A_287, %dma_start3A_288] : memref<2x128x128xf32, #tpu.memory_space<vmem>> -> memref<1x128x128xf32, #tpu.memory_space<vmem>>
    %dma_start3A_290 = tpu.memref_squeeze %dma_start3A_289 : memref<1x128x128xf32, #tpu.memory_space<vmem>> -> memref<128x128xf32, #tpu.memory_space<vmem>>
    tpu.enqueue_dma source(%dma_start3A_290 : memref<128x128xf32, #tpu.memory_space<vmem>>) target(%dma_start3A_286 : memref<128x128xf32, #tpu.memory_space<hbm>>) target_semaphore(%arg12 : memref<!tpu.dma_semaphore, #tpu.memory_space<semaphore_mem>>)
    %dma_wait3A_291 = arith.constant 0 : i32
    %dma_wait3A_292 = arith.constant 0 : i32
    %dma_wait3A_293 = arith.constant 0 : i32
    %dma_wait3A_294 = tpu.memref_slice %arg9[%dma_wait3A_291, %dma_wait3A_292, %dma_wait3A_293] : memref<2x128x128xf32, #tpu.memory_space<vmem>> -> memref<1x128x128xf32, #tpu.memory_space<vmem>>
    %dma_wait3A_295 = tpu.memref_squeeze %dma_wait3A_294 : memref<1x128x128xf32, #tpu.memory_space<vmem>> -> memref<128x128xf32, #tpu.memory_space<vmem>>
    %dma_wait3A_296 = arith.constant 0 : i32
    %dma_wait3A_297 = tpu.memref_slice %arg5[%add3A_220, %dma_wait3A_296] : memref<16384x128xf32, #tpu.memory_space<hbm>> -> memref<128x128xf32, #tpu.memory_space<hbm>>
    %dma_wait3A_298 = arith.constant 0 : i32
    %dma_wait3A_299 = tpu.memref_slice %arg5[%add3A_220, %dma_wait3A_298] : memref<16384x128xf32, #tpu.memory_space<hbm>> -> memref<128x128xf32, #tpu.memory_space<hbm>>
    %dma_wait3A_300 = arith.constant 0 : i32
    %dma_wait3A_301 = arith.constant 0 : i32
    %dma_wait3A_302 = tpu.memref_slice %arg9[%dma_wait3A_291, %dma_wait3A_300, %dma_wait3A_301] : memref<2x128x128xf32, #tpu.memory_space<vmem>> -> memref<1x128x128xf32, #tpu.memory_space<vmem>>
    %dma_wait3A_303 = tpu.memref_squeeze %dma_wait3A_302 : memref<1x128x128xf32, #tpu.memory_space<vmem>> -> memref<128x128xf32, #tpu.memory_space<vmem>>
    tpu.wait_dma2 semaphore(%arg12 : memref<!tpu.dma_semaphore, #tpu.memory_space<semaphore_mem>>) src(%dma_wait3A_303 : memref<128x128xf32, #tpu.memory_space<vmem>>) dst(%dma_wait3A_299 : memref<128x128xf32, #tpu.memory_space<hbm>>)
    %dma_wait3A_304 = arith.constant 1 : i32
    %dma_wait3A_305 = arith.constant 0 : i32
    %dma_wait3A_306 = arith.constant 0 : i32
    %dma_wait3A_307 = tpu.memref_slice %arg9[%dma_wait3A_304, %dma_wait3A_305, %dma_wait3A_306] : memref<2x128x128xf32, #tpu.memory_space<vmem>> -> memref<1x128x128xf32, #tpu.memory_space<vmem>>
    %dma_wait3A_308 = tpu.memref_squeeze %dma_wait3A_307 : memref<1x128x128xf32, #tpu.memory_space<vmem>> -> memref<128x128xf32, #tpu.memory_space<vmem>>
    %dma_wait3A_309 = arith.constant 0 : i32
    %dma_wait3A_310 = tpu.memref_slice %arg5[%add3A_277, %dma_wait3A_309] : memref<16384x128xf32, #tpu.memory_space<hbm>> -> memref<128x128xf32, #tpu.memory_space<hbm>>
    %dma_wait3A_311 = arith.constant 0 : i32
    %dma_wait3A_312 = tpu.memref_slice %arg5[%add3A_277, %dma_wait3A_311] : memref<16384x128xf32, #tpu.memory_space<hbm>> -> memref<128x128xf32, #tpu.memory_space<hbm>>
    %dma_wait3A_313 = arith.constant 0 : i32
    %dma_wait3A_314 = arith.constant 0 : i32
    %dma_wait3A_315 = tpu.memref_slice %arg9[%dma_wait3A_304, %dma_wait3A_313, %dma_wait3A_314] : memref<2x128x128xf32, #tpu.memory_space<vmem>> -> memref<1x128x128xf32, #tpu.memory_space<vmem>>
    %dma_wait3A_316 = tpu.memref_squeeze %dma_wait3A_315 : memref<1x128x128xf32, #tpu.memory_space<vmem>> -> memref<128x128xf32, #tpu.memory_space<vmem>>
    tpu.wait_dma2 semaphore(%arg12 : memref<!tpu.dma_semaphore, #tpu.memory_space<semaphore_mem>>) src(%dma_wait3A_316 : memref<128x128xf32, #tpu.memory_space<vmem>>) dst(%dma_wait3A_312 : memref<128x128xf32, #tpu.memory_space<hbm>>)
    return
  }
}

module attributes {stable_mosaic.version = 14 : i64} {
  func.func @_pair_body(%arg0: memref<50x32xf32, #tpu.memory_space<vmem>>, %arg1: memref<12x32xf32, #tpu.memory_space<vmem>>, %arg2: memref<31x32xf32, #tpu.memory_space<vmem>>, %arg3: memref<24x32xf32, #tpu.memory_space<vmem>>, %arg4: memref<128x128xf32, #tpu.memory_space<vmem>>, %arg5: memref<1x128xf32, #tpu.memory_space<vmem>>, %arg6: memref<600x64xi32, #tpu.memory_space<vmem>>, %arg7: memref<744x64xi32, #tpu.memory_space<vmem>>) attributes {dimension_semantics = [], scalar_prefetch = 0 : i64, scratch_operands = 0 : i64, tpu.core_type = #tpu.core_type<tc>} {
    %get3A = arith.constant 0 : index
    %get3A_0 = arith.constant 0 : index
    %get3A_1 = vector.load %arg4[%get3A, %get3A_0] : memref<128x128xf32, #tpu.memory_space<vmem>>, vector<128x128xf32>
    %get3A_2 = arith.constant 0 : index
    %get3A_3 = arith.constant 0 : index
    %get3A_4 = vector.load %arg0[%get3A_2, %get3A_3] : memref<50x32xf32, #tpu.memory_space<vmem>>, vector<50x32xf32>
    %slice3A = vector.extract_strided_slice %get3A_1 {offsets = [0, 0], sizes = [128, 32], strides = [1, 1]} : vector<128x128xf32> to vector<128x32xf32>
    %dot_general3A = arith.constant dense<0.000000e+00> : vector<50x128xf32>
    %dot_general3A_5 = tpu.matmul %get3A_4, %slice3A, %dot_general3A {dimension_numbers = #tpu.dot_dimension_numbers<[1], [1], [0], [0], [0, 0, 1, 0], [], []>, transpose_lhs_hint = false} : vector<50x32xf32>, vector<128x32xf32>, vector<50x128xf32> -> vector<50x128xf32>
    %get3A_6 = arith.constant 0 : index
    %get3A_7 = arith.constant 0 : index
    %get3A_8 = vector.load %arg1[%get3A_6, %get3A_7] : memref<12x32xf32, #tpu.memory_space<vmem>>, vector<12x32xf32>
    %slice3A_9 = vector.extract_strided_slice %get3A_1 {offsets = [0, 32], sizes = [128, 32], strides = [1, 1]} : vector<128x128xf32> to vector<128x32xf32>
    %dot_general3A_10 = arith.constant dense<0.000000e+00> : vector<12x128xf32>
    %dot_general3A_11 = tpu.matmul %get3A_8, %slice3A_9, %dot_general3A_10 {dimension_numbers = #tpu.dot_dimension_numbers<[1], [1], [0], [0], [0, 0, 1, 0], [], []>, transpose_lhs_hint = false} : vector<12x32xf32>, vector<128x32xf32>, vector<12x128xf32> -> vector<12x128xf32>
    %get3A_12 = arith.constant 0 : index
    %get3A_13 = arith.constant 0 : index
    %get3A_14 = vector.load %arg2[%get3A_12, %get3A_13] : memref<31x32xf32, #tpu.memory_space<vmem>>, vector<31x32xf32>
    %slice3A_15 = vector.extract_strided_slice %get3A_1 {offsets = [0, 64], sizes = [128, 32], strides = [1, 1]} : vector<128x128xf32> to vector<128x32xf32>
    %dot_general3A_16 = arith.constant dense<0.000000e+00> : vector<31x128xf32>
    %dot_general3A_17 = tpu.matmul %get3A_14, %slice3A_15, %dot_general3A_16 {dimension_numbers = #tpu.dot_dimension_numbers<[1], [1], [0], [0], [0, 0, 1, 0], [], []>, transpose_lhs_hint = false} : vector<31x32xf32>, vector<128x32xf32>, vector<31x128xf32> -> vector<31x128xf32>
    %get3A_18 = arith.constant 0 : index
    %get3A_19 = arith.constant 0 : index
    %get3A_20 = vector.load %arg3[%get3A_18, %get3A_19] : memref<24x32xf32, #tpu.memory_space<vmem>>, vector<24x32xf32>
    %slice3A_21 = vector.extract_strided_slice %get3A_1 {offsets = [0, 96], sizes = [128, 32], strides = [1, 1]} : vector<128x128xf32> to vector<128x32xf32>
    %dot_general3A_22 = arith.constant dense<0.000000e+00> : vector<24x128xf32>
    %dot_general3A_23 = tpu.matmul %get3A_20, %slice3A_21, %dot_general3A_22 {dimension_numbers = #tpu.dot_dimension_numbers<[1], [1], [0], [0], [0, 0, 1, 0], [], []>, transpose_lhs_hint = false} : vector<24x32xf32>, vector<128x32xf32>, vector<24x128xf32> -> vector<24x128xf32>
    %iota3A = tpu.iota {dimensions = array<i32: 0>} : vector<128x64xi32>
    %iota3A_24 = tpu.iota {dimensions = array<i32: 1>} : vector<128x64xi32>
    %jit3A = arith.constant 16 : i32
    %div3A = vector.broadcast %jit3A : i32 to vector<128x64xi32>
    %div3A_25 = arith.divsi %iota3A_24, %div3A : vector<128x64xi32>
    %sign3A = arith.constant 0 : i32
    %sign3A_26 = vector.broadcast %sign3A : i32 to vector<128x64xi32>
    %sign3A_27 = arith.cmpi sgt, %iota3A_24, %sign3A_26 : vector<128x64xi32>
    %sign3A_28 = arith.extui %sign3A_27 : vector<128x64xi1> to vector<128x64xi32>
    %sign3A_29 = arith.constant 0 : i32
    %sign3A_30 = vector.broadcast %sign3A_29 : i32 to vector<128x64xi32>
    %sign3A_31 = arith.cmpi slt, %iota3A_24, %sign3A_30 : vector<128x64xi32>
    %sign3A_32 = arith.extui %sign3A_31 : vector<128x64xi1> to vector<128x64xi32>
    %sign3A_33 = arith.subi %sign3A_28, %sign3A_32 : vector<128x64xi32>
    %sign3A_34 = arith.constant 0 : i32
    %sign3A_35 = arith.cmpi sgt, %jit3A, %sign3A_34 : i32
    %sign3A_36 = arith.extui %sign3A_35 : i1 to i32
    %sign3A_37 = arith.constant 0 : i32
    %sign3A_38 = arith.cmpi slt, %jit3A, %sign3A_37 : i32
    %sign3A_39 = arith.extui %sign3A_38 : i1 to i32
    %sign3A_40 = arith.subi %sign3A_36, %sign3A_39 : i32
    %ne3A = vector.broadcast %sign3A_40 : i32 to vector<128x64xi32>
    %ne3A_41 = arith.cmpi ne, %sign3A_33, %ne3A : vector<128x64xi32>
    %rem3A = vector.broadcast %jit3A : i32 to vector<128x64xi32>
    %rem3A_42 = arith.remsi %iota3A_24, %rem3A : vector<128x64xi32>
    %ne3A_43 = arith.constant 0 : i32
    %ne3A_44 = vector.broadcast %ne3A_43 : i32 to vector<128x64xi32>
    %ne3A_45 = arith.cmpi ne, %rem3A_42, %ne3A_44 : vector<128x64xi32>
    %and3A = arith.andi %ne3A_41, %ne3A_45 : vector<128x64xi1>
    %sub3A = arith.constant 1 : i32
    %sub3A_46 = vector.broadcast %sub3A : i32 to vector<128x64xi32>
    %sub3A_47 = arith.subi %div3A_25, %sub3A_46 : vector<128x64xi32>
    %select_n3A = arith.select %and3A, %sub3A_47, %div3A_25 : vector<128x64xi1>, vector<128x64xi32>
    %mul3A = arith.constant 32 : i32
    %mul3A_48 = vector.broadcast %mul3A : i32 to vector<128x64xi32>
    %mul3A_49 = arith.muli %mul3A_48, %select_n3A : vector<128x64xi32>
    %jit3A_50 = arith.constant 16 : i32
    %eq3A = arith.constant 0 : i32
    %eq3A_51 = arith.cmpi eq, %jit3A_50, %eq3A : i32
    %jit3A_52 = arith.constant 1 : i32
    %select_n3A_53 = arith.select %eq3A_51, %jit3A_52, %jit3A_50 : i32
    %rem3A_54 = vector.broadcast %select_n3A_53 : i32 to vector<128x64xi32>
    %rem3A_55 = arith.remsi %iota3A_24, %rem3A_54 : vector<128x64xi32>
    %ne3A_56 = arith.constant 0 : i32
    %ne3A_57 = vector.broadcast %ne3A_56 : i32 to vector<128x64xi32>
    %ne3A_58 = arith.cmpi ne, %rem3A_55, %ne3A_57 : vector<128x64xi32>
    %lt3A = arith.constant 0 : i32
    %lt3A_59 = vector.broadcast %lt3A : i32 to vector<128x64xi32>
    %lt3A_60 = arith.cmpi slt, %rem3A_55, %lt3A_59 : vector<128x64xi32>
    %lt3A_61 = arith.constant 0 : i32
    %lt3A_62 = arith.cmpi slt, %select_n3A_53, %lt3A_61 : i32
    %ne3A_63 = vector.broadcast %lt3A_62 : i1 to vector<128x64xi1>
    %ne3A_64 = vector.broadcast %ne3A_63 : vector<128x64xi1> to vector<128x64xi1>
    %ne3A_65 = arith.xori %lt3A_60, %ne3A_64 : vector<128x64xi1>
    %and3A_66 = arith.andi %ne3A_65, %ne3A_58 : vector<128x64xi1>
    %add3A = vector.broadcast %select_n3A_53 : i32 to vector<128x64xi32>
    %add3A_67 = arith.addi %rem3A_55, %add3A : vector<128x64xi32>
    %select_n3A_68 = arith.select %and3A_66, %add3A_67, %rem3A_55 : vector<128x64xi1>, vector<128x64xi32>
    %add3A_69 = arith.addi %mul3A_49, %select_n3A_68 : vector<128x64xi32>
    %eq3A_70 = arith.cmpi eq, %iota3A, %add3A_69 : vector<128x64xi32>
    %convert_element_type3A = arith.extui %eq3A_70 : vector<128x64xi1> to vector<128x64xi32>
    %convert_element_type3A_71 = arith.sitofp %convert_element_type3A : vector<128x64xi32> to vector<128x64xf32>
    %add3A_72 = arith.constant 16 : i32
    %add3A_73 = vector.broadcast %add3A_72 : i32 to vector<128x64xi32>
    %add3A_74 = arith.addi %add3A_69, %add3A_73 : vector<128x64xi32>
    %eq3A_75 = arith.cmpi eq, %iota3A, %add3A_74 : vector<128x64xi32>
    %convert_element_type3A_76 = arith.extui %eq3A_75 : vector<128x64xi1> to vector<128x64xi32>
    %convert_element_type3A_77 = arith.sitofp %convert_element_type3A_76 : vector<128x64xi32> to vector<128x64xf32>
    %iota3A_78 = tpu.iota {dimensions = array<i32: 0>} : vector<600x50xi32>
    %iota3A_79 = tpu.iota {dimensions = array<i32: 1>} : vector<600x50xi32>
    %jit3A_80 = arith.constant 12 : i32
    %div3A_81 = vector.broadcast %jit3A_80 : i32 to vector<600x50xi32>
    %div3A_82 = arith.divsi %iota3A_78, %div3A_81 : vector<600x50xi32>
    %sign3A_83 = arith.constant 0 : i32
    %sign3A_84 = vector.broadcast %sign3A_83 : i32 to vector<600x50xi32>
    %sign3A_85 = arith.cmpi sgt, %iota3A_78, %sign3A_84 : vector<600x50xi32>
    %sign3A_86 = arith.extui %sign3A_85 : vector<600x50xi1> to vector<600x50xi32>
    %sign3A_87 = arith.constant 0 : i32
    %sign3A_88 = vector.broadcast %sign3A_87 : i32 to vector<600x50xi32>
    %sign3A_89 = arith.cmpi slt, %iota3A_78, %sign3A_88 : vector<600x50xi32>
    %sign3A_90 = arith.extui %sign3A_89 : vector<600x50xi1> to vector<600x50xi32>
    %sign3A_91 = arith.subi %sign3A_86, %sign3A_90 : vector<600x50xi32>
    %sign3A_92 = arith.constant 0 : i32
    %sign3A_93 = arith.cmpi sgt, %jit3A_80, %sign3A_92 : i32
    %sign3A_94 = arith.extui %sign3A_93 : i1 to i32
    %sign3A_95 = arith.constant 0 : i32
    %sign3A_96 = arith.cmpi slt, %jit3A_80, %sign3A_95 : i32
    %sign3A_97 = arith.extui %sign3A_96 : i1 to i32
    %sign3A_98 = arith.subi %sign3A_94, %sign3A_97 : i32
    %ne3A_99 = vector.broadcast %sign3A_98 : i32 to vector<600x50xi32>
    %ne3A_100 = arith.cmpi ne, %sign3A_91, %ne3A_99 : vector<600x50xi32>
    %rem3A_101 = vector.broadcast %jit3A_80 : i32 to vector<600x50xi32>
    %rem3A_102 = arith.remsi %iota3A_78, %rem3A_101 : vector<600x50xi32>
    %ne3A_103 = arith.constant 0 : i32
    %ne3A_104 = vector.broadcast %ne3A_103 : i32 to vector<600x50xi32>
    %ne3A_105 = arith.cmpi ne, %rem3A_102, %ne3A_104 : vector<600x50xi32>
    %and3A_106 = arith.andi %ne3A_100, %ne3A_105 : vector<600x50xi1>
    %sub3A_107 = arith.constant 1 : i32
    %sub3A_108 = vector.broadcast %sub3A_107 : i32 to vector<600x50xi32>
    %sub3A_109 = arith.subi %div3A_82, %sub3A_108 : vector<600x50xi32>
    %select_n3A_110 = arith.select %and3A_106, %sub3A_109, %div3A_82 : vector<600x50xi1>, vector<600x50xi32>
    %eq3A_111 = arith.cmpi eq, %select_n3A_110, %iota3A_79 : vector<600x50xi32>
    %convert_element_type3A_112 = arith.extui %eq3A_111 : vector<600x50xi1> to vector<600x50xi32>
    %convert_element_type3A_113 = arith.sitofp %convert_element_type3A_112 : vector<600x50xi32> to vector<600x50xf32>
    %iota3A_114 = tpu.iota {dimensions = array<i32: 0>} : vector<600x12xi32>
    %iota3A_115 = tpu.iota {dimensions = array<i32: 1>} : vector<600x12xi32>
    %jit3A_116 = arith.constant 12 : i32
    %eq3A_117 = arith.constant 0 : i32
    %eq3A_118 = arith.cmpi eq, %jit3A_116, %eq3A_117 : i32
    %jit3A_119 = arith.constant 1 : i32
    %select_n3A_120 = arith.select %eq3A_118, %jit3A_119, %jit3A_116 : i32
    %rem3A_121 = vector.broadcast %select_n3A_120 : i32 to vector<600x12xi32>
    %rem3A_122 = arith.remsi %iota3A_114, %rem3A_121 : vector<600x12xi32>
    %ne3A_123 = arith.constant 0 : i32
    %ne3A_124 = vector.broadcast %ne3A_123 : i32 to vector<600x12xi32>
    %ne3A_125 = arith.cmpi ne, %rem3A_122, %ne3A_124 : vector<600x12xi32>
    %lt3A_126 = arith.constant 0 : i32
    %lt3A_127 = vector.broadcast %lt3A_126 : i32 to vector<600x12xi32>
    %lt3A_128 = arith.cmpi slt, %rem3A_122, %lt3A_127 : vector<600x12xi32>
    %lt3A_129 = arith.constant 0 : i32
    %lt3A_130 = arith.cmpi slt, %select_n3A_120, %lt3A_129 : i32
    %ne3A_131 = vector.broadcast %lt3A_130 : i1 to vector<600x12xi1>
    %ne3A_132 = vector.broadcast %ne3A_131 : vector<600x12xi1> to vector<600x12xi1>
    %ne3A_133 = arith.xori %lt3A_128, %ne3A_132 : vector<600x12xi1>
    %and3A_134 = arith.andi %ne3A_133, %ne3A_125 : vector<600x12xi1>
    %add3A_135 = vector.broadcast %select_n3A_120 : i32 to vector<600x12xi32>
    %add3A_136 = arith.addi %rem3A_122, %add3A_135 : vector<600x12xi32>
    %select_n3A_137 = arith.select %and3A_134, %add3A_136, %rem3A_122 : vector<600x12xi1>, vector<600x12xi32>
    %eq3A_138 = arith.cmpi eq, %select_n3A_137, %iota3A_115 : vector<600x12xi32>
    %convert_element_type3A_139 = arith.extui %eq3A_138 : vector<600x12xi1> to vector<600x12xi32>
    %convert_element_type3A_140 = arith.sitofp %convert_element_type3A_139 : vector<600x12xi32> to vector<600x12xf32>
    %dot_general3A_141 = arith.constant dense<0.000000e+00> : vector<600x128xf32>
    %dot_general3A_142 = tpu.matmul %convert_element_type3A_113, %dot_general3A_5, %dot_general3A_141 {dimension_numbers = #tpu.dot_dimension_numbers<[1], [0], [0], [1], [0, 0, 1, 1], [], []>, transpose_lhs_hint = false} : vector<600x50xf32>, vector<50x128xf32>, vector<600x128xf32> -> vector<600x128xf32>
    %dot_general3A_143 = arith.constant dense<0.000000e+00> : vector<600x128xf32>
    %dot_general3A_144 = tpu.matmul %convert_element_type3A_140, %dot_general3A_11, %dot_general3A_143 {dimension_numbers = #tpu.dot_dimension_numbers<[1], [0], [0], [1], [0, 0, 1, 1], [], []>, transpose_lhs_hint = false} : vector<600x12xf32>, vector<12x128xf32>, vector<600x128xf32> -> vector<600x128xf32>
    %add3A_145 = arith.addf %dot_general3A_142, %dot_general3A_144 : vector<600x128xf32>
    %dot_general3A_146 = arith.constant dense<0.000000e+00> : vector<600x64xf32>
    %dot_general3A_147 = tpu.matmul %add3A_145, %convert_element_type3A_71, %dot_general3A_146 {dimension_numbers = #tpu.dot_dimension_numbers<[1], [0], [0], [1], [0, 0, 1, 1], [], []>, transpose_lhs_hint = false} : vector<600x128xf32>, vector<128x64xf32>, vector<600x64xf32> -> vector<600x64xf32>
    %dot_general3A_148 = arith.constant dense<0.000000e+00> : vector<600x64xf32>
    %dot_general3A_149 = tpu.matmul %add3A_145, %convert_element_type3A_77, %dot_general3A_148 {dimension_numbers = #tpu.dot_dimension_numbers<[1], [0], [0], [1], [0, 0, 1, 1], [], []>, transpose_lhs_hint = false} : vector<600x128xf32>, vector<128x64xf32>, vector<600x64xf32> -> vector<600x64xf32>
    %bitcast_convert_type3A = tpu.bitcast %dot_general3A_147 : vector<600x64xf32> -> vector<600x64xi32>
    %add3A_150 = arith.constant 32767 : i32
    %add3A_151 = vector.broadcast %add3A_150 : i32 to vector<600x64xi32>
    %add3A_152 = arith.addi %bitcast_convert_type3A, %add3A_151 : vector<600x64xi32>
    %shift_right_arithmetic3A = arith.constant 16 : i32
    %shift_right_arithmetic3A_153 = vector.broadcast %shift_right_arithmetic3A : i32 to vector<600x64xi32>
    %shift_right_arithmetic3A_154 = arith.shrsi %bitcast_convert_type3A, %shift_right_arithmetic3A_153 : vector<600x64xi32>
    %and3A_155 = arith.constant 1 : i32
    %and3A_156 = vector.broadcast %and3A_155 : i32 to vector<600x64xi32>
    %and3A_157 = arith.andi %shift_right_arithmetic3A_154, %and3A_156 : vector<600x64xi32>
    %add3A_158 = arith.addi %add3A_152, %and3A_157 : vector<600x64xi32>
    %and3A_159 = arith.constant -65536 : i32
    %and3A_160 = vector.broadcast %and3A_159 : i32 to vector<600x64xi32>
    %and3A_161 = arith.andi %add3A_158, %and3A_160 : vector<600x64xi32>
    %shift_right_logical3A = arith.constant 16 : i32
    %shift_right_logical3A_162 = vector.broadcast %shift_right_logical3A : i32 to vector<600x64xi32>
    %shift_right_logical3A_163 = arith.shrui %and3A_161, %shift_right_logical3A_162 : vector<600x64xi32>
    %bitcast_convert_type3A_164 = tpu.bitcast %dot_general3A_149 : vector<600x64xf32> -> vector<600x64xi32>
    %add3A_165 = arith.constant 32767 : i32
    %add3A_166 = vector.broadcast %add3A_165 : i32 to vector<600x64xi32>
    %add3A_167 = arith.addi %bitcast_convert_type3A_164, %add3A_166 : vector<600x64xi32>
    %shift_right_arithmetic3A_168 = arith.constant 16 : i32
    %shift_right_arithmetic3A_169 = vector.broadcast %shift_right_arithmetic3A_168 : i32 to vector<600x64xi32>
    %shift_right_arithmetic3A_170 = arith.shrsi %bitcast_convert_type3A_164, %shift_right_arithmetic3A_169 : vector<600x64xi32>
    %and3A_171 = arith.constant 1 : i32
    %and3A_172 = vector.broadcast %and3A_171 : i32 to vector<600x64xi32>
    %and3A_173 = arith.andi %shift_right_arithmetic3A_170, %and3A_172 : vector<600x64xi32>
    %add3A_174 = arith.addi %add3A_167, %and3A_173 : vector<600x64xi32>
    %and3A_175 = arith.constant -65536 : i32
    %and3A_176 = vector.broadcast %and3A_175 : i32 to vector<600x64xi32>
    %and3A_177 = arith.andi %add3A_174, %and3A_176 : vector<600x64xi32>
    %or3A = arith.ori %shift_right_logical3A_163, %and3A_177 : vector<600x64xi32>
    %swap3A = arith.constant 0 : index
    %swap3A_178 = arith.constant 0 : index
    %swap3A_179 = vector.load %arg6[%swap3A, %swap3A_178] : memref<600x64xi32, #tpu.memory_space<vmem>>, vector<600x64xi32>
    tpu.vector_store %arg6[%swap3A, %swap3A_178], %or3A {strides = array<i32>} : memref<600x64xi32, #tpu.memory_space<vmem>>, vector<600x64xi32>,
    %iota3A_180 = tpu.iota {dimensions = array<i32: 0>} : vector<744x31xi32>
    %iota3A_181 = tpu.iota {dimensions = array<i32: 1>} : vector<744x31xi32>
    %jit3A_182 = arith.constant 24 : i32
    %div3A_183 = vector.broadcast %jit3A_182 : i32 to vector<744x31xi32>
    %div3A_184 = arith.divsi %iota3A_180, %div3A_183 : vector<744x31xi32>
    %sign3A_185 = arith.constant 0 : i32
    %sign3A_186 = vector.broadcast %sign3A_185 : i32 to vector<744x31xi32>
    %sign3A_187 = arith.cmpi sgt, %iota3A_180, %sign3A_186 : vector<744x31xi32>
    %sign3A_188 = arith.extui %sign3A_187 : vector<744x31xi1> to vector<744x31xi32>
    %sign3A_189 = arith.constant 0 : i32
    %sign3A_190 = vector.broadcast %sign3A_189 : i32 to vector<744x31xi32>
    %sign3A_191 = arith.cmpi slt, %iota3A_180, %sign3A_190 : vector<744x31xi32>
    %sign3A_192 = arith.extui %sign3A_191 : vector<744x31xi1> to vector<744x31xi32>
    %sign3A_193 = arith.subi %sign3A_188, %sign3A_192 : vector<744x31xi32>
    %sign3A_194 = arith.constant 0 : i32
    %sign3A_195 = arith.cmpi sgt, %jit3A_182, %sign3A_194 : i32
    %sign3A_196 = arith.extui %sign3A_195 : i1 to i32
    %sign3A_197 = arith.constant 0 : i32
    %sign3A_198 = arith.cmpi slt, %jit3A_182, %sign3A_197 : i32
    %sign3A_199 = arith.extui %sign3A_198 : i1 to i32
    %sign3A_200 = arith.subi %sign3A_196, %sign3A_199 : i32
    %ne3A_201 = vector.broadcast %sign3A_200 : i32 to vector<744x31xi32>
    %ne3A_202 = arith.cmpi ne, %sign3A_193, %ne3A_201 : vector<744x31xi32>
    %rem3A_203 = vector.broadcast %jit3A_182 : i32 to vector<744x31xi32>
    %rem3A_204 = arith.remsi %iota3A_180, %rem3A_203 : vector<744x31xi32>
    %ne3A_205 = arith.constant 0 : i32
    %ne3A_206 = vector.broadcast %ne3A_205 : i32 to vector<744x31xi32>
    %ne3A_207 = arith.cmpi ne, %rem3A_204, %ne3A_206 : vector<744x31xi32>
    %and3A_208 = arith.andi %ne3A_202, %ne3A_207 : vector<744x31xi1>
    %sub3A_209 = arith.constant 1 : i32
    %sub3A_210 = vector.broadcast %sub3A_209 : i32 to vector<744x31xi32>
    %sub3A_211 = arith.subi %div3A_184, %sub3A_210 : vector<744x31xi32>
    %select_n3A_212 = arith.select %and3A_208, %sub3A_211, %div3A_184 : vector<744x31xi1>, vector<744x31xi32>
    %eq3A_213 = arith.cmpi eq, %select_n3A_212, %iota3A_181 : vector<744x31xi32>
    %convert_element_type3A_214 = arith.extui %eq3A_213 : vector<744x31xi1> to vector<744x31xi32>
    %convert_element_type3A_215 = arith.sitofp %convert_element_type3A_214 : vector<744x31xi32> to vector<744x31xf32>
    %iota3A_216 = tpu.iota {dimensions = array<i32: 0>} : vector<744x24xi32>
    %iota3A_217 = tpu.iota {dimensions = array<i32: 1>} : vector<744x24xi32>
    %jit3A_218 = arith.constant 24 : i32
    %eq3A_219 = arith.constant 0 : i32
    %eq3A_220 = arith.cmpi eq, %jit3A_218, %eq3A_219 : i32
    %jit3A_221 = arith.constant 1 : i32
    %select_n3A_222 = arith.select %eq3A_220, %jit3A_221, %jit3A_218 : i32
    %rem3A_223 = vector.broadcast %select_n3A_222 : i32 to vector<744x24xi32>
    %rem3A_224 = arith.remsi %iota3A_216, %rem3A_223 : vector<744x24xi32>
    %ne3A_225 = arith.constant 0 : i32
    %ne3A_226 = vector.broadcast %ne3A_225 : i32 to vector<744x24xi32>
    %ne3A_227 = arith.cmpi ne, %rem3A_224, %ne3A_226 : vector<744x24xi32>
    %lt3A_228 = arith.constant 0 : i32
    %lt3A_229 = vector.broadcast %lt3A_228 : i32 to vector<744x24xi32>
    %lt3A_230 = arith.cmpi slt, %rem3A_224, %lt3A_229 : vector<744x24xi32>
    %lt3A_231 = arith.constant 0 : i32
    %lt3A_232 = arith.cmpi slt, %select_n3A_222, %lt3A_231 : i32
    %ne3A_233 = vector.broadcast %lt3A_232 : i1 to vector<744x24xi1>
    %ne3A_234 = vector.broadcast %ne3A_233 : vector<744x24xi1> to vector<744x24xi1>
    %ne3A_235 = arith.xori %lt3A_230, %ne3A_234 : vector<744x24xi1>
    %and3A_236 = arith.andi %ne3A_235, %ne3A_227 : vector<744x24xi1>
    %add3A_237 = vector.broadcast %select_n3A_222 : i32 to vector<744x24xi32>
    %add3A_238 = arith.addi %rem3A_224, %add3A_237 : vector<744x24xi32>
    %select_n3A_239 = arith.select %and3A_236, %add3A_238, %rem3A_224 : vector<744x24xi1>, vector<744x24xi32>
    %eq3A_240 = arith.cmpi eq, %select_n3A_239, %iota3A_217 : vector<744x24xi32>
    %convert_element_type3A_241 = arith.extui %eq3A_240 : vector<744x24xi1> to vector<744x24xi32>
    %convert_element_type3A_242 = arith.sitofp %convert_element_type3A_241 : vector<744x24xi32> to vector<744x24xf32>
    %dot_general3A_243 = arith.constant dense<0.000000e+00> : vector<744x128xf32>
    %dot_general3A_244 = tpu.matmul %convert_element_type3A_215, %dot_general3A_17, %dot_general3A_243 {dimension_numbers = #tpu.dot_dimension_numbers<[1], [0], [0], [1], [0, 0, 1, 1], [], []>, transpose_lhs_hint = false} : vector<744x31xf32>, vector<31x128xf32>, vector<744x128xf32> -> vector<744x128xf32>
    %dot_general3A_245 = arith.constant dense<0.000000e+00> : vector<744x128xf32>
    %dot_general3A_246 = tpu.matmul %convert_element_type3A_242, %dot_general3A_23, %dot_general3A_245 {dimension_numbers = #tpu.dot_dimension_numbers<[1], [0], [0], [1], [0, 0, 1, 1], [], []>, transpose_lhs_hint = false} : vector<744x24xf32>, vector<24x128xf32>, vector<744x128xf32> -> vector<744x128xf32>
    %add3A_247 = arith.addf %dot_general3A_244, %dot_general3A_246 : vector<744x128xf32>
    %get3A_248 = arith.constant 0 : index
    %get3A_249 = arith.constant 0 : index
    %get3A_250 = vector.load %arg5[%get3A_248, %get3A_249] : memref<1x128xf32, #tpu.memory_space<vmem>>, vector<1x128xf32>
    %add3A_251 = vector.broadcast %get3A_250 : vector<1x128xf32> to vector<744x128xf32>
    %add3A_252 = arith.addf %add3A_247, %add3A_251 : vector<744x128xf32>
    %dot_general3A_253 = arith.constant dense<0.000000e+00> : vector<744x64xf32>
    %dot_general3A_254 = tpu.matmul %add3A_252, %convert_element_type3A_71, %dot_general3A_253 {dimension_numbers = #tpu.dot_dimension_numbers<[1], [0], [0], [1], [0, 0, 1, 1], [], []>, transpose_lhs_hint = false} : vector<744x128xf32>, vector<128x64xf32>, vector<744x64xf32> -> vector<744x64xf32>
    %dot_general3A_255 = arith.constant dense<0.000000e+00> : vector<744x64xf32>
    %dot_general3A_256 = tpu.matmul %add3A_252, %convert_element_type3A_77, %dot_general3A_255 {dimension_numbers = #tpu.dot_dimension_numbers<[1], [0], [0], [1], [0, 0, 1, 1], [], []>, transpose_lhs_hint = false} : vector<744x128xf32>, vector<128x64xf32>, vector<744x64xf32> -> vector<744x64xf32>
    %bitcast_convert_type3A_257 = tpu.bitcast %dot_general3A_254 : vector<744x64xf32> -> vector<744x64xi32>
    %add3A_258 = arith.constant 32767 : i32
    %add3A_259 = vector.broadcast %add3A_258 : i32 to vector<744x64xi32>
    %add3A_260 = arith.addi %bitcast_convert_type3A_257, %add3A_259 : vector<744x64xi32>
    %shift_right_arithmetic3A_261 = arith.constant 16 : i32
    %shift_right_arithmetic3A_262 = vector.broadcast %shift_right_arithmetic3A_261 : i32 to vector<744x64xi32>
    %shift_right_arithmetic3A_263 = arith.shrsi %bitcast_convert_type3A_257, %shift_right_arithmetic3A_262 : vector<744x64xi32>
    %and3A_264 = arith.constant 1 : i32
    %and3A_265 = vector.broadcast %and3A_264 : i32 to vector<744x64xi32>
    %and3A_266 = arith.andi %shift_right_arithmetic3A_263, %and3A_265 : vector<744x64xi32>
    %add3A_267 = arith.addi %add3A_260, %and3A_266 : vector<744x64xi32>
    %and3A_268 = arith.constant -65536 : i32
    %and3A_269 = vector.broadcast %and3A_268 : i32 to vector<744x64xi32>
    %and3A_270 = arith.andi %add3A_267, %and3A_269 : vector<744x64xi32>
    %shift_right_logical3A_271 = arith.constant 16 : i32
    %shift_right_logical3A_272 = vector.broadcast %shift_right_logical3A_271 : i32 to vector<744x64xi32>
    %shift_right_logical3A_273 = arith.shrui %and3A_270, %shift_right_logical3A_272 : vector<744x64xi32>
    %bitcast_convert_type3A_274 = tpu.bitcast %dot_general3A_256 : vector<744x64xf32> -> vector<744x64xi32>
    %add3A_275 = arith.constant 32767 : i32
    %add3A_276 = vector.broadcast %add3A_275 : i32 to vector<744x64xi32>
    %add3A_277 = arith.addi %bitcast_convert_type3A_274, %add3A_276 : vector<744x64xi32>
    %shift_right_arithmetic3A_278 = arith.constant 16 : i32
    %shift_right_arithmetic3A_279 = vector.broadcast %shift_right_arithmetic3A_278 : i32 to vector<744x64xi32>
    %shift_right_arithmetic3A_280 = arith.shrsi %bitcast_convert_type3A_274, %shift_right_arithmetic3A_279 : vector<744x64xi32>
    %and3A_281 = arith.constant 1 : i32
    %and3A_282 = vector.broadcast %and3A_281 : i32 to vector<744x64xi32>
    %and3A_283 = arith.andi %shift_right_arithmetic3A_280, %and3A_282 : vector<744x64xi32>
    %add3A_284 = arith.addi %add3A_277, %and3A_283 : vector<744x64xi32>
    %and3A_285 = arith.constant -65536 : i32
    %and3A_286 = vector.broadcast %and3A_285 : i32 to vector<744x64xi32>
    %and3A_287 = arith.andi %add3A_284, %and3A_286 : vector<744x64xi32>
    %or3A_288 = arith.ori %shift_right_logical3A_273, %and3A_287 : vector<744x64xi32>
    %swap3A_289 = arith.constant 0 : index
    %swap3A_290 = arith.constant 0 : index
    %swap3A_291 = vector.load %arg7[%swap3A_289, %swap3A_290] : memref<744x64xi32, #tpu.memory_space<vmem>>, vector<744x64xi32>
    tpu.vector_store %arg7[%swap3A_289, %swap3A_290], %or3A_288 {strides = array<i32>} : memref<744x64xi32, #tpu.memory_space<vmem>>, vector<744x64xi32>,
    return
  }
}

</mosaic_0001>

<sc_bundles>
// kernel: kernel.4.cloned.1.call-start
scs
__scs_entry_jumppad:
0x0: {  	(pc) =	sbr.rel $0x88, $3  }
0x1: {  	(tag) =	ssettag $0x0;
	lr =	simm.s32 $0x1  }
0x2: {  	[smem:$0x3F9A] =	sst lr;
	_ =	strace $0xD0000000  }
0x3: {  	_ = 	snop  }
0x4: {  	_ = 	snop  }
0x5: {  	_ = 	snop  }
0x6: {  	_ = 	snop  }
0x7: {  	_ = 	snop  }
__scs_overlays_trampoline_lowered:
0x8: {  	[smem:$0x3FA9] =	sst s0  }
0x9: {  	[smem:$0x3FAA] =	sst s1  }
0xa: {  	[smem:$0x3FAB] =	sst s2  }
0xb: {  	[smem:$0x3FAC] =	sst s3  }
0xc: {  	[smem:$0x3FAD] =	sst s4  }
0xd: {  	[smem:$0x3FAE] =	sst s5  }
0xe: {  	[smem:$0x3FAF] =	sst s6  }
0xf: {  	[smem:$0x3FB0] =	sst s7  }
0x10: {  	[smem:$0x3FB1] =	sst s8  }
0x11: {  	[smem:$0x3FB2] =	sst s9;
	s0 =	simm.s32 @!p0 $0x0  }
0x12: {  	s1 =	sld [smem:$0x3F98];
	s0 =	simm.s32 @p0 $0x1  }
0x13: {  	[smem:$0x3FB3] =	sst s0;
	s0 =	simm.s32 @!p1 $0x0  }
0x14: {  	s2 =	sld [smem:$0x3F97];
	s0 =	simm.s32 @p1 $0x1  }
0x15: {  	[smem:$0x3FB4] =	sst s0;
	s0 =	simm.s32 @!p2 $0x0  }
0x16: {  	s3 =	sld [smem:$0x3FDB];
	s0 =	simm.s32 @p2 $0x1  }
0x17: {  	s4 =	simm.s32 $0x1BF5;
	[smem:$0x3FB6] =	sst s0  }
0x18: {  	s0 =	sld [smem:$0x3F99];
	_ =	swait.ge [sflag:s4], $0x0  }
0x19: {  	s7 =	sld [smem:$0x3F9A]  }
0x1a: {  	s8 =	sadd.s32 $0xFFFFE003, lr  }
0x1b: {  	s9 =	sadd.s32 $0xFFFFFEF7, lr;
	s5 =	simm.s32 $0xFFFFFFFF;
	p2 =	slt.u32 s8, $0xFFFFF086  }
0x1c: {  	p1 =	slt.u32 s9, $0xF7A;
	s5 =	simm.s32 @!p2 $0x0  }
0x1d: {  	s5 =	simm.s32 @p1 $0x1;
	p0 =	seq.s32 s7, s2  }
0x1e: {  	s7 =	smul.u32 @!p0 $0xF7A, s2;
	p2 =	seq.s32 @!p0 s5, $0x0  }
0x1f: {  	s9 =	smul.u32 $0xF7A, s1;
	s8 =	simm.s32 @!p0 $0x1BF5;
	p2 =	por !p2, p0  }
0x20: {  	[sflag:s8] =	ssyncset.s32 @!p0 $0xFFFFF086;
	s6 =	sadd.s32 @!p0 s3, s7;
	s7 =	simm.s32 @!p0 $0x108  }
0x21: {  	s3 =	sadd.s32 s3, s9;
	s6 =	sadd.s32 @!p0 $0x88, s6;
	s7 =	simm.s32 @p2 $0x1082  }
0x22: {  	[simem:s7], [sflag:s8] =	dma.local @!p0 [hbm:s6], $0xF7A  }
0x23: {  	s9 =	sor.u32 $0xD0000000, s2;
	s6 =	simm.s32 $0x108;
	_ =	swait.ge @!p0 [sflag:s8], $0x0  }
0x24: {  	s3 =	sadd.s32 $0x88, s3;
	s6 =	simm.s32 @!p1 $0x1082;
	[sflag:s4] =	ssyncset.s32 $0xFFFFF086  }
0x25: {  	[simem:s6], [sflag:s4] =	dma.local [hbm:s3], $0xF7A  }
0x26: {  	[smem:$0x3F9A] =	sst s1;
	(tag) =	ssettag s2;
	_ =	strace s9  }
0x27: {  	s1 =	sld [smem:$0x3FAA]  }
0x28: {  	s2 =	sld [smem:$0x3FAB]  }
0x29: {  	s4 =	sld [smem:$0x3FAD]  }
0x2a: {  	p0 =	seq.s32 s5, $0x0;
	s5 =	sld [smem:$0x3FAE]  }
0x2b: {  	s6 =	sld [smem:$0x3FAF]  }
0x2c: {  	s7 =	sld [smem:$0x3FB0]  }
0x2d: {  	s3 =	simm.s32 $0x108;
	s8 =	sld [smem:$0x3FB1]  }
0x2e: {  	s3 =	simm.s32 @!p0 $0x1082;
	s9 =	sld [smem:$0x3FB2]  }
0x2f: {  	lr =	sadd.s32 s0, s3;
	s0 =	sld [smem:$0x3FA9]  }
0x30: {  	s3 =	sld [smem:$0x3FAC]  }
0x31: {  	[smem:$0x3FB5] =	sst s10  }
0x32: {  	s10 =	sld [smem:$0x3FB3];
	_ =	sdelay $0x3  }
0x33: {  	p0 =	seq.s32 s10, $0x1;
	s10 =	sld [smem:$0x3FB5];
	_ =	sdelay $0x3  }
0x34: {  	[smem:$0x3FB5] =	sst s10  }
0x35: {  	s10 =	sld [smem:$0x3FB4];
	_ =	sdelay $0x3  }
0x36: {  	p1 =	seq.s32 s10, $0x1;
	s10 =	sld [smem:$0x3FB5];
	_ =	sdelay $0x3  }
0x37: {  	[smem:$0x3FB5] =	sst s10  }
0x38: {  	s10 =	sld [smem:$0x3FB6]  }
0x39: {  	_ = 	snop;
	(pc) =	sbr.ind lr, $3  }
0x3a: {  	_ = 	snop  }
0x3b: {  	_ = 	snop  }
0x3c: {  	p2 =	seq.s32 s10, $0x1;
	s10 =	sld [smem:$0x3FB5]  }
0x3d: {  	_ =	shalt  }
0x3e: {  	_ =	shalt  }
0x3f: {  	_ =	shalt  }
0x40: {  	_ =	shalt  }
0x41: {  	_ =	shalt  }
0x42: {  	_ =	shalt  }
0x43: {  	_ =	shalt  }
0x44: {  	_ =	shalt  }
0x45: {  	_ =	shalt  }
0x46: {  	_ =	shalt  }
0x47: {  	_ =	shalt  }
0x48: {  	_ =	shalt  }
0x49: {  	_ =	shalt  }
0x4a: {  	_ =	shalt  }
0x4b: {  	_ =	shalt  }
0x4c: {  	_ =	shalt  }
0x4d: {  	_ =	shalt  }
0x4e: {  	_ =	shalt  }
0x4f: {  	_ =	shalt  }
0x50: {  	_ =	shalt  }
0x51: {  	_ =	shalt  }
0x52: {  	_ =	shalt  }
0x53: {  	_ =	shalt  }
0x54: {  	_ =	shalt  }
0x55: {  	_ =	shalt  }
0x56: {  	_ =	shalt  }
0x57: {  	_ =	shalt  }
0x58: {  	_ =	shalt  }
0x59: {  	_ =	shalt  }
0x5a: {  	_ =	shalt  }
0x5b: {  	_ =	shalt  }
0x5c: {  	_ =	shalt  }
0x5d: {  	_ =	shalt  }
0x5e: {  	_ =	shalt  }
0x5f: {  	_ =	shalt  }
0x60: {  	_ =	shalt  }
0x61: {  	_ =	shalt  }
0x62: {  	_ =	shalt  }
0x63: {  	_ =	shalt  }
0x64: {  	_ =	shalt  }
0x65: {  	_ =	shalt  }
0x66: {  	_ =	shalt  }
0x67: {  	_ =	shalt  }
0x68: {  	_ =	shalt  }
0x69: {  	_ =	shalt  }
0x6a: {  	_ =	shalt  }
0x6b: {  	_ =	shalt  }
0x6c: {  	_ =	shalt  }
0x6d: {  	_ =	shalt  }
0x6e: {  	_ =	shalt  }
0x6f: {  	_ =	shalt  }
0x70: {  	_ =	shalt  }
0x71: {  	_ =	shalt  }
0x72: {  	_ =	shalt  }
0x73: {  	_ =	shalt  }
0x74: {  	_ =	shalt  }
0x75: {  	_ =	shalt  }
0x76: {  	_ =	shalt  }
0x77: {  	_ =	shalt  }
0x78: {  	_ =	shalt  }
0x79: {  	_ =	shalt  }
0x7a: {  	_ =	shalt  }
0x7b: {  	_ =	shalt  }
0x7c: {  	_ =	shalt  }
0x7d: {  	_ =	shalt  }
0x7e: {  	_ =	shalt  }
0x7f: {  	_ =	shalt  }
0x80: {  	_ =	shalt  }
0x81: {  	_ =	shalt  }
0x82: {  	_ =	shalt  }
0x83: {  	_ =	shalt  }
0x84: {  	_ =	shalt  }
0x85: {  	_ =	shalt  }
0x86: {  	_ =	shalt  }
0x87: {  	_ =	shalt  }
.Lfunc_end0:
.L_simem_size_0:
called_computation_lowered:
.L_overlay_start_0:
0x88: {  	s2 =	sld [smem:$0x3FD9]  }
0x89: {  	s3 =	sld [smem:$0x3FFE];
	_ =	sdelay $0x1  }
0x8a: {  	s1 =	srdreg.scid  }
0x8b: {  	s0 =	sand.u32 $0x1, s1  }
0x8c: {  	s17 =	sshll.u32 s0, $0xA;
	s2 =	sadd.s32 s3, s2  }
0x8d: {  	s2 =	sadd.s32 s2, s17  }
0x8e: {  	[smem:$0x3FC1] =	sst s2  }
0x8f: {  	_ = 	snop  }
0x90: {  	s2 =	sld [smem:$0x3FD0];
	(tm) =	ssettm $0x1  }
0x91: {  	s18 =	sld [smem:$0x3FFB];
	_ =	sdelay $0x3  }
0x92: {  	_ =	strace s18  }
0x93: {  	s3 =	sld [smem:$0x3FFC];
	_ =	sdelay $0x3  }
0x94: {  	_ =	strace s3  }
0x95: {  	s3 =	sld [smem:$0x3FFD];
	_ =	sdelay $0x3  }
0x96: {  	_ =	strace s3  }
0x97: {  	_ =	strace $0x8FFFFFFF  }
0x98: {  	s19 =	sld [smem:$0x3FDB];
	_ =	sdelay $0x1  }
0x99: {  	s4 =	simm.s32 $_scs_section_size  }
0x9a: {  	s5 =	simm.s32 $_size__tile_overlayer_lowered;
	s6 =	simm.s32 $_tile_overlayer_lowered  }
0x9b: {  	s22 =	simm.s32 $0x1BFF;
	s21 =	sshll.u32 s6, $0x1;
	s3 =	sadd.s32 s4, s19  }
0x9c: {  	s7 =	simm.s32 $0x0;
	s20 =	sshll.u32 s5, $0x1;
	s5 =	sadd.s32 s21, s3  }
0x9d: {  	[timem:s7], [sflag:s22] =	dma.local [hbm:s5], s20  }
0x9e: {  	_ =	swait.ge [sflag:s22], s20  }
0x9f: {  	s4 =	ssub.s32 $0x0, s20;
	[sflag:s22] =	ssyncset.done $0x0  }
0xa0: {  	[sflag:s22] =	ssyncadd.s32 s4;
	_ =	sdelay $0x1  }
0xa1: {  	s23 =	simm.s32 $0x1B8B  }
0xa2: {  	_ =	swait.ge [sflag:s23], $0x1  }
0xa3: {  	[sflag:s23] =	ssyncset.done $0x0  }
0xa4: {  	s25 =	simm.s32 $0x1B8E;
	s24 =	sld [smem:$0x3FFE];
	[sflag:s23] =	ssyncadd.s32 $0xFFFFFFFF  }
0xa5: {  	s26 =	simm.s32 $execute0_lowered;
	[smem:$0x3FD2] =	sst s25  }
0xa6: {  	s5 =	sshll.u32 s26, $0x1;
	_ =	strace $0x80000046;
	[dreg:$0x1] =	wrdreg $0xFFFFFFFF  }
0xa7: {  	s28 =	simm.s32 $_size_execute0_lowered;
	s3 =	sadd.s32 s3, s5;
	[dreg:$0x0] =	wrdreg $0x0  }
0xa8: {  	s5 =	sshll.u32 s28, $0x1;
	[dreg:$0x2] =	wrdreg s3  }
0xa9: {  	[dreg:$0x3] =	wrdreg s5  }
0xaa: {  	[dreg:$0x4] =	wrdreg $0xC0  }
0xab: {  	_ =	task [dreg:s7], $0x5FFFF  }
0xac: {  	[dreg:$0x1] =	wrdreg $0xFFFFFFFF  }
0xad: {  	[dreg:$0x0] =	wrdreg $0x60  }
0xae: {  	[dreg:$0x2] =	wrdreg s24  }
0xaf: {  	[dreg:$0x3] =	wrdreg s2  }
0xb0: {  	[dreg:$0x4] =	wrdreg $0x9  }
0xb1: {  	_ =	task.clear_ibuf [dreg:s7], $0x5FFFF;
	_ =	strace $0x90000046  }
0xb2: {  	s29 =	simm.s32 $0x9;
	_ =	strace $0x80000048  }
0xb3: {  	_ =	swait.ge [sflag:s29], $0x1  }
0xb4: {  	[sflag:s29] =	ssyncadd.s32 $0xFFFFFFFF  }
0xb5: {  	_ =	strace $0x90000048  }
0xb6: {  	_ =	sfence  }
0xb7: {  	s30 =	sld [smem:$0x0];
	_ =	sdelay $0x2  }
0xb8: {  	s31 =	sshll.u32 s1, $0xD;
	s1 =	sshrl.u32 s1, $0x2  }
0xb9: {  	s3 =	sand.u32 $0x4000, s31;
	s1 =	sadd.s32 s1, s30  }
0xba: {  	s0 =	sor.u32 s3, s0;
	s1 =	sshll.u32 s1, $0x11  }
0xbb: {  	s0 =	sor.u32 s1, s0  }
0xbc: {  	s0 =	sadd.s32 $0x8F2B, s0  }
0xbd: {  	[sflag:s0] =	ssyncadd.remote.s32 $0x1  }
0xbe: {  	_ =	sfence.sel $0xFFFF  }
0xbf: {  	[dreg:$0x0] =	wrdreg $0xFFFFFFFF;
	(pc) =	sbr.abs _section_cstart, $3  }
0xc0: {  	[dreg:$0x1] =	wrdreg $0xFFFFFFFF  }
0xc1: {  	_ =	task.clear_ibuf [dreg:s7], $0x2FFFF;
	_ =	strace $0x9FFFFFFF  }
0xc2: {  	(tm) =	ssettm $0x7FFFFFFF  }
0xc3: {  	_ =	shalt  }
tec
execute0_lowered:
.L_overlay_start_1:
0x0: {  	(tag) =	ssettag $0x1  }
0x1: {  	s0 =	rddreg [dreg:$0x0]  }
0x2: {  	s1 =	rddreg [dreg:$0x1];
	s2 =	simm.s32 $0x0;
	s3 =	srdreg.scid  }
0x3: {  	s4 =	stileid.u32;
	s12 =	simm.s32 $0x4;
	s13 =	simm.s32 $0x200  }
0x4: {  	s14 =	simm.s32 $0x80;
	s21 =	simm.s32 $0x8400;
	s23 =	simm.s32 $0xA400  }
0x5: {  	s24 =	simm.s32 $0x300;
	s25 =	simm.s32 $0xC400;
	s26 =	simm.s32 $0x1  }
0x6: {  	s28 =	simm.s32 $0x2;
	s29 =	simm.s32 $0x380;
	s30 =	simm.s32 $0xE400  }
0x7: {  	s31 =	simm.s32 $0x12400;
	[smem:$0x7FF] =	sst s2;
	s5 =	sand.u32 $0x1, s3  }
0x8: {  	s3 =	sadd.s32 $0x1200, s0;
	s6 =	sshll.u32 s4, $0xA;
	s7 =	sshll.u32 s5, $0x9  }
0x9: {  	s4 =	sadd.s32 $0x2600, s0;
	s5 =	ssub.s32 $0x2, s5;
	s6 =	sor.u32 s7, s6  }
0xa: {  	_ =	strace $0x80000047;
	s8 =	sshrl.u32 s5, $0x1;
	s7 =	sshrl.u32 s6, $0x3  }
0xb: {  	s6 =	sshll.u32 s6, $0x4;
	s11 =	ssub.s32 s5, s8;
	s0 =	sadd.s32 s7, s0  }
0xc: {  	s5 =	sadd.s32 s1, s6;
	s11 =	smax.u32 s11, $0x1;
	s1 =	simm.s32 $0x0  }
0xd: {  	s6 =	sadd.s32 $0x3E00, s0;
	s7 =	sadd.s32 $0x4600, s0;
	s8 =	sadd.s32 $0x800, s5  }
0xe: {  	s9 =	sadd.s32 $0x1000, s5;
	s10 =	sadd.s32 $0x1800, s5;
	s0 =	simm.s32 $0x3  }
.LBB2_1:
0xf: {  	[tilespmem:s2], [sflag:$0x4] =	stream.linear.gather [hbm4b:s6+s2], $0x200, $0x38;
	[tilespmem:$0x16400] =	vst v63  }
0x10: {  	_ =	swait.ge [sflag:s12], $0x200  }
0x11: {  	[sflag:s12] =	ssyncset.done $0x0  }
0x12: {  	[sflag:s12] =	ssyncadd.s32 $0xFFFFFE00  }
0x13: {  	[tilespmem:s13], [sflag:$0x4] =	stream.linear.gather [hbm4b:s7+s2], $0x200, $0x38;
	[tilespmem:$0x16400] =	vst v63  }
0x14: {  	_ =	swait.ge [sflag:s12], $0x200  }
0x15: {  	[sflag:s12] =	ssyncset.done $0x0  }
0x16: {  	s15 =	simm.s32 $0x400;
	[sflag:s12] =	ssyncadd.s32 $0xFFFFFE00  }
0x17: {  	[tilespmem:s15], [sflag:$0x1] =	stream.indirect.gather [hbm4b:s3+s14], $0x40, s2, s14, $0xb8;
	[tilespmem:$0x16400] =	vst v63  }
0x18: {  	s17 =	simm.s32 $0x2400  }
0x19: {  	[tilespmem:s17], [sflag:$0x1] =	stream.indirect.gather [hbm4b:s3+s14], $0x40, s14, s14, $0xb8;
	[tilespmem:$0x16400] =	vst v63  }
0x1a: {  	s18 =	simm.s32 $0x100;
	s16 =	simm.s32 $0x4400  }
0x1b: {  	[tilespmem:s16], [sflag:$0x1] =	stream.indirect.gather [hbm4b:s3+s14], $0x40, s18, s14, $0xb8;
	[tilespmem:$0x16400] =	vst v63  }
0x1c: {  	s19 =	simm.s32 $0x180;
	s20 =	simm.s32 $0x6400  }
0x1d: {  	[tilespmem:s20], [sflag:$0x1] =	stream.indirect.gather [hbm4b:s3+s14], $0x40, s19, s14, $0xb8;
	[tilespmem:$0x16400] =	vst v63  }
0x1e: {  	_ = 	snop  }
0x1f: {  	[tilespmem:s21], [sflag:$0x2] =	stream.indirect.gather [hbm4b:s4+s14], $0x40, s13, s14, $0xb8;
	[tilespmem:$0x16400] =	vst v63  }
0x20: {  	s22 =	simm.s32 $0x280  }
0x21: {  	[tilespmem:s23], [sflag:$0x2] =	stream.indirect.gather [hbm4b:s4+s14], $0x40, s22, s14, $0xb8;
	[tilespmem:$0x16400] =	vst v63  }
0x22: {  	_ = 	snop  }
0x23: {  	[tilespmem:s25], [sflag:$0x2] =	stream.indirect.gather [hbm4b:s4+s14], $0x40, s24, s14, $0xb8;
	[tilespmem:$0x16400] =	vst v63  }
0x24: {  	_ =	swait.ge [sflag:s26], $0x2000  }
0x25: {  	[sflag:s26] =	ssyncset.done $0x0  }
0x26: {  	[sflag:s26] =	ssyncadd.s32 $0xFFFFE000  }
0x27: {  	_ =	swait.ge [sflag:s28], $0x2000  }
0x28: {  	[sflag:s28] =	ssyncset.done $0x0  }
0x29: {  	s16 =	simm.s32 $0x440;
	[sflag:s28] =	ssyncadd.s32 $0xFFFFE000  }
0x2a: {  	s17 =	simm.s32 $0x8440;
	v0 =	vld [tilespmem:s16+$0xFFFFFFC0]  }
0x2b: {  	v1 =	vld [tilespmem:s17+$0xFFFFFFC0];
	_ =	sdelay $0x4  }
0x2c: {  	v2 =	vshll.u32 v0, $0x10;
	v3 =	vshll.u32 v1, $0x10  }
0x2d: {  	v0 =	vand.u32 $0xFFFF0000, v0;
	v1 =	vand.u32 $0xFFFF0000, v1;
	v2 =	vadd.f32 v3, v2  }
0x2e: {  	s15 =	simm.s32 $0xE480;
	v0 =	vadd.f32 v1, v0  }
0x2f: {  	[tilespmem:s15+$0xFFFFFF80] =	vst v2  }
0x30: {  	[tilespmem:s15+$0xFFFFFF90] =	vst v0  }
0x31: {  	v0 =	vld [tilespmem:s16+$0xFFFFFFD0]  }
0x32: {  	v1 =	vld [tilespmem:s17+$0xFFFFFFD0];
	_ =	sdelay $0x4  }
0x33: {  	v2 =	vshll.u32 v0, $0x10;
	v3 =	vshll.u32 v1, $0x10  }
0x34: {  	v0 =	vand.u32 $0xFFFF0000, v0;
	v1 =	vand.u32 $0xFFFF0000, v1;
	v2 =	vadd.f32 v3, v2  }
0x35: {  	v0 =	vadd.f32 v1, v0  }
0x36: {  	[tilespmem:s15+$0xFFFFFFA0] =	vst v2  }
0x37: {  	[tilespmem:s15+$0xFFFFFFB0] =	vst v0  }
0x38: {  	v0 =	vld [tilespmem:s16+$0xFFFFFFE0]  }
0x39: {  	v1 =	vld [tilespmem:s17+$0xFFFFFFE0];
	_ =	sdelay $0x4  }
0x3a: {  	v2 =	vshll.u32 v0, $0x10;
	v3 =	vshll.u32 v1, $0x10  }
0x3b: {  	v0 =	vand.u32 $0xFFFF0000, v0;
	v1 =	vand.u32 $0xFFFF0000, v1;
	v2 =	vadd.f32 v3, v2  }
0x3c: {  	v0 =	vadd.f32 v1, v0  }
0x3d: {  	[tilespmem:s15+$0xFFFFFFC0] =	vst v2  }
0x3e: {  	[tilespmem:s15+$0xFFFFFFD0] =	vst v0  }
0x3f: {  	v0 =	vld [tilespmem:s16+$0xFFFFFFF0]  }
0x40: {  	v1 =	vld [tilespmem:s17+$0xFFFFFFF0];
	_ =	sdelay $0x4  }
0x41: {  	v2 =	vshll.u32 v0, $0x10;
	v3 =	vshll.u32 v1, $0x10  }
0x42: {  	v0 =	vand.u32 $0xFFFF0000, v0;
	v1 =	vand.u32 $0xFFFF0000, v1;
	v2 =	vadd.f32 v3, v2  }
0x43: {  	v0 =	vadd.f32 v1, v0  }
0x44: {  	[tilespmem:s15+$0xFFFFFFE0] =	vst v2  }
0x45: {  	[tilespmem:s15+$0xFFFFFFF0] =	vst v0  }
0x46: {  	v0 =	vld [tilespmem:s16+$0x0]  }
0x47: {  	v1 =	vld [tilespmem:s17+$0x0];
	_ =	sdelay $0x4  }
0x48: {  	v2 =	vshll.u32 v0, $0x10;
	v3 =	vshll.u32 v1, $0x10  }
0x49: {  	v0 =	vand.u32 $0xFFFF0000, v0;
	v1 =	vand.u32 $0xFFFF0000, v1;
	v2 =	vadd.f32 v3, v2  }
0x4a: {  	v0 =	vadd.f32 v1, v0  }
0x4b: {  	[tilespmem:s15+$0x0] =	vst v2  }
0x4c: {  	[tilespmem:s15+$0x10] =	vst v0  }
0x4d: {  	v0 =	vld [tilespmem:s16+$0x10]  }
0x4e: {  	v1 =	vld [tilespmem:s17+$0x10];
	_ =	sdelay $0x4  }
0x4f: {  	v2 =	vshll.u32 v0, $0x10;
	v3 =	vshll.u32 v1, $0x10  }
0x50: {  	v0 =	vand.u32 $0xFFFF0000, v0;
	v1 =	vand.u32 $0xFFFF0000, v1;
	v2 =	vadd.f32 v3, v2  }
0x51: {  	v0 =	vadd.f32 v1, v0  }
0x52: {  	[tilespmem:s15+$0x20] =	vst v2  }
0x53: {  	[tilespmem:s15+$0x30] =	vst v0  }
0x54: {  	v2 =	vld [tilespmem:s16+$0x20]  }
0x55: {  	v0 =	vld [tilespmem:s17+$0x20];
	_ =	sdelay $0x2  }
0x56: {  	s18 =	simm.s32 $0x440  }
0x57: {  	s20 =	simm.s32 $0x0;
	s19 =	simm.s32 $0x8440;
	s22 =	simm.s32 $0xE580;
	v1 =	vshll.u32 v2, $0x10;
	v2 =	vand.u32 $0xFFFF0000, v2  }
.LBB2_2:
0x58: {  	s20 =	sadd.s32 $0x2, s20;
	v3 =	vshll.u32 v0, $0x10;
	v0 =	vand.u32 $0xFFFF0000, v0;
	s17 =	sadd.s32 $0x80, s17;
	s16 =	sadd.s32 $0x80, s16  }
0x59: {  	p0 =	slt.u32 s20, $0x7E;
	v1 =	vadd.f32 v3, v1;
	v0 =	vadd.f32 v0, v2;
	_ =	sdelay $0x1  }
0x5a: {  	[tilespmem:s15+$0x40] =	vst v1  }
0x5b: {  	[tilespmem:s15+$0x50] =	vst v0  }
0x5c: {  	v0 =	vld [tilespmem:s18+$0x30];
	s18 =	smov.u32 s16  }
0x5d: {  	v1 =	vld [tilespmem:s19+$0x30];
	s19 =	smov.u32 s17;
	_ =	sdelay $0x3  }
0x5e: {  	v2 =	vshll.u32 v0, $0x10;
	v0 =	vand.u32 $0xFFFF0000, v0  }
0x5f: {  	v3 =	vshll.u32 v1, $0x10;
	v1 =	vand.u32 $0xFFFF0000, v1  }
0x60: {  	v2 =	vadd.f32 v3, v2;
	v0 =	vadd.f32 v1, v0;
	_ =	sdelay $0x1  }
0x61: {  	[tilespmem:s15+$0x60] =	vst v2  }
0x62: {  	[tilespmem:s15+$0x70] =	vst v0;
	s15 =	smov.u32 s22  }
0x63: {  	v0 =	vld [tilespmem:s16+$0xFFFFFFC0]  }
0x64: {  	v1 =	vld [tilespmem:s17+$0xFFFFFFC0];
	_ =	sdelay $0x3  }
0x65: {  	v2 =	vand.u32 $0xFFFF0000, v0  }
0x66: {  	v0 =	vshll.u32 v0, $0x10;
	v3 =	vshll.u32 v1, $0x10;
	v1 =	vand.u32 $0xFFFF0000, v1  }
0x67: {  	v0 =	vadd.f32 v3, v0;
	v1 =	vadd.f32 v1, v2;
	_ =	sdelay $0x1  }
0x68: {  	[tilespmem:s22+$0xFFFFFF80] =	vst v0  }
0x69: {  	[tilespmem:s22+$0xFFFFFF90] =	vst v1  }
0x6a: {  	v0 =	vld [tilespmem:s16+$0xFFFFFFD0]  }
0x6b: {  	v1 =	vld [tilespmem:s17+$0xFFFFFFD0];
	_ =	sdelay $0x3  }
0x6c: {  	v2 =	vshll.u32 v0, $0x10;
	v0 =	vand.u32 $0xFFFF0000, v0  }
0x6d: {  	v3 =	vshll.u32 v1, $0x10;
	v1 =	vand.u32 $0xFFFF0000, v1  }
0x6e: {  	v2 =	vadd.f32 v3, v2;
	v0 =	vadd.f32 v1, v0;
	_ =	sdelay $0x1  }
0x6f: {  	[tilespmem:s22+$0xFFFFFFA0] =	vst v2  }
0x70: {  	[tilespmem:s22+$0xFFFFFFB0] =	vst v0  }
0x71: {  	v0 =	vld [tilespmem:s16+$0xFFFFFFE0]  }
0x72: {  	v1 =	vld [tilespmem:s17+$0xFFFFFFE0];
	_ =	sdelay $0x3  }
0x73: {  	v2 =	vshll.u32 v0, $0x10;
	v0 =	vand.u32 $0xFFFF0000, v0  }
0x74: {  	v3 =	vshll.u32 v1, $0x10;
	v1 =	vand.u32 $0xFFFF0000, v1  }
0x75: {  	v2 =	vadd.f32 v3, v2;
	v0 =	vadd.f32 v1, v0;
	_ =	sdelay $0x1  }
0x76: {  	[tilespmem:s22+$0xFFFFFFC0] =	vst v2  }
0x77: {  	[tilespmem:s22+$0xFFFFFFD0] =	vst v0  }
0x78: {  	v0 =	vld [tilespmem:s16+$0xFFFFFFF0]  }
0x79: {  	v1 =	vld [tilespmem:s17+$0xFFFFFFF0];
	_ =	sdelay $0x3  }
0x7a: {  	v2 =	vshll.u32 v0, $0x10;
	v0 =	vand.u32 $0xFFFF0000, v0  }
0x7b: {  	v3 =	vshll.u32 v1, $0x10;
	v1 =	vand.u32 $0xFFFF0000, v1  }
0x7c: {  	v2 =	vadd.f32 v3, v2;
	v0 =	vadd.f32 v1, v0;
	_ =	sdelay $0x1  }
0x7d: {  	[tilespmem:s22+$0xFFFFFFE0] =	vst v2  }
0x7e: {  	[tilespmem:s22+$0xFFFFFFF0] =	vst v0  }
0x7f: {  	v0 =	vld [tilespmem:s16+$0x0]  }
0x80: {  	v1 =	vld [tilespmem:s17+$0x0];
	_ =	sdelay $0x3  }
0x81: {  	v2 =	vshll.u32 v0, $0x10;
	v0 =	vand.u32 $0xFFFF0000, v0  }
0x82: {  	v3 =	vshll.u32 v1, $0x10;
	v1 =	vand.u32 $0xFFFF0000, v1  }
0x83: {  	v2 =	vadd.f32 v3, v2;
	v0 =	vadd.f32 v1, v0;
	_ =	sdelay $0x1  }
0x84: {  	[tilespmem:s22+$0x0] =	vst v2  }
0x85: {  	[tilespmem:s22+$0x10] =	vst v0  }
0x86: {  	v0 =	vld [tilespmem:s16+$0x10]  }
0x87: {  	v1 =	vld [tilespmem:s17+$0x10];
	_ =	sdelay $0x3  }
0x88: {  	v2 =	vshll.u32 v0, $0x10;
	v0 =	vand.u32 $0xFFFF0000, v0  }
0x89: {  	v3 =	vshll.u32 v1, $0x10;
	v1 =	vand.u32 $0xFFFF0000, v1  }
0x8a: {  	v2 =	vadd.f32 v3, v2;
	v0 =	vadd.f32 v1, v0;
	_ =	sdelay $0x1  }
0x8b: {  	[tilespmem:s22+$0x20] =	vst v2  }
0x8c: {  	[tilespmem:s22+$0x30] =	vst v0  }
0x8d: {  	v2 =	vld [tilespmem:s16+$0x20]  }
.Ltmp0:
0x8e: {  	v0 =	vld [tilespmem:s17+$0x20];
	(pc) =	sbr.rel @p0 .LBB2_2-.Ltmp0, $2  }
0x8f: {  	_ =	sdelay $0x2  }
0x90: {  	s22 =	sadd.s32 $0x100, s22;
	v1 =	vshll.u32 v2, $0x10;
	v2 =	vand.u32 $0xFFFF0000, v2  }
0x91: {  	v3 =	vshll.u32 v0, $0x10  }
0x92: {  	v0 =	vand.u32 $0xFFFF0000, v0;
	v1 =	vadd.f32 v3, v1  }
0x93: {  	v0 =	vadd.f32 v0, v2  }
0x94: {  	[tilespmem:s15+$0x40] =	vst v1  }
0x95: {  	[tilespmem:s15+$0x50] =	vst v0  }
0x96: {  	v0 =	vld [tilespmem:s18+$0x30]  }
0x97: {  	v1 =	vld [tilespmem:s19+$0x30];
	_ =	sdelay $0x4  }
0x98: {  	v2 =	vshll.u32 v0, $0x10;
	v3 =	vshll.u32 v1, $0x10  }
0x99: {  	v0 =	vand.u32 $0xFFFF0000, v0;
	v1 =	vand.u32 $0xFFFF0000, v1;
	v2 =	vadd.f32 v3, v2  }
0x9a: {  	v0 =	vadd.f32 v1, v0  }
0x9b: {  	[tilespmem:s15+$0x60] =	vst v2  }
0x9c: {  	[tilespmem:s15+$0x70] =	vst v0  }
0x9d: {  	[tilespmem:s21], [sflag:$0x2] =	stream.indirect.gather [hbm4b:s4+s14], $0x40, s29, s14, $0xb8;
	[tilespmem:$0x16400] =	vst v63  }
0x9e: {  	_ = 	snop  }
0x9f: {  	[hbm4b:s5+s2] =	stream.linear.scatter [tilespmem:s30], [sflag:$0x3], $0x4000, $0x38;
	[tilespmem:$0x16400] =	vst v63  }
0xa0: {  	_ =	swait.ge [sflag:s26], $0x2000  }
0xa1: {  	[sflag:s26] =	ssyncset.done $0x0  }
0xa2: {  	[sflag:s26] =	ssyncadd.s32 $0xFFFFE000  }
0xa3: {  	_ =	swait.ge [sflag:s28], $0x2000  }
0xa4: {  	[sflag:s28] =	ssyncset.done $0x0  }
0xa5: {  	s15 =	simm.s32 $0x2470;
	[sflag:s28] =	ssyncadd.s32 $0xFFFFE000  }
0xa6: {  	s16 =	simm.s32 $0xA470;
	v0 =	vld [tilespmem:s15+$0xFFFFFF90]  }
0xa7: {  	v1 =	vld [tilespmem:s16+$0xFFFFFF90];
	_ =	sdelay $0x4  }
0xa8: {  	v2 =	vshll.u32 v0, $0x10;
	v3 =	vshll.u32 v1, $0x10  }
0xa9: {  	v0 =	vand.u32 $0xFFFF0000, v0;
	v1 =	vand.u32 $0xFFFF0000, v1;
	v2 =	vadd.f32 v3, v2  }
0xaa: {  	s17 =	simm.s32 $0x124F0;
	v0 =	vadd.f32 v1, v0  }
0xab: {  	[tilespmem:s17+$0xFFFFFF10] =	vst v2  }
0xac: {  	[tilespmem:s17+$0xFFFFFF20] =	vst v0  }
0xad: {  	v0 =	vld [tilespmem:s15+$0xFFFFFFA0]  }
0xae: {  	v1 =	vld [tilespmem:s16+$0xFFFFFFA0];
	_ =	sdelay $0x4  }
0xaf: {  	v2 =	vshll.u32 v0, $0x10;
	v3 =	vshll.u32 v1, $0x10  }
0xb0: {  	v0 =	vand.u32 $0xFFFF0000, v0;
	v1 =	vand.u32 $0xFFFF0000, v1;
	v2 =	vadd.f32 v3, v2  }
0xb1: {  	v0 =	vadd.f32 v1, v0  }
0xb2: {  	[tilespmem:s17+$0xFFFFFF30] =	vst v2  }
0xb3: {  	[tilespmem:s17+$0xFFFFFF40] =	vst v0  }
0xb4: {  	v0 =	vld [tilespmem:s15+$0xFFFFFFB0]  }
0xb5: {  	v1 =	vld [tilespmem:s16+$0xFFFFFFB0];
	_ =	sdelay $0x4  }
0xb6: {  	v2 =	vshll.u32 v0, $0x10;
	v3 =	vshll.u32 v1, $0x10  }
0xb7: {  	v0 =	vand.u32 $0xFFFF0000, v0;
	v1 =	vand.u32 $0xFFFF0000, v1;
	v2 =	vadd.f32 v3, v2  }
0xb8: {  	v0 =	vadd.f32 v1, v0  }
0xb9: {  	[tilespmem:s17+$0xFFFFFF50] =	vst v2  }
0xba: {  	[tilespmem:s17+$0xFFFFFF60] =	vst v0  }
0xbb: {  	v0 =	vld [tilespmem:s15+$0xFFFFFFC0]  }
0xbc: {  	v1 =	vld [tilespmem:s16+$0xFFFFFFC0];
	_ =	sdelay $0x4  }
0xbd: {  	v2 =	vshll.u32 v0, $0x10;
	v3 =	vshll.u32 v1, $0x10  }
0xbe: {  	v0 =	vand.u32 $0xFFFF0000, v0;
	v1 =	vand.u32 $0xFFFF0000, v1;
	v2 =	vadd.f32 v3, v2  }
0xbf: {  	v0 =	vadd.f32 v1, v0  }
0xc0: {  	[tilespmem:s17+$0xFFFFFF70] =	vst v2  }
0xc1: {  	[tilespmem:s17+$0xFFFFFF80] =	vst v0  }
0xc2: {  	v0 =	vld [tilespmem:s15+$0xFFFFFFD0]  }
0xc3: {  	v1 =	vld [tilespmem:s16+$0xFFFFFFD0];
	_ =	sdelay $0x4  }
0xc4: {  	v2 =	vshll.u32 v0, $0x10;
	v3 =	vshll.u32 v1, $0x10  }
0xc5: {  	v0 =	vand.u32 $0xFFFF0000, v0;
	v1 =	vand.u32 $0xFFFF0000, v1;
	v2 =	vadd.f32 v3, v2  }
0xc6: {  	v0 =	vadd.f32 v1, v0  }
0xc7: {  	[tilespmem:s17+$0xFFFFFF90] =	vst v2  }
0xc8: {  	[tilespmem:s17+$0xFFFFFFA0] =	vst v0  }
0xc9: {  	v0 =	vld [tilespmem:s15+$0xFFFFFFE0]  }
0xca: {  	v1 =	vld [tilespmem:s16+$0xFFFFFFE0];
	_ =	sdelay $0x4  }
0xcb: {  	v2 =	vshll.u32 v0, $0x10;
	v3 =	vshll.u32 v1, $0x10  }
0xcc: {  	v0 =	vand.u32 $0xFFFF0000, v0;
	v1 =	vand.u32 $0xFFFF0000, v1;
	v2 =	vadd.f32 v3, v2  }
0xcd: {  	v0 =	vadd.f32 v1, v0  }
0xce: {  	[tilespmem:s17+$0xFFFFFFB0] =	vst v2  }
0xcf: {  	[tilespmem:s17+$0xFFFFFFC0] =	vst v0  }
0xd0: {  	v2 =	vld [tilespmem:s15+$0xFFFFFFF0]  }
0xd1: {  	v0 =	vld [tilespmem:s16+$0xFFFFFFF0];
	_ =	sdelay $0x2  }
0xd2: {  	s20 =	simm.s32 $0x0  }
0xd3: {  	s22 =	simm.s32 $0x24F0;
	s18 =	simm.s32 $0x124F0;
	s19 =	simm.s32 $0xA470;
	v1 =	vshll.u32 v2, $0x10;
	v2 =	vand.u32 $0xFFFF0000, v2  }
.LBB2_4:
0xd4: {  	s20 =	sadd.s32 $0x2, s20;
	v3 =	vshll.u32 v0, $0x10;
	v0 =	vand.u32 $0xFFFF0000, v0;
	s17 =	sadd.s32 $0x100, s17;
	s16 =	sadd.s32 $0x80, s16  }
0xd5: {  	p0 =	slt.u32 s20, $0x7E;
	v1 =	vadd.f32 v3, v1;
	v0 =	vadd.f32 v0, v2;
	_ =	sdelay $0x1  }
0xd6: {  	[tilespmem:s18+$0xFFFFFFD0] =	vst v1  }
0xd7: {  	[tilespmem:s18+$0xFFFFFFE0] =	vst v0  }
0xd8: {  	v0 =	vld [tilespmem:s15+$0x0];
	s15 =	smov.u32 s22  }
0xd9: {  	v1 =	vld [tilespmem:s19+$0x0];
	s19 =	smov.u32 s16;
	_ =	sdelay $0x3  }
0xda: {  	v2 =	vshll.u32 v0, $0x10;
	v0 =	vand.u32 $0xFFFF0000, v0  }
0xdb: {  	v3 =	vshll.u32 v1, $0x10;
	v1 =	vand.u32 $0xFFFF0000, v1  }
0xdc: {  	v2 =	vadd.f32 v3, v2;
	v0 =	vadd.f32 v1, v0;
	_ =	sdelay $0x1  }
0xdd: {  	[tilespmem:s18+$0xFFFFFFF0] =	vst v2  }
0xde: {  	[tilespmem:s18+$0x0] =	vst v0;
	s18 =	smov.u32 s17  }
0xdf: {  	v0 =	vld [tilespmem:s22+$0xFFFFFF90]  }
0xe0: {  	v1 =	vld [tilespmem:s16+$0xFFFFFF90];
	_ =	sdelay $0x3  }
0xe1: {  	v2 =	vand.u32 $0xFFFF0000, v0  }
0xe2: {  	v0 =	vshll.u32 v0, $0x10;
	v3 =	vshll.u32 v1, $0x10;
	v1 =	vand.u32 $0xFFFF0000, v1  }
0xe3: {  	v0 =	vadd.f32 v3, v0;
	v1 =	vadd.f32 v1, v2;
	_ =	sdelay $0x1  }
0xe4: {  	[tilespmem:s17+$0xFFFFFF10] =	vst v0  }
0xe5: {  	[tilespmem:s17+$0xFFFFFF20] =	vst v1  }
0xe6: {  	v0 =	vld [tilespmem:s22+$0xFFFFFFA0]  }
0xe7: {  	v1 =	vld [tilespmem:s16+$0xFFFFFFA0];
	_ =	sdelay $0x3  }
0xe8: {  	v2 =	vshll.u32 v0, $0x10;
	v0 =	vand.u32 $0xFFFF0000, v0  }
0xe9: {  	v3 =	vshll.u32 v1, $0x10;
	v1 =	vand.u32 $0xFFFF0000, v1  }
0xea: {  	v2 =	vadd.f32 v3, v2;
	v0 =	vadd.f32 v1, v0;
	_ =	sdelay $0x1  }
0xeb: {  	[tilespmem:s17+$0xFFFFFF30] =	vst v2  }
0xec: {  	[tilespmem:s17+$0xFFFFFF40] =	vst v0  }
0xed: {  	v0 =	vld [tilespmem:s22+$0xFFFFFFB0]  }
0xee: {  	v1 =	vld [tilespmem:s16+$0xFFFFFFB0];
	_ =	sdelay $0x3  }
0xef: {  	v2 =	vshll.u32 v0, $0x10;
	v0 =	vand.u32 $0xFFFF0000, v0  }
0xf0: {  	v3 =	vshll.u32 v1, $0x10;
	v1 =	vand.u32 $0xFFFF0000, v1  }
0xf1: {  	v2 =	vadd.f32 v3, v2;
	v0 =	vadd.f32 v1, v0;
	_ =	sdelay $0x1  }
0xf2: {  	[tilespmem:s17+$0xFFFFFF50] =	vst v2  }
0xf3: {  	[tilespmem:s17+$0xFFFFFF60] =	vst v0  }
0xf4: {  	v0 =	vld [tilespmem:s22+$0xFFFFFFC0]  }
0xf5: {  	v1 =	vld [tilespmem:s16+$0xFFFFFFC0];
	_ =	sdelay $0x3  }
0xf6: {  	v2 =	vshll.u32 v0, $0x10;
	v0 =	vand.u32 $0xFFFF0000, v0  }
0xf7: {  	v3 =	vshll.u32 v1, $0x10;
	v1 =	vand.u32 $0xFFFF0000, v1  }
0xf8: {  	v2 =	vadd.f32 v3, v2;
	v0 =	vadd.f32 v1, v0;
	_ =	sdelay $0x1  }
0xf9: {  	[tilespmem:s17+$0xFFFFFF70] =	vst v2  }
0xfa: {  	[tilespmem:s17+$0xFFFFFF80] =	vst v0  }
0xfb: {  	v0 =	vld [tilespmem:s22+$0xFFFFFFD0]  }
0xfc: {  	v1 =	vld [tilespmem:s16+$0xFFFFFFD0];
	_ =	sdelay $0x3  }
0xfd: {  	v2 =	vshll.u32 v0, $0x10;
	v0 =	vand.u32 $0xFFFF0000, v0  }
0xfe: {  	v3 =	vshll.u32 v1, $0x10;
	v1 =	vand.u32 $0xFFFF0000, v1  }
0xff: {  	v2 =	vadd.f32 v3, v2;
	v0 =	vadd.f32 v1, v0;
	_ =	sdelay $0x1  }
0x100: {  	[tilespmem:s17+$0xFFFFFF90] =	vst v2  }
0x101: {  	[tilespmem:s17+$0xFFFFFFA0] =	vst v0  }
0x102: {  	v0 =	vld [tilespmem:s22+$0xFFFFFFE0]  }
0x103: {  	v1 =	vld [tilespmem:s16+$0xFFFFFFE0];
	_ =	sdelay $0x3  }
0x104: {  	v2 =	vshll.u32 v0, $0x10;
	v0 =	vand.u32 $0xFFFF0000, v0  }
0x105: {  	v3 =	vshll.u32 v1, $0x10;
	v1 =	vand.u32 $0xFFFF0000, v1  }
0x106: {  	v2 =	vadd.f32 v3, v2;
	v0 =	vadd.f32 v1, v0;
	_ =	sdelay $0x1  }
0x107: {  	[tilespmem:s17+$0xFFFFFFB0] =	vst v2  }
0x108: {  	[tilespmem:s17+$0xFFFFFFC0] =	vst v0  }
0x109: {  	v2 =	vld [tilespmem:s22+$0xFFFFFFF0]  }
.Ltmp1:
0x10a: {  	v0 =	vld [tilespmem:s16+$0xFFFFFFF0];
	(pc) =	sbr.rel @p0 .LBB2_4-.Ltmp1, $2  }
0x10b: {  	_ =	sdelay $0x2  }
0x10c: {  	s22 =	sadd.s32 $0x80, s22;
	v1 =	vshll.u32 v2, $0x10;
	v2 =	vand.u32 $0xFFFF0000, v2  }
0x10d: {  	v3 =	vshll.u32 v0, $0x10  }
0x10e: {  	v0 =	vand.u32 $0xFFFF0000, v0;
	v1 =	vadd.f32 v3, v1  }
0x10f: {  	v0 =	vadd.f32 v0, v2  }
0x110: {  	[tilespmem:s18+$0xFFFFFFD0] =	vst v1  }
0x111: {  	[tilespmem:s18+$0xFFFFFFE0] =	vst v0  }
0x112: {  	v0 =	vld [tilespmem:s15+$0x0]  }
0x113: {  	v1 =	vld [tilespmem:s19+$0x0];
	_ =	sdelay $0x4  }
0x114: {  	v2 =	vshll.u32 v0, $0x10;
	v3 =	vshll.u32 v1, $0x10  }
0x115: {  	v0 =	vand.u32 $0xFFFF0000, v0;
	v1 =	vand.u32 $0xFFFF0000, v1;
	v2 =	vadd.f32 v3, v2  }
0x116: {  	v0 =	vadd.f32 v1, v0  }
0x117: {  	[tilespmem:s18+$0xFFFFFFF0] =	vst v2  }
0x118: {  	s15 =	simm.s32 $0x0;
	[tilespmem:s18+$0x0] =	vst v0  }
0x119: {  	[hbm4b:s8+s15] =	stream.linear.scatter [tilespmem:s31], [sflag:$0x3], $0x4000, $0x38;
	[tilespmem:$0x16400] =	vst v63  }
0x11a: {  	_ =	swait.ge [sflag:s26], $0x2000  }
0x11b: {  	[sflag:s26] =	ssyncset.done $0x0  }
0x11c: {  	[sflag:s26] =	ssyncadd.s32 $0xFFFFE000  }
0x11d: {  	_ =	swait.ge [sflag:s28], $0x2000  }
0x11e: {  	[sflag:s28] =	ssyncset.done $0x0  }
0x11f: {  	[sflag:s28] =	ssyncadd.s32 $0xFFFFE000  }
0x120: {  	_ =	swait.ge [sflag:s0], $0x4000  }
0x121: {  	[sflag:s0] =	ssyncset.done $0x0  }
0x122: {  	s16 =	simm.s32 $0x0;
	[sflag:s0] =	ssyncadd.s32 $0xFFFFC000  }
0x123: {  	v0 =	vld [tilespmem:s16+$0x4400]  }
0x124: {  	v1 =	vld [tilespmem:s16+$0xC400];
	_ =	sdelay $0x4  }
0x125: {  	v2 =	vshll.u32 v0, $0x10;
	v3 =	vshll.u32 v1, $0x10  }
0x126: {  	v0 =	vand.u32 $0xFFFF0000, v0;
	v1 =	vand.u32 $0xFFFF0000, v1;
	v2 =	vadd.f32 v3, v2  }
0x127: {  	s17 =	simm.s32 $0xE480;
	v0 =	vadd.f32 v1, v0  }
0x128: {  	[tilespmem:s17+$0xFFFFFF80] =	vst v2  }
0x129: {  	[tilespmem:s17+$0xFFFFFF90] =	vst v0  }
0x12a: {  	v0 =	vld [tilespmem:s16+$0x4410]  }
0x12b: {  	v1 =	vld [tilespmem:s16+$0xC410];
	_ =	sdelay $0x4  }
0x12c: {  	v2 =	vshll.u32 v0, $0x10;
	v3 =	vshll.u32 v1, $0x10  }
0x12d: {  	v0 =	vand.u32 $0xFFFF0000, v0;
	v1 =	vand.u32 $0xFFFF0000, v1;
	v2 =	vadd.f32 v3, v2  }
0x12e: {  	v0 =	vadd.f32 v1, v0  }
0x12f: {  	[tilespmem:s17+$0xFFFFFFA0] =	vst v2  }
0x130: {  	[tilespmem:s17+$0xFFFFFFB0] =	vst v0  }
0x131: {  	v0 =	vld [tilespmem:s16+$0x4420]  }
0x132: {  	v1 =	vld [tilespmem:s16+$0xC420];
	_ =	sdelay $0x4  }
0x133: {  	v2 =	vshll.u32 v0, $0x10;
	v3 =	vshll.u32 v1, $0x10  }
0x134: {  	v0 =	vand.u32 $0xFFFF0000, v0;
	v1 =	vand.u32 $0xFFFF0000, v1;
	v2 =	vadd.f32 v3, v2  }
0x135: {  	v0 =	vadd.f32 v1, v0  }
0x136: {  	[tilespmem:s17+$0xFFFFFFC0] =	vst v2  }
0x137: {  	[tilespmem:s17+$0xFFFFFFD0] =	vst v0  }
0x138: {  	v0 =	vld [tilespmem:s16+$0x4430]  }
0x139: {  	v1 =	vld [tilespmem:s16+$0xC430];
	_ =	sdelay $0x4  }
0x13a: {  	v2 =	vshll.u32 v0, $0x10;
	v3 =	vshll.u32 v1, $0x10  }
0x13b: {  	v0 =	vand.u32 $0xFFFF0000, v0;
	v1 =	vand.u32 $0xFFFF0000, v1;
	v2 =	vadd.f32 v3, v2  }
0x13c: {  	v0 =	vadd.f32 v1, v0  }
0x13d: {  	[tilespmem:s17+$0xFFFFFFE0] =	vst v2  }
0x13e: {  	[tilespmem:s17+$0xFFFFFFF0] =	vst v0  }
0x13f: {  	v0 =	vld [tilespmem:s16+$0x4440]  }
0x140: {  	v1 =	vld [tilespmem:s16+$0xC440];
	_ =	sdelay $0x4  }
0x141: {  	v2 =	vshll.u32 v0, $0x10;
	v3 =	vshll.u32 v1, $0x10  }
0x142: {  	v0 =	vand.u32 $0xFFFF0000, v0;
	v1 =	vand.u32 $0xFFFF0000, v1;
	v2 =	vadd.f32 v3, v2  }
0x143: {  	v0 =	vadd.f32 v1, v0  }
0x144: {  	[tilespmem:s17+$0x0] =	vst v2  }
0x145: {  	[tilespmem:s17+$0x10] =	vst v0  }
0x146: {  	v0 =	vld [tilespmem:s16+$0x4450]  }
0x147: {  	v1 =	vld [tilespmem:s16+$0xC450];
	_ =	sdelay $0x4  }
0x148: {  	v2 =	vshll.u32 v0, $0x10;
	v3 =	vshll.u32 v1, $0x10  }
0x149: {  	v0 =	vand.u32 $0xFFFF0000, v0;
	v1 =	vand.u32 $0xFFFF0000, v1;
	v2 =	vadd.f32 v3, v2  }
0x14a: {  	v0 =	vadd.f32 v1, v0  }
0x14b: {  	[tilespmem:s17+$0x20] =	vst v2  }
0x14c: {  	[tilespmem:s17+$0x30] =	vst v0  }
0x14d: {  	v1 =	vld [tilespmem:s16+$0x4460]  }
0x14e: {  	s19 =	simm.s32 $0x0;
	s18 =	simm.s32 $0xE480;
	v0 =	vld [tilespmem:s16+$0xC460]  }
.LBB2_6:
0x14f: {  	_ =	sdelay $0x2  }
0x150: {  	s19 =	sadd.s32 $0x2, s19;
	s15 =	sadd.s32 $0x200, s15;
	s17 =	sadd.s32 $0x100, s17;
	v2 =	vshll.u32 v1, $0x10;
	v1 =	vand.u32 $0xFFFF0000, v1  }
0x151: {  	p0 =	slt.u32 s19, $0x7E;
	v3 =	vshll.u32 v0, $0x10;
	v0 =	vand.u32 $0xFFFF0000, v0  }
0x152: {  	v2 =	vadd.f32 v3, v2;
	v0 =	vadd.f32 v0, v1;
	_ =	sdelay $0x1  }
0x153: {  	[tilespmem:s18+$0x40] =	vst v2  }
0x154: {  	[tilespmem:s18+$0x50] =	vst v0  }
0x155: {  	v0 =	vld [tilespmem:s16+$0x4470]  }
0x156: {  	v1 =	vld [tilespmem:s16+$0xC470];
	_ =	sdelay $0x3  }
0x157: {  	v2 =	vshll.u32 v0, $0x10;
	v0 =	vand.u32 $0xFFFF0000, v0  }
0x158: {  	v3 =	vshll.u32 v1, $0x10;
	v1 =	vand.u32 $0xFFFF0000, v1  }
0x159: {  	v2 =	vadd.f32 v3, v2;
	v0 =	vadd.f32 v1, v0;
	_ =	sdelay $0x1  }
0x15a: {  	[tilespmem:s18+$0x60] =	vst v2  }
0x15b: {  	s16 =	sshra.s32 s15, $0x2;
	[tilespmem:s18+$0x70] =	vst v0;
	s18 =	smov.u32 s17  }
0x15c: {  	v0 =	vld [tilespmem:s16+$0x4400]  }
0x15d: {  	v1 =	vld [tilespmem:s16+$0xC400];
	_ =	sdelay $0x3  }
0x15e: {  	v2 =	vshll.u32 v0, $0x10;
	v0 =	vand.u32 $0xFFFF0000, v0  }
0x15f: {  	v3 =	vshll.u32 v1, $0x10;
	v1 =	vand.u32 $0xFFFF0000, v1  }
0x160: {  	v2 =	vadd.f32 v3, v2;
	v0 =	vadd.f32 v1, v0;
	_ =	sdelay $0x1  }
0x161: {  	[tilespmem:s17+$0xFFFFFF80] =	vst v2  }
0x162: {  	[tilespmem:s17+$0xFFFFFF90] =	vst v0  }
0x163: {  	v0 =	vld [tilespmem:s16+$0x4410]  }
0x164: {  	v1 =	vld [tilespmem:s16+$0xC410];
	_ =	sdelay $0x3  }
0x165: {  	v2 =	vshll.u32 v0, $0x10;
	v0 =	vand.u32 $0xFFFF0000, v0  }
0x166: {  	v3 =	vshll.u32 v1, $0x10;
	v1 =	vand.u32 $0xFFFF0000, v1  }
0x167: {  	v2 =	vadd.f32 v3, v2;
	v0 =	vadd.f32 v1, v0;
	_ =	sdelay $0x1  }
0x168: {  	[tilespmem:s17+$0xFFFFFFA0] =	vst v2  }
0x169: {  	[tilespmem:s17+$0xFFFFFFB0] =	vst v0  }
0x16a: {  	v0 =	vld [tilespmem:s16+$0x4420]  }
0x16b: {  	v1 =	vld [tilespmem:s16+$0xC420];
	_ =	sdelay $0x3  }
0x16c: {  	v2 =	vshll.u32 v0, $0x10;
	v0 =	vand.u32 $0xFFFF0000, v0  }
0x16d: {  	v3 =	vshll.u32 v1, $0x10;
	v1 =	vand.u32 $0xFFFF0000, v1  }
0x16e: {  	v2 =	vadd.f32 v3, v2;
	v0 =	vadd.f32 v1, v0;
	_ =	sdelay $0x1  }
0x16f: {  	[tilespmem:s17+$0xFFFFFFC0] =	vst v2  }
0x170: {  	[tilespmem:s17+$0xFFFFFFD0] =	vst v0  }
0x171: {  	v0 =	vld [tilespmem:s16+$0x4430]  }
0x172: {  	v1 =	vld [tilespmem:s16+$0xC430];
	_ =	sdelay $0x3  }
0x173: {  	v2 =	vshll.u32 v0, $0x10;
	v0 =	vand.u32 $0xFFFF0000, v0  }
0x174: {  	v3 =	vshll.u32 v1, $0x10;
	v1 =	vand.u32 $0xFFFF0000, v1  }
0x175: {  	v2 =	vadd.f32 v3, v2;
	v0 =	vadd.f32 v1, v0;
	_ =	sdelay $0x1  }
0x176: {  	[tilespmem:s17+$0xFFFFFFE0] =	vst v2  }
0x177: {  	[tilespmem:s17+$0xFFFFFFF0] =	vst v0  }
0x178: {  	v0 =	vld [tilespmem:s16+$0x4440]  }
0x179: {  	v1 =	vld [tilespmem:s16+$0xC440];
	_ =	sdelay $0x3  }
0x17a: {  	v2 =	vshll.u32 v0, $0x10;
	v0 =	vand.u32 $0xFFFF0000, v0  }
0x17b: {  	v3 =	vshll.u32 v1, $0x10;
	v1 =	vand.u32 $0xFFFF0000, v1  }
0x17c: {  	v2 =	vadd.f32 v3, v2;
	v0 =	vadd.f32 v1, v0;
	_ =	sdelay $0x1  }
0x17d: {  	[tilespmem:s17+$0x0] =	vst v2  }
0x17e: {  	[tilespmem:s17+$0x10] =	vst v0  }
0x17f: {  	v0 =	vld [tilespmem:s16+$0x4450]  }
0x180: {  	v1 =	vld [tilespmem:s16+$0xC450];
	_ =	sdelay $0x3  }
0x181: {  	v2 =	vshll.u32 v0, $0x10;
	v0 =	vand.u32 $0xFFFF0000, v0  }
0x182: {  	v3 =	vshll.u32 v1, $0x10;
	v1 =	vand.u32 $0xFFFF0000, v1  }
0x183: {  	v2 =	vadd.f32 v3, v2;
	v0 =	vadd.f32 v1, v0  }
.Ltmp2:
0x184: {  	(pc) =	sbr.rel @p0 .LBB2_6-.Ltmp2, $4  }
0x185: {  	[tilespmem:s17+$0x20] =	vst v2  }
0x186: {  	[tilespmem:s17+$0x30] =	vst v0  }
0x187: {  	v1 =	vld [tilespmem:s16+$0x4460]  }
0x188: {  	v0 =	vld [tilespmem:s16+$0xC460]  }
0x189: {  	_ =	sdelay $0x3  }
0x18a: {  	v2 =	vshll.u32 v1, $0x10;
	v3 =	vshll.u32 v0, $0x10  }
0x18b: {  	v1 =	vand.u32 $0xFFFF0000, v1;
	v0 =	vand.u32 $0xFFFF0000, v0;
	v2 =	vadd.f32 v3, v2  }
0x18c: {  	v0 =	vadd.f32 v0, v1  }
0x18d: {  	[tilespmem:s18+$0x40] =	vst v2  }
0x18e: {  	[tilespmem:s18+$0x50] =	vst v0  }
0x18f: {  	v0 =	vld [tilespmem:s16+$0x4470]  }
0x190: {  	v1 =	vld [tilespmem:s16+$0xC470];
	_ =	sdelay $0x4  }
0x191: {  	v2 =	vshll.u32 v0, $0x10;
	v3 =	vshll.u32 v1, $0x10  }
0x192: {  	v0 =	vand.u32 $0xFFFF0000, v0;
	v1 =	vand.u32 $0xFFFF0000, v1;
	v2 =	vadd.f32 v3, v2  }
0x193: {  	v0 =	vadd.f32 v1, v0  }
0x194: {  	[tilespmem:s18+$0x60] =	vst v2  }
0x195: {  	s15 =	simm.s32 $0x0;
	[tilespmem:s18+$0x70] =	vst v0  }
0x196: {  	[hbm4b:s9+s15] =	stream.linear.scatter [tilespmem:s30], [sflag:$0x3], $0x4000, $0x38;
	[tilespmem:$0x16400] =	vst v63  }
0x197: {  	_ =	swait.ge [sflag:s26], $0x2000  }
0x198: {  	[sflag:s26] =	ssyncset.done $0x0  }
0x199: {  	[sflag:s26] =	ssyncadd.s32 $0xFFFFE000  }
0x19a: {  	_ =	swait.ge [sflag:s28], $0x2000  }
0x19b: {  	[sflag:s28] =	ssyncset.done $0x0  }
0x19c: {  	[sflag:s28] =	ssyncadd.s32 $0xFFFFE000  }
0x19d: {  	_ =	swait.ge [sflag:s0], $0x4000  }
0x19e: {  	[sflag:s0] =	ssyncset.done $0x0  }
0x19f: {  	s16 =	simm.s32 $0x0;
	[sflag:s0] =	ssyncadd.s32 $0xFFFFC000  }
0x1a0: {  	v0 =	vld [tilespmem:s16+$0x6400]  }
0x1a1: {  	v1 =	vld [tilespmem:s16+$0x8400];
	_ =	sdelay $0x4  }
0x1a2: {  	v2 =	vshll.u32 v0, $0x10;
	v3 =	vshll.u32 v1, $0x10  }
0x1a3: {  	v0 =	vand.u32 $0xFFFF0000, v0;
	v1 =	vand.u32 $0xFFFF0000, v1;
	v2 =	vadd.f32 v3, v2  }
0x1a4: {  	s17 =	simm.s32 $0x124F0;
	v0 =	vadd.f32 v1, v0  }
0x1a5: {  	[tilespmem:s17+$0xFFFFFF10] =	vst v2  }
0x1a6: {  	[tilespmem:s17+$0xFFFFFF20] =	vst v0  }
0x1a7: {  	v0 =	vld [tilespmem:s16+$0x6410]  }
0x1a8: {  	v1 =	vld [tilespmem:s16+$0x8410];
	_ =	sdelay $0x4  }
0x1a9: {  	v2 =	vshll.u32 v0, $0x10;
	v3 =	vshll.u32 v1, $0x10  }
0x1aa: {  	v0 =	vand.u32 $0xFFFF0000, v0;
	v1 =	vand.u32 $0xFFFF0000, v1;
	v2 =	vadd.f32 v3, v2  }
0x1ab: {  	v0 =	vadd.f32 v1, v0  }
0x1ac: {  	[tilespmem:s17+$0xFFFFFF30] =	vst v2  }
0x1ad: {  	[tilespmem:s17+$0xFFFFFF40] =	vst v0  }
0x1ae: {  	v0 =	vld [tilespmem:s16+$0x6420]  }
0x1af: {  	v1 =	vld [tilespmem:s16+$0x8420];
	_ =	sdelay $0x4  }
0x1b0: {  	v2 =	vshll.u32 v0, $0x10;
	v3 =	vshll.u32 v1, $0x10  }
0x1b1: {  	v0 =	vand.u32 $0xFFFF0000, v0;
	v1 =	vand.u32 $0xFFFF0000, v1;
	v2 =	vadd.f32 v3, v2  }
0x1b2: {  	v0 =	vadd.f32 v1, v0  }
0x1b3: {  	[tilespmem:s17+$0xFFFFFF50] =	vst v2  }
0x1b4: {  	[tilespmem:s17+$0xFFFFFF60] =	vst v0  }
0x1b5: {  	v0 =	vld [tilespmem:s16+$0x6430]  }
0x1b6: {  	v1 =	vld [tilespmem:s16+$0x8430];
	_ =	sdelay $0x4  }
0x1b7: {  	v2 =	vshll.u32 v0, $0x10;
	v3 =	vshll.u32 v1, $0x10  }
0x1b8: {  	v0 =	vand.u32 $0xFFFF0000, v0;
	v1 =	vand.u32 $0xFFFF0000, v1;
	v2 =	vadd.f32 v3, v2  }
0x1b9: {  	v0 =	vadd.f32 v1, v0  }
0x1ba: {  	[tilespmem:s17+$0xFFFFFF70] =	vst v2  }
0x1bb: {  	[tilespmem:s17+$0xFFFFFF80] =	vst v0  }
0x1bc: {  	v0 =	vld [tilespmem:s16+$0x6440]  }
0x1bd: {  	v1 =	vld [tilespmem:s16+$0x8440];
	_ =	sdelay $0x4  }
0x1be: {  	v2 =	vshll.u32 v0, $0x10;
	v3 =	vshll.u32 v1, $0x10  }
0x1bf: {  	v0 =	vand.u32 $0xFFFF0000, v0;
	v1 =	vand.u32 $0xFFFF0000, v1;
	v2 =	vadd.f32 v3, v2  }
0x1c0: {  	v0 =	vadd.f32 v1, v0  }
0x1c1: {  	[tilespmem:s17+$0xFFFFFF90] =	vst v2  }
0x1c2: {  	[tilespmem:s17+$0xFFFFFFA0] =	vst v0  }
0x1c3: {  	v0 =	vld [tilespmem:s16+$0x6450]  }
0x1c4: {  	v1 =	vld [tilespmem:s16+$0x8450];
	_ =	sdelay $0x4  }
0x1c5: {  	v2 =	vshll.u32 v0, $0x10;
	v3 =	vshll.u32 v1, $0x10  }
0x1c6: {  	v0 =	vand.u32 $0xFFFF0000, v0;
	v1 =	vand.u32 $0xFFFF0000, v1;
	v2 =	vadd.f32 v3, v2  }
0x1c7: {  	v0 =	vadd.f32 v1, v0  }
0x1c8: {  	[tilespmem:s17+$0xFFFFFFB0] =	vst v2  }
0x1c9: {  	[tilespmem:s17+$0xFFFFFFC0] =	vst v0  }
0x1ca: {  	v1 =	vld [tilespmem:s16+$0x6460]  }
0x1cb: {  	s19 =	simm.s32 $0x0;
	s18 =	simm.s32 $0x124F0;
	v0 =	vld [tilespmem:s16+$0x8460]  }
.LBB2_8:
0x1cc: {  	_ =	sdelay $0x2  }
0x1cd: {  	s19 =	sadd.s32 $0x2, s19;
	s17 =	sadd.s32 $0x100, s17;
	s15 =	sadd.s32 $0x200, s15;
	v2 =	vshll.u32 v1, $0x10;
	v1 =	vand.u32 $0xFFFF0000, v1  }
0x1ce: {  	p0 =	slt.u32 s19, $0x7E;
	v3 =	vshll.u32 v0, $0x10;
	v0 =	vand.u32 $0xFFFF0000, v0  }
0x1cf: {  	v2 =	vadd.f32 v3, v2;
	v0 =	vadd.f32 v0, v1;
	_ =	sdelay $0x1  }
0x1d0: {  	[tilespmem:s18+$0xFFFFFFD0] =	vst v2  }
0x1d1: {  	[tilespmem:s18+$0xFFFFFFE0] =	vst v0  }
0x1d2: {  	v0 =	vld [tilespmem:s16+$0x6470]  }
0x1d3: {  	v1 =	vld [tilespmem:s16+$0x8470];
	_ =	sdelay $0x3  }
0x1d4: {  	v2 =	vshll.u32 v0, $0x10;
	v0 =	vand.u32 $0xFFFF0000, v0  }
0x1d5: {  	v3 =	vshll.u32 v1, $0x10;
	v1 =	vand.u32 $0xFFFF0000, v1  }
0x1d6: {  	v2 =	vadd.f32 v3, v2;
	v0 =	vadd.f32 v1, v0;
	_ =	sdelay $0x1  }
0x1d7: {  	[tilespmem:s18+$0xFFFFFFF0] =	vst v2  }
0x1d8: {  	s16 =	sshra.s32 s15, $0x2;
	[tilespmem:s18+$0x0] =	vst v0;
	s18 =	smov.u32 s17  }
0x1d9: {  	v0 =	vld [tilespmem:s16+$0x6400]  }
0x1da: {  	v1 =	vld [tilespmem:s16+$0x8400];
	_ =	sdelay $0x3  }
0x1db: {  	v2 =	vshll.u32 v0, $0x10;
	v0 =	vand.u32 $0xFFFF0000, v0  }
0x1dc: {  	v3 =	vshll.u32 v1, $0x10;
	v1 =	vand.u32 $0xFFFF0000, v1  }
0x1dd: {  	v2 =	vadd.f32 v3, v2;
	v0 =	vadd.f32 v1, v0;
	_ =	sdelay $0x1  }
0x1de: {  	[tilespmem:s17+$0xFFFFFF10] =	vst v2  }
0x1df: {  	[tilespmem:s17+$0xFFFFFF20] =	vst v0  }
0x1e0: {  	v0 =	vld [tilespmem:s16+$0x6410]  }
0x1e1: {  	v1 =	vld [tilespmem:s16+$0x8410];
	_ =	sdelay $0x3  }
0x1e2: {  	v2 =	vshll.u32 v0, $0x10;
	v0 =	vand.u32 $0xFFFF0000, v0  }
0x1e3: {  	v3 =	vshll.u32 v1, $0x10;
	v1 =	vand.u32 $0xFFFF0000, v1  }
0x1e4: {  	v2 =	vadd.f32 v3, v2;
	v0 =	vadd.f32 v1, v0;
	_ =	sdelay $0x1  }
0x1e5: {  	[tilespmem:s17+$0xFFFFFF30] =	vst v2  }
0x1e6: {  	[tilespmem:s17+$0xFFFFFF40] =	vst v0  }
0x1e7: {  	v0 =	vld [tilespmem:s16+$0x6420]  }
0x1e8: {  	v1 =	vld [tilespmem:s16+$0x8420];
	_ =	sdelay $0x3  }
0x1e9: {  	v2 =	vshll.u32 v0, $0x10;
	v0 =	vand.u32 $0xFFFF0000, v0  }
0x1ea: {  	v3 =	vshll.u32 v1, $0x10;
	v1 =	vand.u32 $0xFFFF0000, v1  }
0x1eb: {  	v2 =	vadd.f32 v3, v2;
	v0 =	vadd.f32 v1, v0;
	_ =	sdelay $0x1  }
0x1ec: {  	[tilespmem:s17+$0xFFFFFF50] =	vst v2  }
0x1ed: {  	[tilespmem:s17+$0xFFFFFF60] =	vst v0  }
0x1ee: {  	v0 =	vld [tilespmem:s16+$0x6430]  }
0x1ef: {  	v1 =	vld [tilespmem:s16+$0x8430];
	_ =	sdelay $0x3  }
0x1f0: {  	v2 =	vshll.u32 v0, $0x10;
	v0 =	vand.u32 $0xFFFF0000, v0  }
0x1f1: {  	v3 =	vshll.u32 v1, $0x10;
	v1 =	vand.u32 $0xFFFF0000, v1  }
0x1f2: {  	v2 =	vadd.f32 v3, v2;
	v0 =	vadd.f32 v1, v0;
	_ =	sdelay $0x1  }
0x1f3: {  	[tilespmem:s17+$0xFFFFFF70] =	vst v2  }
0x1f4: {  	[tilespmem:s17+$0xFFFFFF80] =	vst v0  }
0x1f5: {  	v0 =	vld [tilespmem:s16+$0x6440]  }
0x1f6: {  	v1 =	vld [tilespmem:s16+$0x8440];
	_ =	sdelay $0x3  }
0x1f7: {  	v2 =	vshll.u32 v0, $0x10;
	v0 =	vand.u32 $0xFFFF0000, v0  }
0x1f8: {  	v3 =	vshll.u32 v1, $0x10;
	v1 =	vand.u32 $0xFFFF0000, v1  }
0x1f9: {  	v2 =	vadd.f32 v3, v2;
	v0 =	vadd.f32 v1, v0;
	_ =	sdelay $0x1  }
0x1fa: {  	[tilespmem:s17+$0xFFFFFF90] =	vst v2  }
0x1fb: {  	[tilespmem:s17+$0xFFFFFFA0] =	vst v0  }
0x1fc: {  	v0 =	vld [tilespmem:s16+$0x6450]  }
0x1fd: {  	v1 =	vld [tilespmem:s16+$0x8450];
	_ =	sdelay $0x3  }
0x1fe: {  	v2 =	vshll.u32 v0, $0x10;
	v0 =	vand.u32 $0xFFFF0000, v0  }
0x1ff: {  	v3 =	vshll.u32 v1, $0x10;
	v1 =	vand.u32 $0xFFFF0000, v1  }
0x200: {  	v2 =	vadd.f32 v3, v2;
	v0 =	vadd.f32 v1, v0  }
.Ltmp3:
0x201: {  	(pc) =	sbr.rel @p0 .LBB2_8-.Ltmp3, $4  }
0x202: {  	[tilespmem:s17+$0xFFFFFFB0] =	vst v2  }
0x203: {  	[tilespmem:s17+$0xFFFFFFC0] =	vst v0  }
0x204: {  	v1 =	vld [tilespmem:s16+$0x6460]  }
0x205: {  	v0 =	vld [tilespmem:s16+$0x8460]  }
0x206: {  	_ =	sdelay $0x3  }
0x207: {  	v2 =	vshll.u32 v1, $0x10;
	v3 =	vshll.u32 v0, $0x10  }
0x208: {  	v59 =	vand.u32 $0xFFFF0000, v1;
	v60 =	vand.u32 $0xFFFF0000, v0;
	v2 =	vadd.f32 v3, v2  }
0x209: {  	v0 =	vadd.f32 v60, v59  }
0x20a: {  	[tilespmem:s18+$0xFFFFFFD0] =	vst v2  }
0x20b: {  	[tilespmem:s18+$0xFFFFFFE0] =	vst v0  }
0x20c: {  	v0 =	vld [tilespmem:s16+$0x6470]  }
0x20d: {  	v61 =	vld [tilespmem:s16+$0x8470];
	_ =	sdelay $0x4  }
0x20e: {  	v62 =	vshll.u32 v0, $0x10;
	v63 =	vshll.u32 v61, $0x10  }
0x20f: {  	v0 =	vand.u32 $0xFFFF0000, v0;
	v1 =	vand.u32 $0xFFFF0000, v61;
	v2 =	vadd.f32 v63, v62  }
0x210: {  	v0 =	vadd.f32 v1, v0  }
0x211: {  	[tilespmem:s18+$0xFFFFFFF0] =	vst v2  }
0x212: {  	s1 =	sadd.s32 $0x1, s1;
	[tilespmem:s18+$0x0] =	vst v0  }
0x213: {  	[hbm4b:s10+s2] =	stream.linear.scatter [tilespmem:s31], [sflag:$0x3], $0x4000, $0x38;
	[tilespmem:$0x16400] =	vst v63  }
0x214: {  	p0 =	sne.s32 s1, s11;
	_ =	swait.ge [sflag:s0], $0x4000  }
.Ltmp4:
0x215: {  	[sflag:s0] =	ssyncset.done $0x0;
	(pc) =	sbr.rel @p0 .LBB2_1-.Ltmp4, $4  }
0x216: {  	[sflag:s0] =	ssyncadd.s32 $0xFFFFC000  }
0x217: {  	_ =	swait.ge [sflag:s0], $0x4000  }
0x218: {  	[sflag:s0] =	ssyncset.done $0x0  }
0x219: {  	[sflag:s0] =	ssyncadd.s32 $0xFFFFC000  }
0x21a: {  	_ =	sfence.sel $0x180000  }
0x21b: {  	[bflag:$0x0] =	sbarrier.arrive $0xFFFF  }
0x21c: {  	_ =	strace $0x90000047  }
0x21d: {  	s0 =	stileid.u32;
	[bflag:$0x2] =	sbarrier.arrive $0xFFFF  }
0x21e: {  	p0 =	sne.s32 s0, $0x0;
	s0 =	rddreg [dreg:$0x2]  }
0x21f: {  	s0 =	sadd.s32 @!p0 $0x100000, s0  }
0x220: {  	[sflag:s0] =	ssyncadd.tile.s32 @!p0 $0x1;
	_ =	shalt  }
.Lfunc_end2:
_tile_overlayer_lowered:
.L_overlay_start_2:
0x221: {  	(tag) =	ssettag $0x2  }
0x222: {  	s0 =	rddreg [dreg:$0x0];
	s2 =	stileid.u32  }
0x223: {  	s1 =	rddreg [dreg:$0x1];
	p0 =	sne.s32 s2, $0x0  }
0x224: {  	s3 =	rddreg [dreg:$0x2];
	[bflag:$0x3] =	sbarrier.arrive $0xFFFF;
	s2 =	simm.s32 @!p0 $0x1C04  }
0x225: {  	[timem:s3], [sflag:s2] =	dma.local @!p0 [hbm:s0], s1  }
0x226: {  	s0 =	simm.s32 @!p0 $0x4  }
0x227: {  	_ =	swait.ge @!p0 [sflag:s0], s1  }
0x228: {  	s1 =	ssub.s32 @!p0 $0x0, s1;
	[sflag:s0] =	ssyncset.done @!p0 $0x0  }
0x229: {  	[sflag:s0] =	ssyncadd.s32 @!p0 s1  }
0x22a: {  	[bflag:$0x3] =	sbarrier.arrive $0xFFFF  }
0x22b: {  	_ =	shalt  }

</sc_bundles>
